<compile_context>
chip_gen: v7x
topology: tpu7x:2x2x1
jax: 0.10.2.dev20260603
libtpu: 0.0.44.dev20260713+nightly
codegen_flags: <defaults>
</compile_context>

<pallas_src>
import functools

import jax
import jax.numpy as jnp
from jax import lax
from jax.experimental import pallas as pl
from jax.experimental.pallas import tpu as pltpu
from jax.experimental.pallas import tpu_sc as plsc

_LANES = 128
_NW = 32

_GDN = lax.GatherDimensionNumbers(
    offset_dims=(), collapsed_slice_dims=(0,), start_index_map=(0,))


def _bcast_lane(vec, e):
    return lax.gather(vec, jnp.full((16, 1), e, jnp.int32), _GDN, (1,),
                      mode=lax.GatherScatterMode.PROMISE_IN_BOUNDS)


def _make_deg_kernel(n_chunks, npt):
    mesh = plsc.VectorSubcoreMesh(core_axis_name="c", subcore_axis_name="s")

    @functools.partial(
        pl.kernel,
        out_type=jax.ShapeDtypeStruct((2, 16, npt), jnp.float32),
        mesh=mesh,
        scratch_types=[
            pltpu.VMEM((n_chunks, _LANES), jnp.int32),
            pltpu.VMEM((n_chunks, _LANES), jnp.float32),
            pltpu.VMEM((npt,), jnp.float32),
            pltpu.VMEM_SHARED((16 * npt,), jnp.float32),
            pltpu.SemaphoreType.DMA,
        ],
    )
    def deg_kernel(col_hbm, ew_hbm, out_hbm, colv, ewv, zbuf, deg_sh, sem):
        c = lax.axis_index("c")
        s = lax.axis_index("s")
        wid = c * 16 + s

        def zero_body(i, carry):
            zbuf[pl.ds(i * 16, 16)] = jnp.zeros((16,), jnp.float32)
            return carry

        lax.fori_loop(0, npt // 16, zero_body, 0)

        pltpu.sync_copy(zbuf, deg_sh.at[pl.ds(s * npt, npt)])
        plsc.subcore_barrier()
        pltpu.sync_copy(col_hbm.at[wid], colv)
        pltpu.sync_copy(ew_hbm.at[wid], ewv)

        def body(j, carry):
            pltpu.sync_copy(ewv.at[j], deg_sh.at[colv.at[j]], add=True)
            return carry

        lax.fori_loop(0, n_chunks, body, 0)
        plsc.subcore_barrier()
        pltpu.sync_copy(deg_sh.at[pl.ds(s * npt, npt)], zbuf)
        pltpu.sync_copy(zbuf, out_hbm.at[c, s])

    return deg_kernel


_CH = 128


def _make_edge_kernel(n_pad, n_chunks):
    nps = n_pad // 16
    wb = _CH
    n_wb = nps // wb
    mesh = plsc.VectorSubcoreMesh(core_axis_name="c", subcore_axis_name="s")

    @functools.partial(
        pl.kernel,
        out_type=jax.ShapeDtypeStruct((2, 16, n_wb, wb, 128), jnp.float32),
        mesh=mesh,
        scratch_types=[
            pltpu.VMEM((2, _CH), jnp.int32),
            pltpu.VMEM((8, 16), jnp.float32),
            pltpu.VMEM((_CH, 128), jnp.float32),
            pltpu.VMEM_SHARED((n_pad, 128), jnp.float32),
            pltpu.SemaphoreType.DMA,
        ],
    )
    def edge_kernel(idx_hbm, ew_hbm, xw2_hbm, out_hbm,
                    idxv, ewv, buf, acc_sh, sem):
        c = lax.axis_index("c")
        s = lax.axis_index("s")
        wid = c * 16 + s

        def zero_body(t, carry):
            buf[t >> 3, pl.ds((t & 7) * 16, 16)] = jnp.zeros(
                (16,), jnp.float32)
            return carry

        lax.fori_loop(0, wb * 8, zero_body, 0)

        def zcopy(k, carry):
            pltpu.sync_copy(buf, acc_sh.at[pl.ds(s * nps + k * wb, wb)])
            return carry

        lax.fori_loop(0, n_wb, zcopy, 0)
        plsc.subcore_barrier()

        def chunk(j, carry):
            pltpu.sync_copy(idx_hbm.at[wid, j], idxv)
            pltpu.sync_copy(ew_hbm.at[wid, j], ewv)
            pltpu.async_copy(xw2_hbm.at[idxv.at[0]], buf, sem).wait()

            def scale(g, carry2):
                wvec = ewv[g, pl.ds(0, 16)]
                for e in range(16):
                    w = _bcast_lane(wvec, e)
                    rr = g * 16 + e
                    for f in range(8):
                        slc = pl.ds(f * 16, 16)
                        buf[rr, slc] = buf[rr, slc] * w
                return carry2

            lax.fori_loop(0, _CH // 16, scale, 0)
            pltpu.sync_copy(buf, acc_sh.at[idxv.at[1]], add=True)
            return carry

        lax.fori_loop(0, n_chunks, chunk, 0)
        plsc.subcore_barrier()

        def wback(k, carry):
            base = s * nps + k * wb
            pltpu.sync_copy(acc_sh.at[pl.ds(base, wb)], buf)
            pltpu.sync_copy(buf, out_hbm.at[c, s, k])
            return carry

        lax.fori_loop(0, n_wb, wback, 0)

    return edge_kernel


_OUTER_DN = (((0,), (0,)), ((), ()))


def _expand_rows(v_1r, width):
    ones = jnp.ones((1, width), jnp.float32)
    return lax.dot_general(v_1r, ones, _OUTER_DN,
                           preferred_element_type=jnp.float32)


def _tc_xw2_body(x_ref, w_ref, dm_ref, xw2_ref, dinv_ref):
    deg_row = dm_ref[0, 0] + dm_ref[1, 0] + 1.0
    deg = _expand_rows(deg_row, 128)
    dinv = lax.rsqrt(deg)
    xw = jnp.dot(x_ref[...], w_ref[...], preferred_element_type=jnp.float32)
    xw2_ref[...] = xw * dinv
    dinv_ref[...] = dinv


def _make_final_body(nblk, nb):
    def body(pre_ref, xw2_ref, dinv_ref, batch_ref, bin_ref,
             w1a_ref, w1b_ref, b1_ref, w2_ref, b2_ref, out_ref,
             acc_add, acc_max):
        i = pl.program_id(0)

        @pl.when(i == 0)
        def _():
            acc_add[...] = jnp.zeros_like(acc_add)
            acc_max[...] = jnp.zeros_like(acc_max)

        r = pre_ref.shape[1]
        pre = pre_ref[0] + pre_ref[1]
        h = jnp.maximum((pre + xw2_ref[...]) * dinv_ref[...] + bin_ref[...],
                        0.0)
        bv = batch_ref[0]
        mask = (jnp.broadcast_to(bv, (nb, r))
                == lax.broadcasted_iota(jnp.int32, (nb, r), 0))
        maskf = mask.astype(jnp.float32)
        acc_add[...] += jnp.dot(maskf, h,
                                preferred_element_type=jnp.float32)
        rows = []
        for bb in range(nb):
            mmat = _expand_rows(maskf[bb:bb + 1], h.shape[1])
            rows.append(jnp.max(h * mmat, axis=0, keepdims=True))
        acc_max[...] = jnp.maximum(acc_max[...],
                                   jnp.concatenate(rows, axis=0))

        @pl.when(i == nblk - 1)
        def _():
            z = jnp.dot(acc_add[...], w1a_ref[...],
                        preferred_element_type=jnp.float32)
            z += jnp.dot(acc_max[...], w1b_ref[...],
                         preferred_element_type=jnp.float32)
            z = jnp.maximum(z + b1_ref[...], 0.0)
            logits = jnp.dot(z, w2_ref[...],
                             preferred_element_type=jnp.float32) + b2_ref[...]
            m = jnp.max(logits, axis=-1, keepdims=True)
            e = jnp.exp(logits - m)
            out_ref[...] = e / jnp.sum(e, axis=-1, keepdims=True)

    return body


def kernel(x, edge_index, edge_weight, batch, W_in, b_in, W1, b1, W2, b2):
    n, d = x.shape
    h = W_in.shape[1]
    nb = 8
    cdim = W2.shape[1]
    e = edge_weight.shape[0]

    n_chunks = -(-e // (_NW * _LANES))
    ep = _NW * n_chunks * _LANES
    row = jnp.pad(edge_index[0], (0, ep - e)).reshape(_NW, n_chunks, _LANES)
    col = jnp.pad(edge_index[1], (0, ep - e)).reshape(_NW, n_chunks, _LANES)
    ew = jnp.pad(edge_weight, (0, ep - e)).reshape(_NW, n_chunks, _LANES)

    npt = -(-n // (16 * 8)) * 8
    degp = _make_deg_kernel(n_chunks, npt)(col, ew)

    r = 1000 if n % 1000 == 0 else n // 8
    nblk = n // r
    deg2 = degp.reshape(2, 16 * npt)[:, :n].reshape(2, nblk, 1, r)
    xw2, dinv = pl.pallas_call(
        _tc_xw2_body,
        grid=(nblk,),
        in_specs=[
            pl.BlockSpec((r, d), lambda i: (i, 0)),
            pl.BlockSpec((d, h), lambda i: (0, 0)),
            pl.BlockSpec((2, 1, 1, r), lambda i: (0, i, 0, 0)),
        ],
        out_specs=[
            pl.BlockSpec((r, h), lambda i: (i, 0)),
            pl.BlockSpec((r, 128), lambda i: (i, 0)),
        ],
        out_shape=[
            jax.ShapeDtypeStruct((n, h), jnp.float32),
            jax.ShapeDtypeStruct((n, 128), jnp.float32),
        ],
    )(x, W_in, deg2)

    n_pad = -(-n // (16 * _CH)) * 16 * _CH
    n_c = -(-e // (_NW * _CH))
    ep_c = _NW * n_c * _CH
    row_c = jnp.pad(edge_index[0], (0, ep_c - e)).reshape(_NW, n_c, _CH)
    col_c = jnp.pad(edge_index[1], (0, ep_c - e)).reshape(_NW, n_c, _CH)
    idx_c = jnp.stack([row_c, col_c], axis=2)
    ew_c = jnp.pad(edge_weight, (0, ep_c - e)).reshape(_NW, n_c, 8, 16)
    pre = _make_edge_kernel(n_pad, n_c)(idx_c, ew_c, xw2)
    pre = pre.reshape(2, n_pad, 128)[:, :n]

    batch_r = batch.reshape(nblk, 1, r)
    w2p = jnp.zeros((h, 128), jnp.float32).at[:, :cdim].set(W2)
    b2p = jnp.full((1, 128), -1e30, jnp.float32).at[0, :cdim].set(b2)
    out = pl.pallas_call(
        _make_final_body(nblk, nb),
        grid=(nblk,),
        in_specs=[
            pl.BlockSpec((2, r, h), lambda i: (0, i, 0)),
            pl.BlockSpec((r, h), lambda i: (i, 0)),
            pl.BlockSpec((r, 128), lambda i: (i, 0)),
            pl.BlockSpec((1, 1, r), lambda i: (i, 0, 0)),
            pl.BlockSpec((1, h), lambda i: (0, 0)),
            pl.BlockSpec((h, h), lambda i: (0, 0)),
            pl.BlockSpec((h, h), lambda i: (0, 0)),
            pl.BlockSpec((1, h), lambda i: (0, 0)),
            pl.BlockSpec((h, 128), lambda i: (0, 0)),
            pl.BlockSpec((1, 128), lambda i: (0, 0)),
        ],
        out_specs=pl.BlockSpec((nb, 128), lambda i: (0, 0)),
        out_shape=jax.ShapeDtypeStruct((nb, 128), jnp.float32),
        scratch_shapes=[
            pltpu.VMEM((nb, h), jnp.float32),
            pltpu.VMEM((nb, h), jnp.float32),
        ],
        compiler_params=pltpu.CompilerParams(
            dimension_semantics=("arbitrary",)),
    )(pre, xw2, dinv, batch_r, b_in.reshape(1, h),
      W1[:h], W1[h:], b1.reshape(1, h), w2p, b2p)

    return out[:, :cdim]

# --- scband reference (transcript-rebuilt; emitter-appended) ---
"""Pipeline reference for scband-kplex-pool-69569880260838 (READ-ONLY COPY).

The authoritative reference and input builder live on the scoring server;
editing this copy changes nothing except your own understanding.
"""

import jax, jax.numpy as jnp
import numpy as np

N = 10000
E = 320000
D = 128
H = 128
C = 10
B = 8


def setup_inputs(seed: int = 0) -> dict:
    key = jax.random.key(seed)
    ks = jax.random.split(key, 12)
    x = jax.random.normal(ks[0], (N, D), dtype=jnp.float32)
    edge_index = jax.random.randint(ks[1], (2, E), 0, N, dtype=jnp.int32)
    edge_weight = jax.random.uniform(ks[2], (E,), dtype=jnp.float32)
    batch = jnp.sort(jax.random.randint(ks[3], (N,), 0, B, dtype=jnp.int32))
    # learned parameters
    W_in = jax.random.normal(ks[4], (D, H), dtype=jnp.float32) * 0.05
    b_in = jnp.zeros((H,), dtype=jnp.float32)
    W1 = jax.random.normal(ks[5], (2 * H, H), dtype=jnp.float32) * 0.05
    b1 = jnp.zeros((H,), dtype=jnp.float32)
    W2 = jax.random.normal(ks[6], (H, C), dtype=jnp.float32) * 0.05
    b2 = jnp.zeros((C,), dtype=jnp.float32)
    return {"x": x, "edge_index": edge_index, "edge_weight": edge_weight,
            "batch": batch, "W_in": W_in, "b_in": b_in,
            "W1": W1, "b1": b1, "W2": W2, "b2": b2}


def _gcn_conv(x, edge_index, edge_weight, W, b):
    # PyG GCNConv with edge weights: add self-loops (weight 1),
    # symmetric normalization, message = norm * (x @ W)[src], aggregate at dst.
    n = x.shape[0]
    row = edge_index[0]  # source j
    col = edge_index[1]  # target i
    loop = jnp.arange(n, dtype=row.dtype)
    row = jnp.concatenate([row, loop])
    col = jnp.concatenate([col, loop])
    ew = jnp.concatenate([edge_weight, jnp.ones((n,), dtype=edge_weight.dtype)])
    deg = jax.ops.segment_sum(ew, col, num_segments=n)
    dinv = jnp.where(deg > 0, jax.lax.rsqrt(jnp.maximum(deg, 1e-12)), 0.0)
    norm = dinv[row] * ew * dinv[col]
    xw = x @ W
    msgs = norm[:, None] * jnp.take(xw, row, axis=0)
    out = jax.ops.segment_sum(msgs, col, num_segments=n)
    return out + b


def _segment_max0(data, seg, num_segments):
    m = jax.ops.segment_max(data, seg, num_segments=num_segments)
    return jnp.where(jnp.isfinite(m), m, 0.0)


def reference(x, edge_index, edge_weight, batch, W_in, b_in, W1, b1, W2, b2):
    # num_layers=1: no k-plex pooling blocks are executed; forward is
    # conv_in -> relu -> [global_add_pool, global_max_pool] -> lin1 -> relu -> lin2 -> softmax
    h = jax.nn.relu(_gcn_conv(x, edge_index, edge_weight, W_in, b_in))
    x_add = jax.ops.segment_sum(h, batch, num_segments=B)
    x_max = _segment_max0(h, batch, B)
    feats = jnp.concatenate([x_add, x_max], axis=1)  # [B, 2H]
    z = jax.nn.relu(feats @ W1 + b1)
    # dropout p=0.3 is identity in eval mode
    logits = z @ W2 + b2
    return jax.nn.softmax(logits, axis=-1)

if __name__ == "__main__":
    import jax
    _d = setup_inputs()
    print(jax.jit(kernel)(*tuple(_d.values())))

</pallas_src>

<mosaic_0001>
#map = affine_map<(d0, d1) -> (0, 0, 0)>
module attributes {stable_mosaic.version = 14 : i64} {
  func.func @deg_kernel(%arg0: i32, %arg1: i32, %arg2: memref<32x79x128xi32, #tpu.memory_space<hbm>>, %arg3: memref<32x79x128xf32, #tpu.memory_space<hbm>>, %arg4: memref<2x16x632xf32, #tpu.memory_space<hbm>>, %arg5: memref<79x128xi32, #tpu.memory_space<vmem>>, %arg6: memref<79x128xf32, #tpu.memory_space<vmem>>, %arg7: memref<632xf32, #tpu.memory_space<vmem>>, %arg8: memref<10112xf32, #tpu.memory_space<vmem_shared>>, %arg9: memref<!tpu.dma_semaphore, #tpu.memory_space<semaphore_mem>>) attributes {dimension_semantics = [#tpu.dimension_semantics<core_parallel>, #tpu.dimension_semantics<subcore_parallel>], iteration_bounds = array<i64: 2, 16>, scalar_prefetch = 0 : i64, scratch_operands = 5 : i64, tpu.core_type = #tpu.core_type<sc_vector_subcore>, window_params = [{transform_indices = #map}, {transform_indices = #map}, {transform_indices = #map}]} {
    %mul3A = arith.constant 16 : i32
    %mul3A_0 = arith.muli %arg0, %mul3A : i32
    %add3A = arith.addi %mul3A_0, %arg1 : i32
    %scan3A = arith.constant 0 : i32
    %scan3A_1 = arith.constant 0 : i32
    %scan3A_2 = arith.constant 39 : i32
    %scan3A_3 = arith.addi %scan3A_1, %scan3A_2 : i32
    %scan3A_4 = arith.constant 1 : i32
    scf.for %scan3A_17 = %scan3A_1 to %scan3A_3 step %scan3A_4  : i32 {
      %broadcast_in_dim3A = arith.constant 0.000000e+00 : f32
      %broadcast_in_dim3A_18 = vector.broadcast %broadcast_in_dim3A : f32 to vector<16xf32>
      %mul3A_19 = arith.constant 16 : i32
      %mul3A_20 = arith.muli %scan3A_17, %mul3A_19 : i32
      %swap3A = arith.index_cast %mul3A_20 : i32 to index
      %swap3A_21 = tpu.vector_load %arg7[%swap3A] {strides = array<i32>} : memref<632xf32, #tpu.memory_space<vmem>>, vector<16xf32>,
      %swap3A_22 = vector.shape_cast %swap3A_21 : vector<16xf32> to vector<16xf32>
      %swap3A_23 = vector.shape_cast %broadcast_in_dim3A_18 : vector<16xf32> to vector<16xf32>
      tpu.vector_store %arg7[%swap3A], %swap3A_23 {strides = array<i32>} : memref<632xf32, #tpu.memory_space<vmem>>, vector<16xf32>,
    }
    %scan3A_5 = arith.constant 39 : i32
    %mul3A_6 = arith.constant 632 : i32
    %mul3A_7 = arith.muli %arg1, %mul3A_6 : i32
    "tpu.region"() ({
      %run_scoped3A = tpu.sem_alloc : memref<!tpu.dma_semaphore, #tpu.memory_space<semaphore_mem>>
      %dma_start3A = tpu.memref_slice %arg8[%mul3A_7] : memref<10112xf32, #tpu.memory_space<vmem_shared>> -> memref<632xf32, #tpu.memory_space<vmem_shared>>
      %dma_start3A_17 = tpu.memref_slice %arg8[%mul3A_7] : memref<10112xf32, #tpu.memory_space<vmem_shared>> -> memref<632xf32, #tpu.memory_space<vmem_shared>>
      tpu.enqueue_dma source(%arg7 : memref<632xf32, #tpu.memory_space<vmem>>) target(%dma_start3A_17 : memref<632xf32, #tpu.memory_space<vmem_shared>>) target_semaphore(%run_scoped3A : memref<!tpu.dma_semaphore, #tpu.memory_space<semaphore_mem>>)
      %dma_wait3A = tpu.memref_slice %arg8[%mul3A_7] : memref<10112xf32, #tpu.memory_space<vmem_shared>> -> memref<632xf32, #tpu.memory_space<vmem_shared>>
      %dma_wait3A_18 = tpu.memref_slice %arg8[%mul3A_7] : memref<10112xf32, #tpu.memory_space<vmem_shared>> -> memref<632xf32, #tpu.memory_space<vmem_shared>>
      tpu.wait_dma2 semaphore(%run_scoped3A : memref<!tpu.dma_semaphore, #tpu.memory_space<semaphore_mem>>) src(%arg7 : memref<632xf32, #tpu.memory_space<vmem>>) dst(%dma_wait3A_18 : memref<632xf32, #tpu.memory_space<vmem_shared>>)
      tpu.yield
    }) : () -> ()
    %barrier3A = arith.constant 0 : index
    tpu.barrier barrier_id(%barrier3A)
    "tpu.region"() ({
      %run_scoped3A = tpu.sem_alloc : memref<!tpu.dma_semaphore, #tpu.memory_space<semaphore_mem>>
      %dma_start3A = arith.constant 0 : i32
      %dma_start3A_17 = arith.constant 0 : i32
      %dma_start3A_18 = tpu.memref_slice %arg2[%add3A, %dma_start3A, %dma_start3A_17] : memref<32x79x128xi32, #tpu.memory_space<hbm>> -> memref<1x79x128xi32, #tpu.memory_space<hbm>>
      %dma_start3A_19 = tpu.memref_squeeze %dma_start3A_18 : memref<1x79x128xi32, #tpu.memory_space<hbm>> -> memref<79x128xi32, #tpu.memory_space<hbm>>
      %dma_start3A_20 = arith.constant 0 : i32
      %dma_start3A_21 = arith.constant 0 : i32
      %dma_start3A_22 = tpu.memref_slice %arg2[%add3A, %dma_start3A_20, %dma_start3A_21] : memref<32x79x128xi32, #tpu.memory_space<hbm>> -> memref<1x79x128xi32, #tpu.memory_space<hbm>>
      %dma_start3A_23 = tpu.memref_squeeze %dma_start3A_22 : memref<1x79x128xi32, #tpu.memory_space<hbm>> -> memref<79x128xi32, #tpu.memory_space<hbm>>
      tpu.enqueue_dma source(%dma_start3A_23 : memref<79x128xi32, #tpu.memory_space<hbm>>) target(%arg5 : memref<79x128xi32, #tpu.memory_space<vmem>>) target_semaphore(%run_scoped3A : memref<!tpu.dma_semaphore, #tpu.memory_space<semaphore_mem>>)
      %dma_wait3A = arith.constant 0 : i32
      %dma_wait3A_24 = arith.constant 0 : i32
      %dma_wait3A_25 = tpu.memref_slice %arg2[%add3A, %dma_wait3A, %dma_wait3A_24] : memref<32x79x128xi32, #tpu.memory_space<hbm>> -> memref<1x79x128xi32, #tpu.memory_space<hbm>>
      %dma_wait3A_26 = tpu.memref_squeeze %dma_wait3A_25 : memref<1x79x128xi32, #tpu.memory_space<hbm>> -> memref<79x128xi32, #tpu.memory_space<hbm>>
      %dma_wait3A_27 = arith.constant 0 : i32
      %dma_wait3A_28 = arith.constant 0 : i32
      %dma_wait3A_29 = tpu.memref_slice %arg2[%add3A, %dma_wait3A_27, %dma_wait3A_28] : memref<32x79x128xi32, #tpu.memory_space<hbm>> -> memref<1x79x128xi32, #tpu.memory_space<hbm>>
      %dma_wait3A_30 = tpu.memref_squeeze %dma_wait3A_29 : memref<1x79x128xi32, #tpu.memory_space<hbm>> -> memref<79x128xi32, #tpu.memory_space<hbm>>
      tpu.wait_dma2 semaphore(%run_scoped3A : memref<!tpu.dma_semaphore, #tpu.memory_space<semaphore_mem>>) src(%dma_wait3A_30 : memref<79x128xi32, #tpu.memory_space<hbm>>) dst(%arg5 : memref<79x128xi32, #tpu.memory_space<vmem>>)
      tpu.yield
    }) : () -> ()
    "tpu.region"() ({
      %run_scoped3A = tpu.sem_alloc : memref<!tpu.dma_semaphore, #tpu.memory_space<semaphore_mem>>
      %dma_start3A = arith.constant 0 : i32
      %dma_start3A_17 = arith.constant 0 : i32
      %dma_start3A_18 = tpu.memref_slice %arg3[%add3A, %dma_start3A, %dma_start3A_17] : memref<32x79x128xf32, #tpu.memory_space<hbm>> -> memref<1x79x128xf32, #tpu.memory_space<hbm>>
      %dma_start3A_19 = tpu.memref_squeeze %dma_start3A_18 : memref<1x79x128xf32, #tpu.memory_space<hbm>> -> memref<79x128xf32, #tpu.memory_space<hbm>>
      %dma_start3A_20 = arith.constant 0 : i32
      %dma_start3A_21 = arith.constant 0 : i32
      %dma_start3A_22 = tpu.memref_slice %arg3[%add3A, %dma_start3A_20, %dma_start3A_21] : memref<32x79x128xf32, #tpu.memory_space<hbm>> -> memref<1x79x128xf32, #tpu.memory_space<hbm>>
      %dma_start3A_23 = tpu.memref_squeeze %dma_start3A_22 : memref<1x79x128xf32, #tpu.memory_space<hbm>> -> memref<79x128xf32, #tpu.memory_space<hbm>>
      tpu.enqueue_dma source(%dma_start3A_23 : memref<79x128xf32, #tpu.memory_space<hbm>>) target(%arg6 : memref<79x128xf32, #tpu.memory_space<vmem>>) target_semaphore(%run_scoped3A : memref<!tpu.dma_semaphore, #tpu.memory_space<semaphore_mem>>)
      %dma_wait3A = arith.constant 0 : i32
      %dma_wait3A_24 = arith.constant 0 : i32
      %dma_wait3A_25 = tpu.memref_slice %arg3[%add3A, %dma_wait3A, %dma_wait3A_24] : memref<32x79x128xf32, #tpu.memory_space<hbm>> -> memref<1x79x128xf32, #tpu.memory_space<hbm>>
      %dma_wait3A_26 = tpu.memref_squeeze %dma_wait3A_25 : memref<1x79x128xf32, #tpu.memory_space<hbm>> -> memref<79x128xf32, #tpu.memory_space<hbm>>
      %dma_wait3A_27 = arith.constant 0 : i32
      %dma_wait3A_28 = arith.constant 0 : i32
      %dma_wait3A_29 = tpu.memref_slice %arg3[%add3A, %dma_wait3A_27, %dma_wait3A_28] : memref<32x79x128xf32, #tpu.memory_space<hbm>> -> memref<1x79x128xf32, #tpu.memory_space<hbm>>
      %dma_wait3A_30 = tpu.memref_squeeze %dma_wait3A_29 : memref<1x79x128xf32, #tpu.memory_space<hbm>> -> memref<79x128xf32, #tpu.memory_space<hbm>>
      tpu.wait_dma2 semaphore(%run_scoped3A : memref<!tpu.dma_semaphore, #tpu.memory_space<semaphore_mem>>) src(%dma_wait3A_30 : memref<79x128xf32, #tpu.memory_space<hbm>>) dst(%arg6 : memref<79x128xf32, #tpu.memory_space<vmem>>)
      tpu.yield
    }) : () -> ()
    %scan3A_8 = arith.constant 0 : i32
    %scan3A_9 = arith.constant 0 : i32
    %scan3A_10 = arith.constant 79 : i32
    %scan3A_11 = arith.addi %scan3A_9, %scan3A_10 : i32
    %scan3A_12 = arith.constant 1 : i32
    scf.for %scan3A_17 = %scan3A_9 to %scan3A_11 step %scan3A_12  : i32 {
      "tpu.region"() ({
        %run_scoped3A = tpu.sem_alloc : memref<!tpu.dma_semaphore, #tpu.memory_space<semaphore_mem>>
        %dma_start3A = arith.constant 0 : i32
        %dma_start3A_18 = tpu.memref_slice %arg6[%scan3A_17, %dma_start3A] : memref<79x128xf32, #tpu.memory_space<vmem>> -> memref<1x128xf32, #tpu.memory_space<vmem>>
        %dma_start3A_19 = tpu.memref_squeeze %dma_start3A_18 : memref<1x128xf32, #tpu.memory_space<vmem>> -> memref<128xf32, #tpu.memory_space<vmem>>
        %dma_start3A_20 = arith.constant 0 : i32
        %dma_start3A_21 = tpu.memref_slice %arg5[%scan3A_17, %dma_start3A_20] : memref<79x128xi32, #tpu.memory_space<vmem>> -> memref<1x128xi32, #tpu.memory_space<vmem>>
        %dma_start3A_22 = tpu.memref_squeeze %dma_start3A_21 : memref<1x128xi32, #tpu.memory_space<vmem>> -> memref<128xi32, #tpu.memory_space<vmem>>
        %dma_start3A_23 = arith.constant 0 : i32
        %dma_start3A_24 = tpu.memref_slice %arg8[%dma_start3A_23] : memref<10112xf32, #tpu.memory_space<vmem_shared>> -> memref<10112xf32, #tpu.memory_space<vmem_shared>>
        tpu.enqueue_indirect_dma source(%dma_start3A_19 : memref<128xf32, #tpu.memory_space<vmem>>) target(%dma_start3A_24 : memref<10112xf32, #tpu.memory_space<vmem_shared>>) offsets(%dma_start3A_22 : memref<128xi32, #tpu.memory_space<vmem>>) semaphore(%run_scoped3A : memref<!tpu.dma_semaphore, #tpu.memory_space<semaphore_mem>>) {add = true}
        %dma_wait3A = arith.constant 0 : i32
        %dma_wait3A_25 = tpu.memref_slice %arg6[%scan3A_17, %dma_wait3A] : memref<79x128xf32, #tpu.memory_space<vmem>> -> memref<1x128xf32, #tpu.memory_space<vmem>>
        %dma_wait3A_26 = tpu.memref_squeeze %dma_wait3A_25 : memref<1x128xf32, #tpu.memory_space<vmem>> -> memref<128xf32, #tpu.memory_space<vmem>>
        %dma_wait3A_27 = arith.constant 0 : i32
        %dma_wait3A_28 = tpu.memref_slice %arg5[%scan3A_17, %dma_wait3A_27] : memref<79x128xi32, #tpu.memory_space<vmem>> -> memref<1x128xi32, #tpu.memory_space<vmem>>
        %dma_wait3A_29 = tpu.memref_squeeze %dma_wait3A_28 : memref<1x128xi32, #tpu.memory_space<vmem>> -> memref<128xi32, #tpu.memory_space<vmem>>
        %dma_wait3A_30 = arith.constant 0 : i32
        %dma_wait3A_31 = tpu.memref_slice %arg8[%dma_wait3A_30] : memref<10112xf32, #tpu.memory_space<vmem_shared>> -> memref<10112xf32, #tpu.memory_space<vmem_shared>>
        tpu.wait_indirect_dma semaphore(%run_scoped3A : memref<!tpu.dma_semaphore, #tpu.memory_space<semaphore_mem>>) src(%dma_wait3A_26 : memref<128xf32, #tpu.memory_space<vmem>>) dst(%dma_wait3A_31 : memref<10112xf32, #tpu.memory_space<vmem_shared>>)
        tpu.yield
      }) : () -> ()
    }
    %scan3A_13 = arith.constant 79 : i32
    %barrier3A_14 = arith.constant 0 : index
    tpu.barrier barrier_id(%barrier3A_14)
    %mul3A_15 = arith.constant 632 : i32
    %mul3A_16 = arith.muli %arg1, %mul3A_15 : i32
    "tpu.region"() ({
      %run_scoped3A = tpu.sem_alloc : memref<!tpu.dma_semaphore, #tpu.memory_space<semaphore_mem>>
      %dma_start3A = tpu.memref_slice %arg8[%mul3A_16] : memref<10112xf32, #tpu.memory_space<vmem_shared>> -> memref<632xf32, #tpu.memory_space<vmem_shared>>
      %dma_start3A_17 = tpu.memref_slice %arg8[%mul3A_16] : memref<10112xf32, #tpu.memory_space<vmem_shared>> -> memref<632xf32, #tpu.memory_space<vmem_shared>>
      tpu.enqueue_dma source(%dma_start3A_17 : memref<632xf32, #tpu.memory_space<vmem_shared>>) target(%arg7 : memref<632xf32, #tpu.memory_space<vmem>>) target_semaphore(%run_scoped3A : memref<!tpu.dma_semaphore, #tpu.memory_space<semaphore_mem>>)
      %dma_wait3A = tpu.memref_slice %arg8[%mul3A_16] : memref<10112xf32, #tpu.memory_space<vmem_shared>> -> memref<632xf32, #tpu.memory_space<vmem_shared>>
      %dma_wait3A_18 = tpu.memref_slice %arg8[%mul3A_16] : memref<10112xf32, #tpu.memory_space<vmem_shared>> -> memref<632xf32, #tpu.memory_space<vmem_shared>>
      tpu.wait_dma2 semaphore(%run_scoped3A : memref<!tpu.dma_semaphore, #tpu.memory_space<semaphore_mem>>) src(%dma_wait3A_18 : memref<632xf32, #tpu.memory_space<vmem_shared>>) dst(%arg7 : memref<632xf32, #tpu.memory_space<vmem>>)
      tpu.yield
    }) : () -> ()
    "tpu.region"() ({
      %run_scoped3A = tpu.sem_alloc : memref<!tpu.dma_semaphore, #tpu.memory_space<semaphore_mem>>
      %dma_start3A = arith.constant 0 : i32
      %dma_start3A_17 = tpu.memref_slice %arg4[%arg0, %arg1, %dma_start3A] : memref<2x16x632xf32, #tpu.memory_space<hbm>> -> memref<1x1x632xf32, #tpu.memory_space<hbm>>
      %dma_start3A_18 = tpu.memref_squeeze %dma_start3A_17 : memref<1x1x632xf32, #tpu.memory_space<hbm>> -> memref<632xf32, #tpu.memory_space<hbm>>
      %dma_start3A_19 = arith.constant 0 : i32
      %dma_start3A_20 = tpu.memref_slice %arg4[%arg0, %arg1, %dma_start3A_19] : memref<2x16x632xf32, #tpu.memory_space<hbm>> -> memref<1x1x632xf32, #tpu.memory_space<hbm>>
      %dma_start3A_21 = tpu.memref_squeeze %dma_start3A_20 : memref<1x1x632xf32, #tpu.memory_space<hbm>> -> memref<632xf32, #tpu.memory_space<hbm>>
      tpu.enqueue_dma source(%arg7 : memref<632xf32, #tpu.memory_space<vmem>>) target(%dma_start3A_21 : memref<632xf32, #tpu.memory_space<hbm>>) target_semaphore(%run_scoped3A : memref<!tpu.dma_semaphore, #tpu.memory_space<semaphore_mem>>)
      %dma_wait3A = arith.constant 0 : i32
      %dma_wait3A_22 = tpu.memref_slice %arg4[%arg0, %arg1, %dma_wait3A] : memref<2x16x632xf32, #tpu.memory_space<hbm>> -> memref<1x1x632xf32, #tpu.memory_space<hbm>>
      %dma_wait3A_23 = tpu.memref_squeeze %dma_wait3A_22 : memref<1x1x632xf32, #tpu.memory_space<hbm>> -> memref<632xf32, #tpu.memory_space<hbm>>
      %dma_wait3A_24 = arith.constant 0 : i32
      %dma_wait3A_25 = tpu.memref_slice %arg4[%arg0, %arg1, %dma_wait3A_24] : memref<2x16x632xf32, #tpu.memory_space<hbm>> -> memref<1x1x632xf32, #tpu.memory_space<hbm>>
      %dma_wait3A_26 = tpu.memref_squeeze %dma_wait3A_25 : memref<1x1x632xf32, #tpu.memory_space<hbm>> -> memref<632xf32, #tpu.memory_space<hbm>>
      tpu.wait_dma2 semaphore(%run_scoped3A : memref<!tpu.dma_semaphore, #tpu.memory_space<semaphore_mem>>) src(%arg7 : memref<632xf32, #tpu.memory_space<vmem>>) dst(%dma_wait3A_26 : memref<632xf32, #tpu.memory_space<hbm>>)
      tpu.yield
    }) : () -> ()
    return
  }
}

#map = affine_map<(d0, d1) -> (0, 0, 0, 0)>
#map1 = affine_map<(d0, d1) -> (0, 0)>
#map2 = affine_map<(d0, d1) -> (0, 0, 0, 0, 0)>
module attributes {stable_mosaic.version = 14 : i64} {
  func.func @edge_kernel(%arg0: i32, %arg1: i32, %arg2: memref<32x79x2x128xi32, #tpu.memory_space<hbm>>, %arg3: memref<32x79x8x16xf32, #tpu.memory_space<hbm>>, %arg4: memref<10000x128xf32, #tpu.memory_space<hbm>>, %arg5: memref<2x16x5x128x128xf32, #tpu.memory_space<hbm>>, %arg6: memref<2x128xi32, #tpu.memory_space<vmem>>, %arg7: memref<8x16xf32, #tpu.memory_space<vmem>>, %arg8: memref<128x128xf32, #tpu.memory_space<vmem>>, %arg9: memref<10240x128xf32, #tpu.memory_space<vmem_shared>>, %arg10: memref<!tpu.dma_semaphore, #tpu.memory_space<semaphore_mem>>) attributes {dimension_semantics = [#tpu.dimension_semantics<core_parallel>, #tpu.dimension_semantics<subcore_parallel>], iteration_bounds = array<i64: 2, 16>, scalar_prefetch = 0 : i64, scratch_operands = 5 : i64, tpu.core_type = #tpu.core_type<sc_vector_subcore>, window_params = [{transform_indices = #map}, {transform_indices = #map}, {transform_indices = #map1}, {transform_indices = #map2}]} {
    %mul3A = arith.constant 16 : i32
    %mul3A_0 = arith.muli %arg0, %mul3A : i32
    %add3A = arith.addi %mul3A_0, %arg1 : i32
    %scan3A = arith.constant 0 : i32
    %scan3A_1 = arith.constant 0 : i32
    %scan3A_2 = arith.constant 1024 : i32
    %scan3A_3 = arith.addi %scan3A_1, %scan3A_2 : i32
    %scan3A_4 = arith.constant 1 : i32
    scf.for %scan3A_25 = %scan3A_1 to %scan3A_3 step %scan3A_4  : i32 {
      %broadcast_in_dim3A = arith.constant 0.000000e+00 : f32
      %broadcast_in_dim3A_26 = vector.broadcast %broadcast_in_dim3A : f32 to vector<16xf32>
      %shift_right_arithmetic3A = arith.constant 3 : i32
      %shift_right_arithmetic3A_27 = arith.shrsi %scan3A_25, %shift_right_arithmetic3A : i32
      %and3A = arith.constant 7 : i32
      %and3A_28 = arith.andi %scan3A_25, %and3A : i32
      %mul3A_29 = arith.constant 16 : i32
      %mul3A_30 = arith.muli %and3A_28, %mul3A_29 : i32
      %swap3A = arith.index_cast %shift_right_arithmetic3A_27 : i32 to index
      %swap3A_31 = arith.index_cast %mul3A_30 : i32 to index
      %swap3A_32 = tpu.vector_load %arg8[%swap3A, %swap3A_31] {strides = array<i32>} : memref<128x128xf32, #tpu.memory_space<vmem>>, vector<1x16xf32>,
      %swap3A_33 = vector.shape_cast %swap3A_32 : vector<1x16xf32> to vector<16xf32>
      %swap3A_34 = vector.shape_cast %broadcast_in_dim3A_26 : vector<16xf32> to vector<1x16xf32>
      tpu.vector_store %arg8[%swap3A, %swap3A_31], %swap3A_34 {strides = array<i32>} : memref<128x128xf32, #tpu.memory_space<vmem>>, vector<1x16xf32>,
    }
    %scan3A_5 = arith.constant 1024 : i32
    %scan3A_6 = arith.constant 0 : i32
    %scan3A_7 = arith.constant 0 : i32
    %scan3A_8 = arith.constant 5 : i32
    %scan3A_9 = arith.addi %scan3A_7, %scan3A_8 : i32
    %scan3A_10 = arith.constant 1 : i32
    scf.for %scan3A_25 = %scan3A_7 to %scan3A_9 step %scan3A_10  : i32 {
      %mul3A_26 = arith.constant 640 : i32
      %mul3A_27 = arith.muli %arg1, %mul3A_26 : i32
      %mul3A_28 = arith.constant 128 : i32
      %mul3A_29 = arith.muli %scan3A_25, %mul3A_28 : i32
      %add3A_30 = arith.addi %mul3A_27, %mul3A_29 : i32
      "tpu.region"() ({
        %run_scoped3A = tpu.sem_alloc : memref<!tpu.dma_semaphore, #tpu.memory_space<semaphore_mem>>
        %dma_start3A = arith.constant 0 : i32
        %dma_start3A_31 = tpu.memref_slice %arg9[%add3A_30, %dma_start3A] : memref<10240x128xf32, #tpu.memory_space<vmem_shared>> -> memref<128x128xf32, #tpu.memory_space<vmem_shared>>
        %dma_start3A_32 = arith.constant 0 : i32
        %dma_start3A_33 = tpu.memref_slice %arg9[%add3A_30, %dma_start3A_32] : memref<10240x128xf32, #tpu.memory_space<vmem_shared>> -> memref<128x128xf32, #tpu.memory_space<vmem_shared>>
        tpu.enqueue_dma source(%arg8 : memref<128x128xf32, #tpu.memory_space<vmem>>) target(%dma_start3A_33 : memref<128x128xf32, #tpu.memory_space<vmem_shared>>) target_semaphore(%run_scoped3A : memref<!tpu.dma_semaphore, #tpu.memory_space<semaphore_mem>>)
        %dma_wait3A = arith.constant 0 : i32
        %dma_wait3A_34 = tpu.memref_slice %arg9[%add3A_30, %dma_wait3A] : memref<10240x128xf32, #tpu.memory_space<vmem_shared>> -> memref<128x128xf32, #tpu.memory_space<vmem_shared>>
        %dma_wait3A_35 = arith.constant 0 : i32
        %dma_wait3A_36 = tpu.memref_slice %arg9[%add3A_30, %dma_wait3A_35] : memref<10240x128xf32, #tpu.memory_space<vmem_shared>> -> memref<128x128xf32, #tpu.memory_space<vmem_shared>>
        tpu.wait_dma2 semaphore(%run_scoped3A : memref<!tpu.dma_semaphore, #tpu.memory_space<semaphore_mem>>) src(%arg8 : memref<128x128xf32, #tpu.memory_space<vmem>>) dst(%dma_wait3A_36 : memref<128x128xf32, #tpu.memory_space<vmem_shared>>)
        tpu.yield
      }) : () -> ()
    }
    %scan3A_11 = arith.constant 5 : i32
    %barrier3A = arith.constant 0 : index
    tpu.barrier barrier_id(%barrier3A)
    %scan3A_12 = arith.constant 0 : i32
    %scan3A_13 = arith.constant 0 : i32
    %scan3A_14 = arith.constant 79 : i32
    %scan3A_15 = arith.addi %scan3A_13, %scan3A_14 : i32
    %scan3A_16 = arith.constant 1 : i32
    scf.for %scan3A_25 = %scan3A_13 to %scan3A_15 step %scan3A_16  : i32 {
      "tpu.region"() ({
        %run_scoped3A_44 = tpu.sem_alloc : memref<!tpu.dma_semaphore, #tpu.memory_space<semaphore_mem>>
        %dma_start3A_45 = arith.constant 0 : i32
        %dma_start3A_46 = arith.constant 0 : i32
        %dma_start3A_47 = tpu.memref_slice %arg2[%add3A, %scan3A_25, %dma_start3A_45, %dma_start3A_46] : memref<32x79x2x128xi32, #tpu.memory_space<hbm>> -> memref<1x1x2x128xi32, #tpu.memory_space<hbm>>
        %dma_start3A_48 = tpu.memref_squeeze %dma_start3A_47 : memref<1x1x2x128xi32, #tpu.memory_space<hbm>> -> memref<2x128xi32, #tpu.memory_space<hbm>>
        %dma_start3A_49 = arith.constant 0 : i32
        %dma_start3A_50 = arith.constant 0 : i32
        %dma_start3A_51 = tpu.memref_slice %arg2[%add3A, %scan3A_25, %dma_start3A_49, %dma_start3A_50] : memref<32x79x2x128xi32, #tpu.memory_space<hbm>> -> memref<1x1x2x128xi32, #tpu.memory_space<hbm>>
        %dma_start3A_52 = tpu.memref_squeeze %dma_start3A_51 : memref<1x1x2x128xi32, #tpu.memory_space<hbm>> -> memref<2x128xi32, #tpu.memory_space<hbm>>
        tpu.enqueue_dma source(%dma_start3A_52 : memref<2x128xi32, #tpu.memory_space<hbm>>) target(%arg6 : memref<2x128xi32, #tpu.memory_space<vmem>>) target_semaphore(%run_scoped3A_44 : memref<!tpu.dma_semaphore, #tpu.memory_space<semaphore_mem>>)
        %dma_wait3A_53 = arith.constant 0 : i32
        %dma_wait3A_54 = arith.constant 0 : i32
        %dma_wait3A_55 = tpu.memref_slice %arg2[%add3A, %scan3A_25, %dma_wait3A_53, %dma_wait3A_54] : memref<32x79x2x128xi32, #tpu.memory_space<hbm>> -> memref<1x1x2x128xi32, #tpu.memory_space<hbm>>
        %dma_wait3A_56 = tpu.memref_squeeze %dma_wait3A_55 : memref<1x1x2x128xi32, #tpu.memory_space<hbm>> -> memref<2x128xi32, #tpu.memory_space<hbm>>
        %dma_wait3A_57 = arith.constant 0 : i32
        %dma_wait3A_58 = arith.constant 0 : i32
        %dma_wait3A_59 = tpu.memref_slice %arg2[%add3A, %scan3A_25, %dma_wait3A_57, %dma_wait3A_58] : memref<32x79x2x128xi32, #tpu.memory_space<hbm>> -> memref<1x1x2x128xi32, #tpu.memory_space<hbm>>
        %dma_wait3A_60 = tpu.memref_squeeze %dma_wait3A_59 : memref<1x1x2x128xi32, #tpu.memory_space<hbm>> -> memref<2x128xi32, #tpu.memory_space<hbm>>
        tpu.wait_dma2 semaphore(%run_scoped3A_44 : memref<!tpu.dma_semaphore, #tpu.memory_space<semaphore_mem>>) src(%dma_wait3A_60 : memref<2x128xi32, #tpu.memory_space<hbm>>) dst(%arg6 : memref<2x128xi32, #tpu.memory_space<vmem>>)
        tpu.yield
      }) : () -> ()
      "tpu.region"() ({
        %run_scoped3A_44 = tpu.sem_alloc : memref<!tpu.dma_semaphore, #tpu.memory_space<semaphore_mem>>
        %dma_start3A_45 = arith.constant 0 : i32
        %dma_start3A_46 = arith.constant 0 : i32
        %dma_start3A_47 = tpu.memref_slice %arg3[%add3A, %scan3A_25, %dma_start3A_45, %dma_start3A_46] : memref<32x79x8x16xf32, #tpu.memory_space<hbm>> -> memref<1x1x8x16xf32, #tpu.memory_space<hbm>>
        %dma_start3A_48 = tpu.memref_squeeze %dma_start3A_47 : memref<1x1x8x16xf32, #tpu.memory_space<hbm>> -> memref<8x16xf32, #tpu.memory_space<hbm>>
        %dma_start3A_49 = arith.constant 0 : i32
        %dma_start3A_50 = arith.constant 0 : i32
        %dma_start3A_51 = tpu.memref_slice %arg3[%add3A, %scan3A_25, %dma_start3A_49, %dma_start3A_50] : memref<32x79x8x16xf32, #tpu.memory_space<hbm>> -> memref<1x1x8x16xf32, #tpu.memory_space<hbm>>
        %dma_start3A_52 = tpu.memref_squeeze %dma_start3A_51 : memref<1x1x8x16xf32, #tpu.memory_space<hbm>> -> memref<8x16xf32, #tpu.memory_space<hbm>>
        tpu.enqueue_dma source(%dma_start3A_52 : memref<8x16xf32, #tpu.memory_space<hbm>>) target(%arg7 : memref<8x16xf32, #tpu.memory_space<vmem>>) target_semaphore(%run_scoped3A_44 : memref<!tpu.dma_semaphore, #tpu.memory_space<semaphore_mem>>)
        %dma_wait3A_53 = arith.constant 0 : i32
        %dma_wait3A_54 = arith.constant 0 : i32
        %dma_wait3A_55 = tpu.memref_slice %arg3[%add3A, %scan3A_25, %dma_wait3A_53, %dma_wait3A_54] : memref<32x79x8x16xf32, #tpu.memory_space<hbm>> -> memref<1x1x8x16xf32, #tpu.memory_space<hbm>>
        %dma_wait3A_56 = tpu.memref_squeeze %dma_wait3A_55 : memref<1x1x8x16xf32, #tpu.memory_space<hbm>> -> memref<8x16xf32, #tpu.memory_space<hbm>>
        %dma_wait3A_57 = arith.constant 0 : i32
        %dma_wait3A_58 = arith.constant 0 : i32
        %dma_wait3A_59 = tpu.memref_slice %arg3[%add3A, %scan3A_25, %dma_wait3A_57, %dma_wait3A_58] : memref<32x79x8x16xf32, #tpu.memory_space<hbm>> -> memref<1x1x8x16xf32, #tpu.memory_space<hbm>>
        %dma_wait3A_60 = tpu.memref_squeeze %dma_wait3A_59 : memref<1x1x8x16xf32, #tpu.memory_space<hbm>> -> memref<8x16xf32, #tpu.memory_space<hbm>>
        tpu.wait_dma2 semaphore(%run_scoped3A_44 : memref<!tpu.dma_semaphore, #tpu.memory_space<semaphore_mem>>) src(%dma_wait3A_60 : memref<8x16xf32, #tpu.memory_space<hbm>>) dst(%arg7 : memref<8x16xf32, #tpu.memory_space<vmem>>)
        tpu.yield
      }) : () -> ()
      %dma_start3A = arith.constant 0 : i32
      %dma_start3A_26 = arith.constant 0 : i32
      %dma_start3A_27 = tpu.memref_slice %arg6[%dma_start3A, %dma_start3A_26] : memref<2x128xi32, #tpu.memory_space<vmem>> -> memref<1x128xi32, #tpu.memory_space<vmem>>
      %dma_start3A_28 = tpu.memref_squeeze %dma_start3A_27 : memref<1x128xi32, #tpu.memory_space<vmem>> -> memref<128xi32, #tpu.memory_space<vmem>>
      %dma_start3A_29 = arith.constant 0 : i32
      %dma_start3A_30 = arith.constant 0 : i32
      %dma_start3A_31 = tpu.memref_slice %arg4[%dma_start3A_29, %dma_start3A_30] : memref<10000x128xf32, #tpu.memory_space<hbm>> -> memref<10000x128xf32, #tpu.memory_space<hbm>>
      tpu.enqueue_indirect_dma source(%dma_start3A_31 : memref<10000x128xf32, #tpu.memory_space<hbm>>) target(%arg8 : memref<128x128xf32, #tpu.memory_space<vmem>>) offsets(%dma_start3A_28 : memref<128xi32, #tpu.memory_space<vmem>>) semaphore(%arg10 : memref<!tpu.dma_semaphore, #tpu.memory_space<semaphore_mem>>)
      %dma_wait3A = arith.constant 0 : i32
      %dma_wait3A_32 = arith.constant 0 : i32
      %dma_wait3A_33 = tpu.memref_slice %arg6[%dma_wait3A, %dma_wait3A_32] : memref<2x128xi32, #tpu.memory_space<vmem>> -> memref<1x128xi32, #tpu.memory_space<vmem>>
      %dma_wait3A_34 = tpu.memref_squeeze %dma_wait3A_33 : memref<1x128xi32, #tpu.memory_space<vmem>> -> memref<128xi32, #tpu.memory_space<vmem>>
      %dma_wait3A_35 = arith.constant 0 : i32
      %dma_wait3A_36 = arith.constant 0 : i32
      %dma_wait3A_37 = tpu.memref_slice %arg4[%dma_wait3A_35, %dma_wait3A_36] : memref<10000x128xf32, #tpu.memory_space<hbm>> -> memref<10000x128xf32, #tpu.memory_space<hbm>>
      tpu.wait_indirect_dma semaphore(%arg10 : memref<!tpu.dma_semaphore, #tpu.memory_space<semaphore_mem>>) src(%dma_wait3A_37 : memref<10000x128xf32, #tpu.memory_space<hbm>>) dst(%arg8 : memref<128x128xf32, #tpu.memory_space<vmem>>)
      %scan3A_38 = arith.constant 0 : i32
      %scan3A_39 = arith.constant 0 : i32
      %scan3A_40 = arith.constant 8 : i32
      %scan3A_41 = arith.addi %scan3A_39, %scan3A_40 : i32
      %scan3A_42 = arith.constant 1 : i32
      scf.for %scan3A_44 = %scan3A_39 to %scan3A_41 step %scan3A_42  : i32 {
        %get3A = arith.index_cast %scan3A_44 : i32 to index
        %get3A_45 = arith.constant 0 : index
        %get3A_46 = tpu.vector_load %arg7[%get3A, %get3A_45] {strides = array<i32>} : memref<8x16xf32, #tpu.memory_space<vmem>>, vector<1x16xf32>,
        %get3A_47 = vector.shape_cast %get3A_46 : vector<1x16xf32> to vector<16xf32>
        %broadcast_in_dim3A = arith.constant 0 : i32
        %broadcast_in_dim3A_48 = vector.broadcast %broadcast_in_dim3A : i32 to vector<16x1xi32>
        %gather3A = vector.shape_cast %broadcast_in_dim3A_48 : vector<16x1xi32> to vector<16xi32>
        %gather3A_49 = tpu.dynamic_gather %get3A_47[%gather3A] in [0] : vector<16xf32>, vector<16xi32> -> vector<16xf32>
        %mul3A_50 = arith.constant 16 : i32
        %mul3A_51 = arith.muli %scan3A_44, %mul3A_50 : i32
        %add3A_52 = arith.constant 0 : i32
        %add3A_53 = arith.addi %mul3A_51, %add3A_52 : i32
        %get3A_54 = arith.index_cast %add3A_53 : i32 to index
        %get3A_55 = arith.constant 0 : index
        %get3A_56 = tpu.vector_load %arg8[%get3A_54, %get3A_55] {strides = array<i32>} : memref<128x128xf32, #tpu.memory_space<vmem>>, vector<1x16xf32>,
        %get3A_57 = vector.shape_cast %get3A_56 : vector<1x16xf32> to vector<16xf32>
        %mul3A_58 = arith.mulf %get3A_57, %gather3A_49 : vector<16xf32>
        %swap3A = arith.index_cast %add3A_53 : i32 to index
        %swap3A_59 = arith.constant 0 : index
        %swap3A_60 = tpu.vector_load %arg8[%swap3A, %swap3A_59] {strides = array<i32>} : memref<128x128xf32, #tpu.memory_space<vmem>>, vector<1x16xf32>,
        %swap3A_61 = vector.shape_cast %swap3A_60 : vector<1x16xf32> to vector<16xf32>
        %swap3A_62 = vector.shape_cast %mul3A_58 : vector<16xf32> to vector<1x16xf32>
        tpu.vector_store %arg8[%swap3A, %swap3A_59], %swap3A_62 {strides = array<i32>} : memref<128x128xf32, #tpu.memory_space<vmem>>, vector<1x16xf32>,
        %get3A_63 = arith.index_cast %add3A_53 : i32 to index
        %get3A_64 = arith.constant 16 : index
        %get3A_65 = tpu.vector_load %arg8[%get3A_63, %get3A_64] {strides = array<i32>} : memref<128x128xf32, #tpu.memory_space<vmem>>, vector<1x16xf32>,
        %get3A_66 = vector.shape_cast %get3A_65 : vector<1x16xf32> to vector<16xf32>
        %mul3A_67 = arith.mulf %get3A_66, %gather3A_49 : vector<16xf32>
        %swap3A_68 = arith.index_cast %add3A_53 : i32 to index
        %swap3A_69 = arith.constant 16 : index
        %swap3A_70 = tpu.vector_load %arg8[%swap3A_68, %swap3A_69] {strides = array<i32>} : memref<128x128xf32, #tpu.memory_space<vmem>>, vector<1x16xf32>,
        %swap3A_71 = vector.shape_cast %swap3A_70 : vector<1x16xf32> to vector<16xf32>
        %swap3A_72 = vector.shape_cast %mul3A_67 : vector<16xf32> to vector<1x16xf32>
        tpu.vector_store %arg8[%swap3A_68, %swap3A_69], %swap3A_72 {strides = array<i32>} : memref<128x128xf32, #tpu.memory_space<vmem>>, vector<1x16xf32>,
        %get3A_73 = arith.index_cast %add3A_53 : i32 to index
        %get3A_74 = arith.constant 32 : index
        %get3A_75 = tpu.vector_load %arg8[%get3A_73, %get3A_74] {strides = array<i32>} : memref<128x128xf32, #tpu.memory_space<vmem>>, vector<1x16xf32>,
        %get3A_76 = vector.shape_cast %get3A_75 : vector<1x16xf32> to vector<16xf32>
        %mul3A_77 = arith.mulf %get3A_76, %gather3A_49 : vector<16xf32>
        %swap3A_78 = arith.index_cast %add3A_53 : i32 to index
        %swap3A_79 = arith.constant 32 : index
        %swap3A_80 = tpu.vector_load %arg8[%swap3A_78, %swap3A_79] {strides = array<i32>} : memref<128x128xf32, #tpu.memory_space<vmem>>, vector<1x16xf32>,
        %swap3A_81 = vector.shape_cast %swap3A_80 : vector<1x16xf32> to vector<16xf32>
        %swap3A_82 = vector.shape_cast %mul3A_77 : vector<16xf32> to vector<1x16xf32>
        tpu.vector_store %arg8[%swap3A_78, %swap3A_79], %swap3A_82 {strides = array<i32>} : memref<128x128xf32, #tpu.memory_space<vmem>>, vector<1x16xf32>,
        %get3A_83 = arith.index_cast %add3A_53 : i32 to index
        %get3A_84 = arith.constant 48 : index
        %get3A_85 = tpu.vector_load %arg8[%get3A_83, %get3A_84] {strides = array<i32>} : memref<128x128xf32, #tpu.memory_space<vmem>>, vector<1x16xf32>,
        %get3A_86 = vector.shape_cast %get3A_85 : vector<1x16xf32> to vector<16xf32>
        %mul3A_87 = arith.mulf %get3A_86, %gather3A_49 : vector<16xf32>
        %swap3A_88 = arith.index_cast %add3A_53 : i32 to index
        %swap3A_89 = arith.constant 48 : index
        %swap3A_90 = tpu.vector_load %arg8[%swap3A_88, %swap3A_89] {strides = array<i32>} : memref<128x128xf32, #tpu.memory_space<vmem>>, vector<1x16xf32>,
        %swap3A_91 = vector.shape_cast %swap3A_90 : vector<1x16xf32> to vector<16xf32>
        %swap3A_92 = vector.shape_cast %mul3A_87 : vector<16xf32> to vector<1x16xf32>
        tpu.vector_store %arg8[%swap3A_88, %swap3A_89], %swap3A_92 {strides = array<i32>} : memref<128x128xf32, #tpu.memory_space<vmem>>, vector<1x16xf32>,
        %get3A_93 = arith.index_cast %add3A_53 : i32 to index
        %get3A_94 = arith.constant 64 : index
        %get3A_95 = tpu.vector_load %arg8[%get3A_93, %get3A_94] {strides = array<i32>} : memref<128x128xf32, #tpu.memory_space<vmem>>, vector<1x16xf32>,
        %get3A_96 = vector.shape_cast %get3A_95 : vector<1x16xf32> to vector<16xf32>
        %mul3A_97 = arith.mulf %get3A_96, %gather3A_49 : vector<16xf32>
        %swap3A_98 = arith.index_cast %add3A_53 : i32 to index
        %swap3A_99 = arith.constant 64 : index
        %swap3A_100 = tpu.vector_load %arg8[%swap3A_98, %swap3A_99] {strides = array<i32>} : memref<128x128xf32, #tpu.memory_space<vmem>>, vector<1x16xf32>,
        %swap3A_101 = vector.shape_cast %swap3A_100 : vector<1x16xf32> to vector<16xf32>
        %swap3A_102 = vector.shape_cast %mul3A_97 : vector<16xf32> to vector<1x16xf32>
        tpu.vector_store %arg8[%swap3A_98, %swap3A_99], %swap3A_102 {strides = array<i32>} : memref<128x128xf32, #tpu.memory_space<vmem>>, vector<1x16xf32>,
        %get3A_103 = arith.index_cast %add3A_53 : i32 to index
        %get3A_104 = arith.constant 80 : index
        %get3A_105 = tpu.vector_load %arg8[%get3A_103, %get3A_104] {strides = array<i32>} : memref<128x128xf32, #tpu.memory_space<vmem>>, vector<1x16xf32>,
        %get3A_106 = vector.shape_cast %get3A_105 : vector<1x16xf32> to vector<16xf32>
        %mul3A_107 = arith.mulf %get3A_106, %gather3A_49 : vector<16xf32>
        %swap3A_108 = arith.index_cast %add3A_53 : i32 to index
        %swap3A_109 = arith.constant 80 : index
        %swap3A_110 = tpu.vector_load %arg8[%swap3A_108, %swap3A_109] {strides = array<i32>} : memref<128x128xf32, #tpu.memory_space<vmem>>, vector<1x16xf32>,
        %swap3A_111 = vector.shape_cast %swap3A_110 : vector<1x16xf32> to vector<16xf32>
        %swap3A_112 = vector.shape_cast %mul3A_107 : vector<16xf32> to vector<1x16xf32>
        tpu.vector_store %arg8[%swap3A_108, %swap3A_109], %swap3A_112 {strides = array<i32>} : memref<128x128xf32, #tpu.memory_space<vmem>>, vector<1x16xf32>,
        %get3A_113 = arith.index_cast %add3A_53 : i32 to index
        %get3A_114 = arith.constant 96 : index
        %get3A_115 = tpu.vector_load %arg8[%get3A_113, %get3A_114] {strides = array<i32>} : memref<128x128xf32, #tpu.memory_space<vmem>>, vector<1x16xf32>,
        %get3A_116 = vector.shape_cast %get3A_115 : vector<1x16xf32> to vector<16xf32>
        %mul3A_117 = arith.mulf %get3A_116, %gather3A_49 : vector<16xf32>
        %swap3A_118 = arith.index_cast %add3A_53 : i32 to index
        %swap3A_119 = arith.constant 96 : index
        %swap3A_120 = tpu.vector_load %arg8[%swap3A_118, %swap3A_119] {strides = array<i32>} : memref<128x128xf32, #tpu.memory_space<vmem>>, vector<1x16xf32>,
        %swap3A_121 = vector.shape_cast %swap3A_120 : vector<1x16xf32> to vector<16xf32>
        %swap3A_122 = vector.shape_cast %mul3A_117 : vector<16xf32> to vector<1x16xf32>
        tpu.vector_store %arg8[%swap3A_118, %swap3A_119], %swap3A_122 {strides = array<i32>} : memref<128x128xf32, #tpu.memory_space<vmem>>, vector<1x16xf32>,
        %get3A_123 = arith.index_cast %add3A_53 : i32 to index
        %get3A_124 = arith.constant 112 : index
        %get3A_125 = tpu.vector_load %arg8[%get3A_123, %get3A_124] {strides = array<i32>} : memref<128x128xf32, #tpu.memory_space<vmem>>, vector<1x16xf32>,
        %get3A_126 = vector.shape_cast %get3A_125 : vector<1x16xf32> to vector<16xf32>
        %mul3A_127 = arith.mulf %get3A_126, %gather3A_49 : vector<16xf32>
        %swap3A_128 = arith.index_cast %add3A_53 : i32 to index
        %swap3A_129 = arith.constant 112 : index
        %swap3A_130 = tpu.vector_load %arg8[%swap3A_128, %swap3A_129] {strides = array<i32>} : memref<128x128xf32, #tpu.memory_space<vmem>>, vector<1x16xf32>,
        %swap3A_131 = vector.shape_cast %swap3A_130 : vector<1x16xf32> to vector<16xf32>
        %swap3A_132 = vector.shape_cast %mul3A_127 : vector<16xf32> to vector<1x16xf32>
        tpu.vector_store %arg8[%swap3A_128, %swap3A_129], %swap3A_132 {strides = array<i32>} : memref<128x128xf32, #tpu.memory_space<vmem>>, vector<1x16xf32>,
        %broadcast_in_dim3A_133 = arith.constant 1 : i32
        %broadcast_in_dim3A_134 = vector.broadcast %broadcast_in_dim3A_133 : i32 to vector<16x1xi32>
        %gather3A_135 = vector.shape_cast %broadcast_in_dim3A_134 : vector<16x1xi32> to vector<16xi32>
        %gather3A_136 = tpu.dynamic_gather %get3A_47[%gather3A_135] in [0] : vector<16xf32>, vector<16xi32> -> vector<16xf32>
        %mul3A_137 = arith.constant 16 : i32
        %mul3A_138 = arith.muli %scan3A_44, %mul3A_137 : i32
        %add3A_139 = arith.constant 1 : i32
        %add3A_140 = arith.addi %mul3A_138, %add3A_139 : i32
        %get3A_141 = arith.index_cast %add3A_140 : i32 to index
        %get3A_142 = arith.constant 0 : index
        %get3A_143 = tpu.vector_load %arg8[%get3A_141, %get3A_142] {strides = array<i32>} : memref<128x128xf32, #tpu.memory_space<vmem>>, vector<1x16xf32>,
        %get3A_144 = vector.shape_cast %get3A_143 : vector<1x16xf32> to vector<16xf32>
        %mul3A_145 = arith.mulf %get3A_144, %gather3A_136 : vector<16xf32>
        %swap3A_146 = arith.index_cast %add3A_140 : i32 to index
        %swap3A_147 = arith.constant 0 : index
        %swap3A_148 = tpu.vector_load %arg8[%swap3A_146, %swap3A_147] {strides = array<i32>} : memref<128x128xf32, #tpu.memory_space<vmem>>, vector<1x16xf32>,
        %swap3A_149 = vector.shape_cast %swap3A_148 : vector<1x16xf32> to vector<16xf32>
        %swap3A_150 = vector.shape_cast %mul3A_145 : vector<16xf32> to vector<1x16xf32>
        tpu.vector_store %arg8[%swap3A_146, %swap3A_147], %swap3A_150 {strides = array<i32>} : memref<128x128xf32, #tpu.memory_space<vmem>>, vector<1x16xf32>,
        %get3A_151 = arith.index_cast %add3A_140 : i32 to index
        %get3A_152 = arith.constant 16 : index
        %get3A_153 = tpu.vector_load %arg8[%get3A_151, %get3A_152] {strides = array<i32>} : memref<128x128xf32, #tpu.memory_space<vmem>>, vector<1x16xf32>,
        %get3A_154 = vector.shape_cast %get3A_153 : vector<1x16xf32> to vector<16xf32>
        %mul3A_155 = arith.mulf %get3A_154, %gather3A_136 : vector<16xf32>
        %swap3A_156 = arith.index_cast %add3A_140 : i32 to index
        %swap3A_157 = arith.constant 16 : index
        %swap3A_158 = tpu.vector_load %arg8[%swap3A_156, %swap3A_157] {strides = array<i32>} : memref<128x128xf32, #tpu.memory_space<vmem>>, vector<1x16xf32>,
        %swap3A_159 = vector.shape_cast %swap3A_158 : vector<1x16xf32> to vector<16xf32>
        %swap3A_160 = vector.shape_cast %mul3A_155 : vector<16xf32> to vector<1x16xf32>
        tpu.vector_store %arg8[%swap3A_156, %swap3A_157], %swap3A_160 {strides = array<i32>} : memref<128x128xf32, #tpu.memory_space<vmem>>, vector<1x16xf32>,
        %get3A_161 = arith.index_cast %add3A_140 : i32 to index
        %get3A_162 = arith.constant 32 : index
        %get3A_163 = tpu.vector_load %arg8[%get3A_161, %get3A_162] {strides = array<i32>} : memref<128x128xf32, #tpu.memory_space<vmem>>, vector<1x16xf32>,
        %get3A_164 = vector.shape_cast %get3A_163 : vector<1x16xf32> to vector<16xf32>
        %mul3A_165 = arith.mulf %get3A_164, %gather3A_136 : vector<16xf32>
        %swap3A_166 = arith.index_cast %add3A_140 : i32 to index
        %swap3A_167 = arith.constant 32 : index
        %swap3A_168 = tpu.vector_load %arg8[%swap3A_166, %swap3A_167] {strides = array<i32>} : memref<128x128xf32, #tpu.memory_space<vmem>>, vector<1x16xf32>,
        %swap3A_169 = vector.shape_cast %swap3A_168 : vector<1x16xf32> to vector<16xf32>
        %swap3A_170 = vector.shape_cast %mul3A_165 : vector<16xf32> to vector<1x16xf32>
        tpu.vector_store %arg8[%swap3A_166, %swap3A_167], %swap3A_170 {strides = array<i32>} : memref<128x128xf32, #tpu.memory_space<vmem>>, vector<1x16xf32>,
        %get3A_171 = arith.index_cast %add3A_140 : i32 to index
        %get3A_172 = arith.constant 48 : index
        %get3A_173 = tpu.vector_load %arg8[%get3A_171, %get3A_172] {strides = array<i32>} : memref<128x128xf32, #tpu.memory_space<vmem>>, vector<1x16xf32>,
        %get3A_174 = vector.shape_cast %get3A_173 : vector<1x16xf32> to vector<16xf32>
        %mul3A_175 = arith.mulf %get3A_174, %gather3A_136 : vector<16xf32>
        %swap3A_176 = arith.index_cast %add3A_140 : i32 to index
        %swap3A_177 = arith.constant 48 : index
        %swap3A_178 = tpu.vector_load %arg8[%swap3A_176, %swap3A_177] {strides = array<i32>} : memref<128x128xf32, #tpu.memory_space<vmem>>, vector<1x16xf32>,
        %swap3A_179 = vector.shape_cast %swap3A_178 : vector<1x16xf32> to vector<16xf32>
        %swap3A_180 = vector.shape_cast %mul3A_175 : vector<16xf32> to vector<1x16xf32>
        tpu.vector_store %arg8[%swap3A_176, %swap3A_177], %swap3A_180 {strides = array<i32>} : memref<128x128xf32, #tpu.memory_space<vmem>>, vector<1x16xf32>,
        %get3A_181 = arith.index_cast %add3A_140 : i32 to index
        %get3A_182 = arith.constant 64 : index
        %get3A_183 = tpu.vector_load %arg8[%get3A_181, %get3A_182] {strides = array<i32>} : memref<128x128xf32, #tpu.memory_space<vmem>>, vector<1x16xf32>,
        %get3A_184 = vector.shape_cast %get3A_183 : vector<1x16xf32> to vector<16xf32>
        %mul3A_185 = arith.mulf %get3A_184, %gather3A_136 : vector<16xf32>
        %swap3A_186 = arith.index_cast %add3A_140 : i32 to index
        %swap3A_187 = arith.constant 64 : index
        %swap3A_188 = tpu.vector_load %arg8[%swap3A_186, %swap3A_187] {strides = array<i32>} : memref<128x128xf32, #tpu.memory_space<vmem>>, vector<1x16xf32>,
        %swap3A_189 = vector.shape_cast %swap3A_188 : vector<1x16xf32> to vector<16xf32>
        %swap3A_190 = vector.shape_cast %mul3A_185 : vector<16xf32> to vector<1x16xf32>
        tpu.vector_store %arg8[%swap3A_186, %swap3A_187], %swap3A_190 {strides = array<i32>} : memref<128x128xf32, #tpu.memory_space<vmem>>, vector<1x16xf32>,
        %get3A_191 = arith.index_cast %add3A_140 : i32 to index
        %get3A_192 = arith.constant 80 : index
        %get3A_193 = tpu.vector_load %arg8[%get3A_191, %get3A_192] {strides = array<i32>} : memref<128x128xf32, #tpu.memory_space<vmem>>, vector<1x16xf32>,
        %get3A_194 = vector.shape_cast %get3A_193 : vector<1x16xf32> to vector<16xf32>
        %mul3A_195 = arith.mulf %get3A_194, %gather3A_136 : vector<16xf32>
        %swap3A_196 = arith.index_cast %add3A_140 : i32 to index
        %swap3A_197 = arith.constant 80 : index
        %swap3A_198 = tpu.vector_load %arg8[%swap3A_196, %swap3A_197] {strides = array<i32>} : memref<128x128xf32, #tpu.memory_space<vmem>>, vector<1x16xf32>,
        %swap3A_199 = vector.shape_cast %swap3A_198 : vector<1x16xf32> to vector<16xf32>
        %swap3A_200 = vector.shape_cast %mul3A_195 : vector<16xf32> to vector<1x16xf32>
        tpu.vector_store %arg8[%swap3A_196, %swap3A_197], %swap3A_200 {strides = array<i32>} : memref<128x128xf32, #tpu.memory_space<vmem>>, vector<1x16xf32>,
        %get3A_201 = arith.index_cast %add3A_140 : i32 to index
        %get3A_202 = arith.constant 96 : index
        %get3A_203 = tpu.vector_load %arg8[%get3A_201, %get3A_202] {strides = array<i32>} : memref<128x128xf32, #tpu.memory_space<vmem>>, vector<1x16xf32>,
        %get3A_204 = vector.shape_cast %get3A_203 : vector<1x16xf32> to vector<16xf32>
        %mul3A_205 = arith.mulf %get3A_204, %gather3A_136 : vector<16xf32>
        %swap3A_206 = arith.index_cast %add3A_140 : i32 to index
        %swap3A_207 = arith.constant 96 : index
        %swap3A_208 = tpu.vector_load %arg8[%swap3A_206, %swap3A_207] {strides = array<i32>} : memref<128x128xf32, #tpu.memory_space<vmem>>, vector<1x16xf32>,
        %swap3A_209 = vector.shape_cast %swap3A_208 : vector<1x16xf32> to vector<16xf32>
        %swap3A_210 = vector.shape_cast %mul3A_205 : vector<16xf32> to vector<1x16xf32>
        tpu.vector_store %arg8[%swap3A_206, %swap3A_207], %swap3A_210 {strides = array<i32>} : memref<128x128xf32, #tpu.memory_space<vmem>>, vector<1x16xf32>,
        %get3A_211 = arith.index_cast %add3A_140 : i32 to index
        %get3A_212 = arith.constant 112 : index
        %get3A_213 = tpu.vector_load %arg8[%get3A_211, %get3A_212] {strides = array<i32>} : memref<128x128xf32, #tpu.memory_space<vmem>>, vector<1x16xf32>,
        %get3A_214 = vector.shape_cast %get3A_213 : vector<1x16xf32> to vector<16xf32>
        %mul3A_215 = arith.mulf %get3A_214, %gather3A_136 : vector<16xf32>
        %swap3A_216 = arith.index_cast %add3A_140 : i32 to index
        %swap3A_217 = arith.constant 112 : index
        %swap3A_218 = tpu.vector_load %arg8[%swap3A_216, %swap3A_217] {strides = array<i32>} : memref<128x128xf32, #tpu.memory_space<vmem>>, vector<1x16xf32>,
        %swap3A_219 = vector.shape_cast %swap3A_218 : vector<1x16xf32> to vector<16xf32>
        %swap3A_220 = vector.shape_cast %mul3A_215 : vector<16xf32> to vector<1x16xf32>
        tpu.vector_store %arg8[%swap3A_216, %swap3A_217], %swap3A_220 {strides = array<i32>} : memref<128x128xf32, #tpu.memory_space<vmem>>, vector<1x16xf32>,
        %broadcast_in_dim3A_221 = arith.constant 2 : i32
        %broadcast_in_dim3A_222 = vector.broadcast %broadcast_in_dim3A_221 : i32 to vector<16x1xi32>
        %gather3A_223 = vector.shape_cast %broadcast_in_dim3A_222 : vector<16x1xi32> to vector<16xi32>
        %gather3A_224 = tpu.dynamic_gather %get3A_47[%gather3A_223] in [0] : vector<16xf32>, vector<16xi32> -> vector<16xf32>
        %mul3A_225 = arith.constant 16 : i32
        %mul3A_226 = arith.muli %scan3A_44, %mul3A_225 : i32
        %add3A_227 = arith.constant 2 : i32
        %add3A_228 = arith.addi %mul3A_226, %add3A_227 : i32
        %get3A_229 = arith.index_cast %add3A_228 : i32 to index
        %get3A_230 = arith.constant 0 : index
        %get3A_231 = tpu.vector_load %arg8[%get3A_229, %get3A_230] {strides = array<i32>} : memref<128x128xf32, #tpu.memory_space<vmem>>, vector<1x16xf32>,
        %get3A_232 = vector.shape_cast %get3A_231 : vector<1x16xf32> to vector<16xf32>
        %mul3A_233 = arith.mulf %get3A_232, %gather3A_224 : vector<16xf32>
        %swap3A_234 = arith.index_cast %add3A_228 : i32 to index
        %swap3A_235 = arith.constant 0 : index
        %swap3A_236 = tpu.vector_load %arg8[%swap3A_234, %swap3A_235] {strides = array<i32>} : memref<128x128xf32, #tpu.memory_space<vmem>>, vector<1x16xf32>,
        %swap3A_237 = vector.shape_cast %swap3A_236 : vector<1x16xf32> to vector<16xf32>
        %swap3A_238 = vector.shape_cast %mul3A_233 : vector<16xf32> to vector<1x16xf32>
        tpu.vector_store %arg8[%swap3A_234, %swap3A_235], %swap3A_238 {strides = array<i32>} : memref<128x128xf32, #tpu.memory_space<vmem>>, vector<1x16xf32>,
        %get3A_239 = arith.index_cast %add3A_228 : i32 to index
        %get3A_240 = arith.constant 16 : index
        %get3A_241 = tpu.vector_load %arg8[%get3A_239, %get3A_240] {strides = array<i32>} : memref<128x128xf32, #tpu.memory_space<vmem>>, vector<1x16xf32>,
        %get3A_242 = vector.shape_cast %get3A_241 : vector<1x16xf32> to vector<16xf32>
        %mul3A_243 = arith.mulf %get3A_242, %gather3A_224 : vector<16xf32>
        %swap3A_244 = arith.index_cast %add3A_228 : i32 to index
        %swap3A_245 = arith.constant 16 : index
        %swap3A_246 = tpu.vector_load %arg8[%swap3A_244, %swap3A_245] {strides = array<i32>} : memref<128x128xf32, #tpu.memory_space<vmem>>, vector<1x16xf32>,
        %swap3A_247 = vector.shape_cast %swap3A_246 : vector<1x16xf32> to vector<16xf32>
        %swap3A_248 = vector.shape_cast %mul3A_243 : vector<16xf32> to vector<1x16xf32>
        tpu.vector_store %arg8[%swap3A_244, %swap3A_245], %swap3A_248 {strides = array<i32>} : memref<128x128xf32, #tpu.memory_space<vmem>>, vector<1x16xf32>,
        %get3A_249 = arith.index_cast %add3A_228 : i32 to index
        %get3A_250 = arith.constant 32 : index
        %get3A_251 = tpu.vector_load %arg8[%get3A_249, %get3A_250] {strides = array<i32>} : memref<128x128xf32, #tpu.memory_space<vmem>>, vector<1x16xf32>,
        %get3A_252 = vector.shape_cast %get3A_251 : vector<1x16xf32> to vector<16xf32>
        %mul3A_253 = arith.mulf %get3A_252, %gather3A_224 : vector<16xf32>
        %swap3A_254 = arith.index_cast %add3A_228 : i32 to index
        %swap3A_255 = arith.constant 32 : index
        %swap3A_256 = tpu.vector_load %arg8[%swap3A_254, %swap3A_255] {strides = array<i32>} : memref<128x128xf32, #tpu.memory_space<vmem>>, vector<1x16xf32>,
        %swap3A_257 = vector.shape_cast %swap3A_256 : vector<1x16xf32> to vector<16xf32>
        %swap3A_258 = vector.shape_cast %mul3A_253 : vector<16xf32> to vector<1x16xf32>
        tpu.vector_store %arg8[%swap3A_254, %swap3A_255], %swap3A_258 {strides = array<i32>} : memref<128x128xf32, #tpu.memory_space<vmem>>, vector<1x16xf32>,
        %get3A_259 = arith.index_cast %add3A_228 : i32 to index
        %get3A_260 = arith.constant 48 : index
        %get3A_261 = tpu.vector_load %arg8[%get3A_259, %get3A_260] {strides = array<i32>} : memref<128x128xf32, #tpu.memory_space<vmem>>, vector<1x16xf32>,
        %get3A_262 = vector.shape_cast %get3A_261 : vector<1x16xf32> to vector<16xf32>
        %mul3A_263 = arith.mulf %get3A_262, %gather3A_224 : vector<16xf32>
        %swap3A_264 = arith.index_cast %add3A_228 : i32 to index
        %swap3A_265 = arith.constant 48 : index
        %swap3A_266 = tpu.vector_load %arg8[%swap3A_264, %swap3A_265] {strides = array<i32>} : memref<128x128xf32, #tpu.memory_space<vmem>>, vector<1x16xf32>,
        %swap3A_267 = vector.shape_cast %swap3A_266 : vector<1x16xf32> to vector<16xf32>
        %swap3A_268 = vector.shape_cast %mul3A_263 : vector<16xf32> to vector<1x16xf32>
        tpu.vector_store %arg8[%swap3A_264, %swap3A_265], %swap3A_268 {strides = array<i32>} : memref<128x128xf32, #tpu.memory_space<vmem>>, vector<1x16xf32>,
        %get3A_269 = arith.index_cast %add3A_228 : i32 to index
        %get3A_270 = arith.constant 64 : index
        %get3A_271 = tpu.vector_load %arg8[%get3A_269, %get3A_270] {strides = array<i32>} : memref<128x128xf32, #tpu.memory_space<vmem>>, vector<1x16xf32>,
        %get3A_272 = vector.shape_cast %get3A_271 : vector<1x16xf32> to vector<16xf32>
        %mul3A_273 = arith.mulf %get3A_272, %gather3A_224 : vector<16xf32>
        %swap3A_274 = arith.index_cast %add3A_228 : i32 to index
        %swap3A_275 = arith.constant 64 : index
        %swap3A_276 = tpu.vector_load %arg8[%swap3A_274, %swap3A_275] {strides = array<i32>} : memref<128x128xf32, #tpu.memory_space<vmem>>, vector<1x16xf32>,
        %swap3A_277 = vector.shape_cast %swap3A_276 : vector<1x16xf32> to vector<16xf32>
        %swap3A_278 = vector.shape_cast %mul3A_273 : vector<16xf32> to vector<1x16xf32>
        tpu.vector_store %arg8[%swap3A_274, %swap3A_275], %swap3A_278 {strides = array<i32>} : memref<128x128xf32, #tpu.memory_space<vmem>>, vector<1x16xf32>,
        %get3A_279 = arith.index_cast %add3A_228 : i32 to index
        %get3A_280 = arith.constant 80 : index
        %get3A_281 = tpu.vector_load %arg8[%get3A_279, %get3A_280] {strides = array<i32>} : memref<128x128xf32, #tpu.memory_space<vmem>>, vector<1x16xf32>,
        %get3A_282 = vector.shape_cast %get3A_281 : vector<1x16xf32> to vector<16xf32>
        %mul3A_283 = arith.mulf %get3A_282, %gather3A_224 : vector<16xf32>
        %swap3A_284 = arith.index_cast %add3A_228 : i32 to index
        %swap3A_285 = arith.constant 80 : index
        %swap3A_286 = tpu.vector_load %arg8[%swap3A_284, %swap3A_285] {strides = array<i32>} : memref<128x128xf32, #tpu.memory_space<vmem>>, vector<1x16xf32>,
        %swap3A_287 = vector.shape_cast %swap3A_286 : vector<1x16xf32> to vector<16xf32>
        %swap3A_288 = vector.shape_cast %mul3A_283 : vector<16xf32> to vector<1x16xf32>
        tpu.vector_store %arg8[%swap3A_284, %swap3A_285], %swap3A_288 {strides = array<i32>} : memref<128x128xf32, #tpu.memory_space<vmem>>, vector<1x16xf32>,
        %get3A_289 = arith.index_cast %add3A_228 : i32 to index
        %get3A_290 = arith.constant 96 : index
        %get3A_291 = tpu.vector_load %arg8[%get3A_289, %get3A_290] {strides = array<i32>} : memref<128x128xf32, #tpu.memory_space<vmem>>, vector<1x16xf32>,
        %get3A_292 = vector.shape_cast %get3A_291 : vector<1x16xf32> to vector<16xf32>
        %mul3A_293 = arith.mulf %get3A_292, %gather3A_224 : vector<16xf32>
        %swap3A_294 = arith.index_cast %add3A_228 : i32 to index
        %swap3A_295 = arith.constant 96 : index
        %swap3A_296 = tpu.vector_load %arg8[%swap3A_294, %swap3A_295] {strides = array<i32>} : memref<128x128xf32, #tpu.memory_space<vmem>>, vector<1x16xf32>,
        %swap3A_297 = vector.shape_cast %swap3A_296 : vector<1x16xf32> to vector<16xf32>
        %swap3A_298 = vector.shape_cast %mul3A_293 : vector<16xf32> to vector<1x16xf32>
        tpu.vector_store %arg8[%swap3A_294, %swap3A_295], %swap3A_298 {strides = array<i32>} : memref<128x128xf32, #tpu.memory_space<vmem>>, vector<1x16xf32>,
        %get3A_299 = arith.index_cast %add3A_228 : i32 to index
        %get3A_300 = arith.constant 112 : index
        %get3A_301 = tpu.vector_load %arg8[%get3A_299, %get3A_300] {strides = array<i32>} : memref<128x128xf32, #tpu.memory_space<vmem>>, vector<1x16xf32>,
        %get3A_302 = vector.shape_cast %get3A_301 : vector<1x16xf32> to vector<16xf32>
        %mul3A_303 = arith.mulf %get3A_302, %gather3A_224 : vector<16xf32>
        %swap3A_304 = arith.index_cast %add3A_228 : i32 to index
        %swap3A_305 = arith.constant 112 : index
        %swap3A_306 = tpu.vector_load %arg8[%swap3A_304, %swap3A_305] {strides = array<i32>} : memref<128x128xf32, #tpu.memory_space<vmem>>, vector<1x16xf32>,
        %swap3A_307 = vector.shape_cast %swap3A_306 : vector<1x16xf32> to vector<16xf32>
        %swap3A_308 = vector.shape_cast %mul3A_303 : vector<16xf32> to vector<1x16xf32>
        tpu.vector_store %arg8[%swap3A_304, %swap3A_305], %swap3A_308 {strides = array<i32>} : memref<128x128xf32, #tpu.memory_space<vmem>>, vector<1x16xf32>,
        %broadcast_in_dim3A_309 = arith.constant 3 : i32
        %broadcast_in_dim3A_310 = vector.broadcast %broadcast_in_dim3A_309 : i32 to vector<16x1xi32>
        %gather3A_311 = vector.shape_cast %broadcast_in_dim3A_310 : vector<16x1xi32> to vector<16xi32>
        %gather3A_312 = tpu.dynamic_gather %get3A_47[%gather3A_311] in [0] : vector<16xf32>, vector<16xi32> -> vector<16xf32>
        %mul3A_313 = arith.constant 16 : i32
        %mul3A_314 = arith.muli %scan3A_44, %mul3A_313 : i32
        %add3A_315 = arith.constant 3 : i32
        %add3A_316 = arith.addi %mul3A_314, %add3A_315 : i32
        %get3A_317 = arith.index_cast %add3A_316 : i32 to index
        %get3A_318 = arith.constant 0 : index
        %get3A_319 = tpu.vector_load %arg8[%get3A_317, %get3A_318] {strides = array<i32>} : memref<128x128xf32, #tpu.memory_space<vmem>>, vector<1x16xf32>,
        %get3A_320 = vector.shape_cast %get3A_319 : vector<1x16xf32> to vector<16xf32>
        %mul3A_321 = arith.mulf %get3A_320, %gather3A_312 : vector<16xf32>
        %swap3A_322 = arith.index_cast %add3A_316 : i32 to index
        %swap3A_323 = arith.constant 0 : index
        %swap3A_324 = tpu.vector_load %arg8[%swap3A_322, %swap3A_323] {strides = array<i32>} : memref<128x128xf32, #tpu.memory_space<vmem>>, vector<1x16xf32>,
        %swap3A_325 = vector.shape_cast %swap3A_324 : vector<1x16xf32> to vector<16xf32>
        %swap3A_326 = vector.shape_cast %mul3A_321 : vector<16xf32> to vector<1x16xf32>
        tpu.vector_store %arg8[%swap3A_322, %swap3A_323], %swap3A_326 {strides = array<i32>} : memref<128x128xf32, #tpu.memory_space<vmem>>, vector<1x16xf32>,
        %get3A_327 = arith.index_cast %add3A_316 : i32 to index
        %get3A_328 = arith.constant 16 : index
        %get3A_329 = tpu.vector_load %arg8[%get3A_327, %get3A_328] {strides = array<i32>} : memref<128x128xf32, #tpu.memory_space<vmem>>, vector<1x16xf32>,
        %get3A_330 = vector.shape_cast %get3A_329 : vector<1x16xf32> to vector<16xf32>
        %mul3A_331 = arith.mulf %get3A_330, %gather3A_312 : vector<16xf32>
        %swap3A_332 = arith.index_cast %add3A_316 : i32 to index
        %swap3A_333 = arith.constant 16 : index
        %swap3A_334 = tpu.vector_load %arg8[%swap3A_332, %swap3A_333] {strides = array<i32>} : memref<128x128xf32, #tpu.memory_space<vmem>>, vector<1x16xf32>,
        %swap3A_335 = vector.shape_cast %swap3A_334 : vector<1x16xf32> to vector<16xf32>
        %swap3A_336 = vector.shape_cast %mul3A_331 : vector<16xf32> to vector<1x16xf32>
        tpu.vector_store %arg8[%swap3A_332, %swap3A_333], %swap3A_336 {strides = array<i32>} : memref<128x128xf32, #tpu.memory_space<vmem>>, vector<1x16xf32>,
        %get3A_337 = arith.index_cast %add3A_316 : i32 to index
        %get3A_338 = arith.constant 32 : index
        %get3A_339 = tpu.vector_load %arg8[%get3A_337, %get3A_338] {strides = array<i32>} : memref<128x128xf32, #tpu.memory_space<vmem>>, vector<1x16xf32>,
        %get3A_340 = vector.shape_cast %get3A_339 : vector<1x16xf32> to vector<16xf32>
        %mul3A_341 = arith.mulf %get3A_340, %gather3A_312 : vector<16xf32>
        %swap3A_342 = arith.index_cast %add3A_316 : i32 to index
        %swap3A_343 = arith.constant 32 : index
        %swap3A_344 = tpu.vector_load %arg8[%swap3A_342, %swap3A_343] {strides = array<i32>} : memref<128x128xf32, #tpu.memory_space<vmem>>, vector<1x16xf32>,
        %swap3A_345 = vector.shape_cast %swap3A_344 : vector<1x16xf32> to vector<16xf32>
        %swap3A_346 = vector.shape_cast %mul3A_341 : vector<16xf32> to vector<1x16xf32>
        tpu.vector_store %arg8[%swap3A_342, %swap3A_343], %swap3A_346 {strides = array<i32>} : memref<128x128xf32, #tpu.memory_space<vmem>>, vector<1x16xf32>,
        %get3A_347 = arith.index_cast %add3A_316 : i32 to index
        %get3A_348 = arith.constant 48 : index
        %get3A_349 = tpu.vector_load %arg8[%get3A_347, %get3A_348] {strides = array<i32>} : memref<128x128xf32, #tpu.memory_space<vmem>>, vector<1x16xf32>,
        %get3A_350 = vector.shape_cast %get3A_349 : vector<1x16xf32> to vector<16xf32>
        %mul3A_351 = arith.mulf %get3A_350, %gather3A_312 : vector<16xf32>
        %swap3A_352 = arith.index_cast %add3A_316 : i32 to index
        %swap3A_353 = arith.constant 48 : index
        %swap3A_354 = tpu.vector_load %arg8[%swap3A_352, %swap3A_353] {strides = array<i32>} : memref<128x128xf32, #tpu.memory_space<vmem>>, vector<1x16xf32>,
        %swap3A_355 = vector.shape_cast %swap3A_354 : vector<1x16xf32> to vector<16xf32>
        %swap3A_356 = vector.shape_cast %mul3A_351 : vector<16xf32> to vector<1x16xf32>
        tpu.vector_store %arg8[%swap3A_352, %swap3A_353], %swap3A_356 {strides = array<i32>} : memref<128x128xf32, #tpu.memory_space<vmem>>, vector<1x16xf32>,
        %get3A_357 = arith.index_cast %add3A_316 : i32 to index
        %get3A_358 = arith.constant 64 : index
        %get3A_359 = tpu.vector_load %arg8[%get3A_357, %get3A_358] {strides = array<i32>} : memref<128x128xf32, #tpu.memory_space<vmem>>, vector<1x16xf32>,
        %get3A_360 = vector.shape_cast %get3A_359 : vector<1x16xf32> to vector<16xf32>
        %mul3A_361 = arith.mulf %get3A_360, %gather3A_312 : vector<16xf32>
        %swap3A_362 = arith.index_cast %add3A_316 : i32 to index
        %swap3A_363 = arith.constant 64 : index
        %swap3A_364 = tpu.vector_load %arg8[%swap3A_362, %swap3A_363] {strides = array<i32>} : memref<128x128xf32, #tpu.memory_space<vmem>>, vector<1x16xf32>,
        %swap3A_365 = vector.shape_cast %swap3A_364 : vector<1x16xf32> to vector<16xf32>
        %swap3A_366 = vector.shape_cast %mul3A_361 : vector<16xf32> to vector<1x16xf32>
        tpu.vector_store %arg8[%swap3A_362, %swap3A_363], %swap3A_366 {strides = array<i32>} : memref<128x128xf32, #tpu.memory_space<vmem>>, vector<1x16xf32>,
        %get3A_367 = arith.index_cast %add3A_316 : i32 to index
        %get3A_368 = arith.constant 80 : index
        %get3A_369 = tpu.vector_load %arg8[%get3A_367, %get3A_368] {strides = array<i32>} : memref<128x128xf32, #tpu.memory_space<vmem>>, vector<1x16xf32>,
        %get3A_370 = vector.shape_cast %get3A_369 : vector<1x16xf32> to vector<16xf32>
        %mul3A_371 = arith.mulf %get3A_370, %gather3A_312 : vector<16xf32>
        %swap3A_372 = arith.index_cast %add3A_316 : i32 to index
        %swap3A_373 = arith.constant 80 : index
        %swap3A_374 = tpu.vector_load %arg8[%swap3A_372, %swap3A_373] {strides = array<i32>} : memref<128x128xf32, #tpu.memory_space<vmem>>, vector<1x16xf32>,
        %swap3A_375 = vector.shape_cast %swap3A_374 : vector<1x16xf32> to vector<16xf32>
        %swap3A_376 = vector.shape_cast %mul3A_371 : vector<16xf32> to vector<1x16xf32>
        tpu.vector_store %arg8[%swap3A_372, %swap3A_373], %swap3A_376 {strides = array<i32>} : memref<128x128xf32, #tpu.memory_space<vmem>>, vector<1x16xf32>,
        %get3A_377 = arith.index_cast %add3A_316 : i32 to index
        %get3A_378 = arith.constant 96 : index
        %get3A_379 = tpu.vector_load %arg8[%get3A_377, %get3A_378] {strides = array<i32>} : memref<128x128xf32, #tpu.memory_space<vmem>>, vector<1x16xf32>,
        %get3A_380 = vector.shape_cast %get3A_379 : vector<1x16xf32> to vector<16xf32>
        %mul3A_381 = arith.mulf %get3A_380, %gather3A_312 : vector<16xf32>
        %swap3A_382 = arith.index_cast %add3A_316 : i32 to index
        %swap3A_383 = arith.constant 96 : index
        %swap3A_384 = tpu.vector_load %arg8[%swap3A_382, %swap3A_383] {strides = array<i32>} : memref<128x128xf32, #tpu.memory_space<vmem>>, vector<1x16xf32>,
        %swap3A_385 = vector.shape_cast %swap3A_384 : vector<1x16xf32> to vector<16xf32>
        %swap3A_386 = vector.shape_cast %mul3A_381 : vector<16xf32> to vector<1x16xf32>
        tpu.vector_store %arg8[%swap3A_382, %swap3A_383], %swap3A_386 {strides = array<i32>} : memref<128x128xf32, #tpu.memory_space<vmem>>, vector<1x16xf32>,
        %get3A_387 = arith.index_cast %add3A_316 : i32 to index
        %get3A_388 = arith.constant 112 : index
        %get3A_389 = tpu.vector_load %arg8[%get3A_387, %get3A_388] {strides = array<i32>} : memref<128x128xf32, #tpu.memory_space<vmem>>, vector<1x16xf32>,
        %get3A_390 = vector.shape_cast %get3A_389 : vector<1x16xf32> to vector<16xf32>
        %mul3A_391 = arith.mulf %get3A_390, %gather3A_312 : vector<16xf32>
        %swap3A_392 = arith.index_cast %add3A_316 : i32 to index
        %swap3A_393 = arith.constant 112 : index
        %swap3A_394 = tpu.vector_load %arg8[%swap3A_392, %swap3A_393] {strides = array<i32>} : memref<128x128xf32, #tpu.memory_space<vmem>>, vector<1x16xf32>,
        %swap3A_395 = vector.shape_cast %swap3A_394 : vector<1x16xf32> to vector<16xf32>
        %swap3A_396 = vector.shape_cast %mul3A_391 : vector<16xf32> to vector<1x16xf32>
        tpu.vector_store %arg8[%swap3A_392, %swap3A_393], %swap3A_396 {strides = array<i32>} : memref<128x128xf32, #tpu.memory_space<vmem>>, vector<1x16xf32>,
        %broadcast_in_dim3A_397 = arith.constant 4 : i32
        %broadcast_in_dim3A_398 = vector.broadcast %broadcast_in_dim3A_397 : i32 to vector<16x1xi32>
        %gather3A_399 = vector.shape_cast %broadcast_in_dim3A_398 : vector<16x1xi32> to vector<16xi32>
        %gather3A_400 = tpu.dynamic_gather %get3A_47[%gather3A_399] in [0] : vector<16xf32>, vector<16xi32> -> vector<16xf32>
        %mul3A_401 = arith.constant 16 : i32
        %mul3A_402 = arith.muli %scan3A_44, %mul3A_401 : i32
        %add3A_403 = arith.constant 4 : i32
        %add3A_404 = arith.addi %mul3A_402, %add3A_403 : i32
        %get3A_405 = arith.index_cast %add3A_404 : i32 to index
        %get3A_406 = arith.constant 0 : index
        %get3A_407 = tpu.vector_load %arg8[%get3A_405, %get3A_406] {strides = array<i32>} : memref<128x128xf32, #tpu.memory_space<vmem>>, vector<1x16xf32>,
        %get3A_408 = vector.shape_cast %get3A_407 : vector<1x16xf32> to vector<16xf32>
        %mul3A_409 = arith.mulf %get3A_408, %gather3A_400 : vector<16xf32>
        %swap3A_410 = arith.index_cast %add3A_404 : i32 to index
        %swap3A_411 = arith.constant 0 : index
        %swap3A_412 = tpu.vector_load %arg8[%swap3A_410, %swap3A_411] {strides = array<i32>} : memref<128x128xf32, #tpu.memory_space<vmem>>, vector<1x16xf32>,
        %swap3A_413 = vector.shape_cast %swap3A_412 : vector<1x16xf32> to vector<16xf32>
        %swap3A_414 = vector.shape_cast %mul3A_409 : vector<16xf32> to vector<1x16xf32>
        tpu.vector_store %arg8[%swap3A_410, %swap3A_411], %swap3A_414 {strides = array<i32>} : memref<128x128xf32, #tpu.memory_space<vmem>>, vector<1x16xf32>,
        %get3A_415 = arith.index_cast %add3A_404 : i32 to index
        %get3A_416 = arith.constant 16 : index
        %get3A_417 = tpu.vector_load %arg8[%get3A_415, %get3A_416] {strides = array<i32>} : memref<128x128xf32, #tpu.memory_space<vmem>>, vector<1x16xf32>,
        %get3A_418 = vector.shape_cast %get3A_417 : vector<1x16xf32> to vector<16xf32>
        %mul3A_419 = arith.mulf %get3A_418, %gather3A_400 : vector<16xf32>
        %swap3A_420 = arith.index_cast %add3A_404 : i32 to index
        %swap3A_421 = arith.constant 16 : index
        %swap3A_422 = tpu.vector_load %arg8[%swap3A_420, %swap3A_421] {strides = array<i32>} : memref<128x128xf32, #tpu.memory_space<vmem>>, vector<1x16xf32>,
        %swap3A_423 = vector.shape_cast %swap3A_422 : vector<1x16xf32> to vector<16xf32>
        %swap3A_424 = vector.shape_cast %mul3A_419 : vector<16xf32> to vector<1x16xf32>
        tpu.vector_store %arg8[%swap3A_420, %swap3A_421], %swap3A_424 {strides = array<i32>} : memref<128x128xf32, #tpu.memory_space<vmem>>, vector<1x16xf32>,
        %get3A_425 = arith.index_cast %add3A_404 : i32 to index
        %get3A_426 = arith.constant 32 : index
        %get3A_427 = tpu.vector_load %arg8[%get3A_425, %get3A_426] {strides = array<i32>} : memref<128x128xf32, #tpu.memory_space<vmem>>, vector<1x16xf32>,
        %get3A_428 = vector.shape_cast %get3A_427 : vector<1x16xf32> to vector<16xf32>
        %mul3A_429 = arith.mulf %get3A_428, %gather3A_400 : vector<16xf32>
        %swap3A_430 = arith.index_cast %add3A_404 : i32 to index
        %swap3A_431 = arith.constant 32 : index
        %swap3A_432 = tpu.vector_load %arg8[%swap3A_430, %swap3A_431] {strides = array<i32>} : memref<128x128xf32, #tpu.memory_space<vmem>>, vector<1x16xf32>,
        %swap3A_433 = vector.shape_cast %swap3A_432 : vector<1x16xf32> to vector<16xf32>
        %swap3A_434 = vector.shape_cast %mul3A_429 : vector<16xf32> to vector<1x16xf32>
        tpu.vector_store %arg8[%swap3A_430, %swap3A_431], %swap3A_434 {strides = array<i32>} : memref<128x128xf32, #tpu.memory_space<vmem>>, vector<1x16xf32>,
        %get3A_435 = arith.index_cast %add3A_404 : i32 to index
        %get3A_436 = arith.constant 48 : index
        %get3A_437 = tpu.vector_load %arg8[%get3A_435, %get3A_436] {strides = array<i32>} : memref<128x128xf32, #tpu.memory_space<vmem>>, vector<1x16xf32>,
        %get3A_438 = vector.shape_cast %get3A_437 : vector<1x16xf32> to vector<16xf32>
        %mul3A_439 = arith.mulf %get3A_438, %gather3A_400 : vector<16xf32>
        %swap3A_440 = arith.index_cast %add3A_404 : i32 to index
        %swap3A_441 = arith.constant 48 : index
        %swap3A_442 = tpu.vector_load %arg8[%swap3A_440, %swap3A_441] {strides = array<i32>} : memref<128x128xf32, #tpu.memory_space<vmem>>, vector<1x16xf32>,
        %swap3A_443 = vector.shape_cast %swap3A_442 : vector<1x16xf32> to vector<16xf32>
        %swap3A_444 = vector.shape_cast %mul3A_439 : vector<16xf32> to vector<1x16xf32>
        tpu.vector_store %arg8[%swap3A_440, %swap3A_441], %swap3A_444 {strides = array<i32>} : memref<128x128xf32, #tpu.memory_space<vmem>>, vector<1x16xf32>,
        %get3A_445 = arith.index_cast %add3A_404 : i32 to index
        %get3A_446 = arith.constant 64 : index
        %get3A_447 = tpu.vector_load %arg8[%get3A_445, %get3A_446] {strides = array<i32>} : memref<128x128xf32, #tpu.memory_space<vmem>>, vector<1x16xf32>,
        %get3A_448 = vector.shape_cast %get3A_447 : vector<1x16xf32> to vector<16xf32>
        %mul3A_449 = arith.mulf %get3A_448, %gather3A_400 : vector<16xf32>
        %swap3A_450 = arith.index_cast %add3A_404 : i32 to index
        %swap3A_451 = arith.constant 64 : index
        %swap3A_452 = tpu.vector_load %arg8[%swap3A_450, %swap3A_451] {strides = array<i32>} : memref<128x128xf32, #tpu.memory_space<vmem>>, vector<1x16xf32>,
        %swap3A_453 = vector.shape_cast %swap3A_452 : vector<1x16xf32> to vector<16xf32>
        %swap3A_454 = vector.shape_cast %mul3A_449 : vector<16xf32> to vector<1x16xf32>
        tpu.vector_store %arg8[%swap3A_450, %swap3A_451], %swap3A_454 {strides = array<i32>} : memref<128x128xf32, #tpu.memory_space<vmem>>, vector<1x16xf32>,
        %get3A_455 = arith.index_cast %add3A_404 : i32 to index
        %get3A_456 = arith.constant 80 : index
        %get3A_457 = tpu.vector_load %arg8[%get3A_455, %get3A_456] {strides = array<i32>} : memref<128x128xf32, #tpu.memory_space<vmem>>, vector<1x16xf32>,
        %get3A_458 = vector.shape_cast %get3A_457 : vector<1x16xf32> to vector<16xf32>
        %mul3A_459 = arith.mulf %get3A_458, %gather3A_400 : vector<16xf32>
        %swap3A_460 = arith.index_cast %add3A_404 : i32 to index
        %swap3A_461 = arith.constant 80 : index
        %swap3A_462 = tpu.vector_load %arg8[%swap3A_460, %swap3A_461] {strides = array<i32>} : memref<128x128xf32, #tpu.memory_space<vmem>>, vector<1x16xf32>,
        %swap3A_463 = vector.shape_cast %swap3A_462 : vector<1x16xf32> to vector<16xf32>
        %swap3A_464 = vector.shape_cast %mul3A_459 : vector<16xf32> to vector<1x16xf32>
        tpu.vector_store %arg8[%swap3A_460, %swap3A_461], %swap3A_464 {strides = array<i32>} : memref<128x128xf32, #tpu.memory_space<vmem>>, vector<1x16xf32>,
        %get3A_465 = arith.index_cast %add3A_404 : i32 to index
        %get3A_466 = arith.constant 96 : index
        %get3A_467 = tpu.vector_load %arg8[%get3A_465, %get3A_466] {strides = array<i32>} : memref<128x128xf32, #tpu.memory_space<vmem>>, vector<1x16xf32>,
        %get3A_468 = vector.shape_cast %get3A_467 : vector<1x16xf32> to vector<16xf32>
        %mul3A_469 = arith.mulf %get3A_468, %gather3A_400 : vector<16xf32>
        %swap3A_470 = arith.index_cast %add3A_404 : i32 to index
        %swap3A_471 = arith.constant 96 : index
        %swap3A_472 = tpu.vector_load %arg8[%swap3A_470, %swap3A_471] {strides = array<i32>} : memref<128x128xf32, #tpu.memory_space<vmem>>, vector<1x16xf32>,
        %swap3A_473 = vector.shape_cast %swap3A_472 : vector<1x16xf32> to vector<16xf32>
        %swap3A_474 = vector.shape_cast %mul3A_469 : vector<16xf32> to vector<1x16xf32>
        tpu.vector_store %arg8[%swap3A_470, %swap3A_471], %swap3A_474 {strides = array<i32>} : memref<128x128xf32, #tpu.memory_space<vmem>>, vector<1x16xf32>,
        %get3A_475 = arith.index_cast %add3A_404 : i32 to index
        %get3A_476 = arith.constant 112 : index
        %get3A_477 = tpu.vector_load %arg8[%get3A_475, %get3A_476] {strides = array<i32>} : memref<128x128xf32, #tpu.memory_space<vmem>>, vector<1x16xf32>,
        %get3A_478 = vector.shape_cast %get3A_477 : vector<1x16xf32> to vector<16xf32>
        %mul3A_479 = arith.mulf %get3A_478, %gather3A_400 : vector<16xf32>
        %swap3A_480 = arith.index_cast %add3A_404 : i32 to index
        %swap3A_481 = arith.constant 112 : index
        %swap3A_482 = tpu.vector_load %arg8[%swap3A_480, %swap3A_481] {strides = array<i32>} : memref<128x128xf32, #tpu.memory_space<vmem>>, vector<1x16xf32>,
        %swap3A_483 = vector.shape_cast %swap3A_482 : vector<1x16xf32> to vector<16xf32>
        %swap3A_484 = vector.shape_cast %mul3A_479 : vector<16xf32> to vector<1x16xf32>
        tpu.vector_store %arg8[%swap3A_480, %swap3A_481], %swap3A_484 {strides = array<i32>} : memref<128x128xf32, #tpu.memory_space<vmem>>, vector<1x16xf32>,
        %broadcast_in_dim3A_485 = arith.constant 5 : i32
        %broadcast_in_dim3A_486 = vector.broadcast %broadcast_in_dim3A_485 : i32 to vector<16x1xi32>
        %gather3A_487 = vector.shape_cast %broadcast_in_dim3A_486 : vector<16x1xi32> to vector<16xi32>
        %gather3A_488 = tpu.dynamic_gather %get3A_47[%gather3A_487] in [0] : vector<16xf32>, vector<16xi32> -> vector<16xf32>
        %mul3A_489 = arith.constant 16 : i32
        %mul3A_490 = arith.muli %scan3A_44, %mul3A_489 : i32
        %add3A_491 = arith.constant 5 : i32
        %add3A_492 = arith.addi %mul3A_490, %add3A_491 : i32
        %get3A_493 = arith.index_cast %add3A_492 : i32 to index
        %get3A_494 = arith.constant 0 : index
        %get3A_495 = tpu.vector_load %arg8[%get3A_493, %get3A_494] {strides = array<i32>} : memref<128x128xf32, #tpu.memory_space<vmem>>, vector<1x16xf32>,
        %get3A_496 = vector.shape_cast %get3A_495 : vector<1x16xf32> to vector<16xf32>
        %mul3A_497 = arith.mulf %get3A_496, %gather3A_488 : vector<16xf32>
        %swap3A_498 = arith.index_cast %add3A_492 : i32 to index
        %swap3A_499 = arith.constant 0 : index
        %swap3A_500 = tpu.vector_load %arg8[%swap3A_498, %swap3A_499] {strides = array<i32>} : memref<128x128xf32, #tpu.memory_space<vmem>>, vector<1x16xf32>,
        %swap3A_501 = vector.shape_cast %swap3A_500 : vector<1x16xf32> to vector<16xf32>
        %swap3A_502 = vector.shape_cast %mul3A_497 : vector<16xf32> to vector<1x16xf32>
        tpu.vector_store %arg8[%swap3A_498, %swap3A_499], %swap3A_502 {strides = array<i32>} : memref<128x128xf32, #tpu.memory_space<vmem>>, vector<1x16xf32>,
        %get3A_503 = arith.index_cast %add3A_492 : i32 to index
        %get3A_504 = arith.constant 16 : index
        %get3A_505 = tpu.vector_load %arg8[%get3A_503, %get3A_504] {strides = array<i32>} : memref<128x128xf32, #tpu.memory_space<vmem>>, vector<1x16xf32>,
        %get3A_506 = vector.shape_cast %get3A_505 : vector<1x16xf32> to vector<16xf32>
        %mul3A_507 = arith.mulf %get3A_506, %gather3A_488 : vector<16xf32>
        %swap3A_508 = arith.index_cast %add3A_492 : i32 to index
        %swap3A_509 = arith.constant 16 : index
        %swap3A_510 = tpu.vector_load %arg8[%swap3A_508, %swap3A_509] {strides = array<i32>} : memref<128x128xf32, #tpu.memory_space<vmem>>, vector<1x16xf32>,
        %swap3A_511 = vector.shape_cast %swap3A_510 : vector<1x16xf32> to vector<16xf32>
        %swap3A_512 = vector.shape_cast %mul3A_507 : vector<16xf32> to vector<1x16xf32>
        tpu.vector_store %arg8[%swap3A_508, %swap3A_509], %swap3A_512 {strides = array<i32>} : memref<128x128xf32, #tpu.memory_space<vmem>>, vector<1x16xf32>,
        %get3A_513 = arith.index_cast %add3A_492 : i32 to index
        %get3A_514 = arith.constant 32 : index
        %get3A_515 = tpu.vector_load %arg8[%get3A_513, %get3A_514] {strides = array<i32>} : memref<128x128xf32, #tpu.memory_space<vmem>>, vector<1x16xf32>,
        %get3A_516 = vector.shape_cast %get3A_515 : vector<1x16xf32> to vector<16xf32>
        %mul3A_517 = arith.mulf %get3A_516, %gather3A_488 : vector<16xf32>
        %swap3A_518 = arith.index_cast %add3A_492 : i32 to index
        %swap3A_519 = arith.constant 32 : index
        %swap3A_520 = tpu.vector_load %arg8[%swap3A_518, %swap3A_519] {strides = array<i32>} : memref<128x128xf32, #tpu.memory_space<vmem>>, vector<1x16xf32>,
        %swap3A_521 = vector.shape_cast %swap3A_520 : vector<1x16xf32> to vector<16xf32>
        %swap3A_522 = vector.shape_cast %mul3A_517 : vector<16xf32> to vector<1x16xf32>
        tpu.vector_store %arg8[%swap3A_518, %swap3A_519], %swap3A_522 {strides = array<i32>} : memref<128x128xf32, #tpu.memory_space<vmem>>, vector<1x16xf32>,
        %get3A_523 = arith.index_cast %add3A_492 : i32 to index
        %get3A_524 = arith.constant 48 : index
        %get3A_525 = tpu.vector_load %arg8[%get3A_523, %get3A_524] {strides = array<i32>} : memref<128x128xf32, #tpu.memory_space<vmem>>, vector<1x16xf32>,
        %get3A_526 = vector.shape_cast %get3A_525 : vector<1x16xf32> to vector<16xf32>
        %mul3A_527 = arith.mulf %get3A_526, %gather3A_488 : vector<16xf32>
        %swap3A_528 = arith.index_cast %add3A_492 : i32 to index
        %swap3A_529 = arith.constant 48 : index
        %swap3A_530 = tpu.vector_load %arg8[%swap3A_528, %swap3A_529] {strides = array<i32>} : memref<128x128xf32, #tpu.memory_space<vmem>>, vector<1x16xf32>,
        %swap3A_531 = vector.shape_cast %swap3A_530 : vector<1x16xf32> to vector<16xf32>
        %swap3A_532 = vector.shape_cast %mul3A_527 : vector<16xf32> to vector<1x16xf32>
        tpu.vector_store %arg8[%swap3A_528, %swap3A_529], %swap3A_532 {strides = array<i32>} : memref<128x128xf32, #tpu.memory_space<vmem>>, vector<1x16xf32>,
        %get3A_533 = arith.index_cast %add3A_492 : i32 to index
        %get3A_534 = arith.constant 64 : index
        %get3A_535 = tpu.vector_load %arg8[%get3A_533, %get3A_534] {strides = array<i32>} : memref<128x128xf32, #tpu.memory_space<vmem>>, vector<1x16xf32>,
        %get3A_536 = vector.shape_cast %get3A_535 : vector<1x16xf32> to vector<16xf32>
        %mul3A_537 = arith.mulf %get3A_536, %gather3A_488 : vector<16xf32>
        %swap3A_538 = arith.index_cast %add3A_492 : i32 to index
        %swap3A_539 = arith.constant 64 : index
        %swap3A_540 = tpu.vector_load %arg8[%swap3A_538, %swap3A_539] {strides = array<i32>} : memref<128x128xf32, #tpu.memory_space<vmem>>, vector<1x16xf32>,
        %swap3A_541 = vector.shape_cast %swap3A_540 : vector<1x16xf32> to vector<16xf32>
        %swap3A_542 = vector.shape_cast %mul3A_537 : vector<16xf32> to vector<1x16xf32>
        tpu.vector_store %arg8[%swap3A_538, %swap3A_539], %swap3A_542 {strides = array<i32>} : memref<128x128xf32, #tpu.memory_space<vmem>>, vector<1x16xf32>,
        %get3A_543 = arith.index_cast %add3A_492 : i32 to index
        %get3A_544 = arith.constant 80 : index
        %get3A_545 = tpu.vector_load %arg8[%get3A_543, %get3A_544] {strides = array<i32>} : memref<128x128xf32, #tpu.memory_space<vmem>>, vector<1x16xf32>,
        %get3A_546 = vector.shape_cast %get3A_545 : vector<1x16xf32> to vector<16xf32>
        %mul3A_547 = arith.mulf %get3A_546, %gather3A_488 : vector<16xf32>
        %swap3A_548 = arith.index_cast %add3A_492 : i32 to index
        %swap3A_549 = arith.constant 80 : index
        %swap3A_550 = tpu.vector_load %arg8[%swap3A_548, %swap3A_549] {strides = array<i32>} : memref<128x128xf32, #tpu.memory_space<vmem>>, vector<1x16xf32>,
        %swap3A_551 = vector.shape_cast %swap3A_550 : vector<1x16xf32> to vector<16xf32>
        %swap3A_552 = vector.shape_cast %mul3A_547 : vector<16xf32> to vector<1x16xf32>
        tpu.vector_store %arg8[%swap3A_548, %swap3A_549], %swap3A_552 {strides = array<i32>} : memref<128x128xf32, #tpu.memory_space<vmem>>, vector<1x16xf32>,
        %get3A_553 = arith.index_cast %add3A_492 : i32 to index
        %get3A_554 = arith.constant 96 : index
        %get3A_555 = tpu.vector_load %arg8[%get3A_553, %get3A_554] {strides = array<i32>} : memref<128x128xf32, #tpu.memory_space<vmem>>, vector<1x16xf32>,
        %get3A_556 = vector.shape_cast %get3A_555 : vector<1x16xf32> to vector<16xf32>
        %mul3A_557 = arith.mulf %get3A_556, %gather3A_488 : vector<16xf32>
        %swap3A_558 = arith.index_cast %add3A_492 : i32 to index
        %swap3A_559 = arith.constant 96 : index
        %swap3A_560 = tpu.vector_load %arg8[%swap3A_558, %swap3A_559] {strides = array<i32>} : memref<128x128xf32, #tpu.memory_space<vmem>>, vector<1x16xf32>,
        %swap3A_561 = vector.shape_cast %swap3A_560 : vector<1x16xf32> to vector<16xf32>
        %swap3A_562 = vector.shape_cast %mul3A_557 : vector<16xf32> to vector<1x16xf32>
        tpu.vector_store %arg8[%swap3A_558, %swap3A_559], %swap3A_562 {strides = array<i32>} : memref<128x128xf32, #tpu.memory_space<vmem>>, vector<1x16xf32>,
        %get3A_563 = arith.index_cast %add3A_492 : i32 to index
        %get3A_564 = arith.constant 112 : index
        %get3A_565 = tpu.vector_load %arg8[%get3A_563, %get3A_564] {strides = array<i32>} : memref<128x128xf32, #tpu.memory_space<vmem>>, vector<1x16xf32>,
        %get3A_566 = vector.shape_cast %get3A_565 : vector<1x16xf32> to vector<16xf32>
        %mul3A_567 = arith.mulf %get3A_566, %gather3A_488 : vector<16xf32>
        %swap3A_568 = arith.index_cast %add3A_492 : i32 to index
        %swap3A_569 = arith.constant 112 : index
        %swap3A_570 = tpu.vector_load %arg8[%swap3A_568, %swap3A_569] {strides = array<i32>} : memref<128x128xf32, #tpu.memory_space<vmem>>, vector<1x16xf32>,
        %swap3A_571 = vector.shape_cast %swap3A_570 : vector<1x16xf32> to vector<16xf32>
        %swap3A_572 = vector.shape_cast %mul3A_567 : vector<16xf32> to vector<1x16xf32>
        tpu.vector_store %arg8[%swap3A_568, %swap3A_569], %swap3A_572 {strides = array<i32>} : memref<128x128xf32, #tpu.memory_space<vmem>>, vector<1x16xf32>,
        %broadcast_in_dim3A_573 = arith.constant 6 : i32
        %broadcast_in_dim3A_574 = vector.broadcast %broadcast_in_dim3A_573 : i32 to vector<16x1xi32>
        %gather3A_575 = vector.shape_cast %broadcast_in_dim3A_574 : vector<16x1xi32> to vector<16xi32>
        %gather3A_576 = tpu.dynamic_gather %get3A_47[%gather3A_575] in [0] : vector<16xf32>, vector<16xi32> -> vector<16xf32>
        %mul3A_577 = arith.constant 16 : i32
        %mul3A_578 = arith.muli %scan3A_44, %mul3A_577 : i32
        %add3A_579 = arith.constant 6 : i32
        %add3A_580 = arith.addi %mul3A_578, %add3A_579 : i32
        %get3A_581 = arith.index_cast %add3A_580 : i32 to index
        %get3A_582 = arith.constant 0 : index
        %get3A_583 = tpu.vector_load %arg8[%get3A_581, %get3A_582] {strides = array<i32>} : memref<128x128xf32, #tpu.memory_space<vmem>>, vector<1x16xf32>,
        %get3A_584 = vector.shape_cast %get3A_583 : vector<1x16xf32> to vector<16xf32>
        %mul3A_585 = arith.mulf %get3A_584, %gather3A_576 : vector<16xf32>
        %swap3A_586 = arith.index_cast %add3A_580 : i32 to index
        %swap3A_587 = arith.constant 0 : index
        %swap3A_588 = tpu.vector_load %arg8[%swap3A_586, %swap3A_587] {strides = array<i32>} : memref<128x128xf32, #tpu.memory_space<vmem>>, vector<1x16xf32>,
        %swap3A_589 = vector.shape_cast %swap3A_588 : vector<1x16xf32> to vector<16xf32>
        %swap3A_590 = vector.shape_cast %mul3A_585 : vector<16xf32> to vector<1x16xf32>
        tpu.vector_store %arg8[%swap3A_586, %swap3A_587], %swap3A_590 {strides = array<i32>} : memref<128x128xf32, #tpu.memory_space<vmem>>, vector<1x16xf32>,
        %get3A_591 = arith.index_cast %add3A_580 : i32 to index
        %get3A_592 = arith.constant 16 : index
        %get3A_593 = tpu.vector_load %arg8[%get3A_591, %get3A_592] {strides = array<i32>} : memref<128x128xf32, #tpu.memory_space<vmem>>, vector<1x16xf32>,
        %get3A_594 = vector.shape_cast %get3A_593 : vector<1x16xf32> to vector<16xf32>
        %mul3A_595 = arith.mulf %get3A_594, %gather3A_576 : vector<16xf32>
        %swap3A_596 = arith.index_cast %add3A_580 : i32 to index
        %swap3A_597 = arith.constant 16 : index
        %swap3A_598 = tpu.vector_load %arg8[%swap3A_596, %swap3A_597] {strides = array<i32>} : memref<128x128xf32, #tpu.memory_space<vmem>>, vector<1x16xf32>,
        %swap3A_599 = vector.shape_cast %swap3A_598 : vector<1x16xf32> to vector<16xf32>
        %swap3A_600 = vector.shape_cast %mul3A_595 : vector<16xf32> to vector<1x16xf32>
        tpu.vector_store %arg8[%swap3A_596, %swap3A_597], %swap3A_600 {strides = array<i32>} : memref<128x128xf32, #tpu.memory_space<vmem>>, vector<1x16xf32>,
        %get3A_601 = arith.index_cast %add3A_580 : i32 to index
        %get3A_602 = arith.constant 32 : index
        %get3A_603 = tpu.vector_load %arg8[%get3A_601, %get3A_602] {strides = array<i32>} : memref<128x128xf32, #tpu.memory_space<vmem>>, vector<1x16xf32>,
        %get3A_604 = vector.shape_cast %get3A_603 : vector<1x16xf32> to vector<16xf32>
        %mul3A_605 = arith.mulf %get3A_604, %gather3A_576 : vector<16xf32>
        %swap3A_606 = arith.index_cast %add3A_580 : i32 to index
        %swap3A_607 = arith.constant 32 : index
        %swap3A_608 = tpu.vector_load %arg8[%swap3A_606, %swap3A_607] {strides = array<i32>} : memref<128x128xf32, #tpu.memory_space<vmem>>, vector<1x16xf32>,
        %swap3A_609 = vector.shape_cast %swap3A_608 : vector<1x16xf32> to vector<16xf32>
        %swap3A_610 = vector.shape_cast %mul3A_605 : vector<16xf32> to vector<1x16xf32>
        tpu.vector_store %arg8[%swap3A_606, %swap3A_607], %swap3A_610 {strides = array<i32>} : memref<128x128xf32, #tpu.memory_space<vmem>>, vector<1x16xf32>,
        %get3A_611 = arith.index_cast %add3A_580 : i32 to index
        %get3A_612 = arith.constant 48 : index
        %get3A_613 = tpu.vector_load %arg8[%get3A_611, %get3A_612] {strides = array<i32>} : memref<128x128xf32, #tpu.memory_space<vmem>>, vector<1x16xf32>,
        %get3A_614 = vector.shape_cast %get3A_613 : vector<1x16xf32> to vector<16xf32>
        %mul3A_615 = arith.mulf %get3A_614, %gather3A_576 : vector<16xf32>
        %swap3A_616 = arith.index_cast %add3A_580 : i32 to index
        %swap3A_617 = arith.constant 48 : index
        %swap3A_618 = tpu.vector_load %arg8[%swap3A_616, %swap3A_617] {strides = array<i32>} : memref<128x128xf32, #tpu.memory_space<vmem>>, vector<1x16xf32>,
        %swap3A_619 = vector.shape_cast %swap3A_618 : vector<1x16xf32> to vector<16xf32>
        %swap3A_620 = vector.shape_cast %mul3A_615 : vector<16xf32> to vector<1x16xf32>
        tpu.vector_store %arg8[%swap3A_616, %swap3A_617], %swap3A_620 {strides = array<i32>} : memref<128x128xf32, #tpu.memory_space<vmem>>, vector<1x16xf32>,
        %get3A_621 = arith.index_cast %add3A_580 : i32 to index
        %get3A_622 = arith.constant 64 : index
        %get3A_623 = tpu.vector_load %arg8[%get3A_621, %get3A_622] {strides = array<i32>} : memref<128x128xf32, #tpu.memory_space<vmem>>, vector<1x16xf32>,
        %get3A_624 = vector.shape_cast %get3A_623 : vector<1x16xf32> to vector<16xf32>
        %mul3A_625 = arith.mulf %get3A_624, %gather3A_576 : vector<16xf32>
        %swap3A_626 = arith.index_cast %add3A_580 : i32 to index
        %swap3A_627 = arith.constant 64 : index
        %swap3A_628 = tpu.vector_load %arg8[%swap3A_626, %swap3A_627] {strides = array<i32>} : memref<128x128xf32, #tpu.memory_space<vmem>>, vector<1x16xf32>,
        %swap3A_629 = vector.shape_cast %swap3A_628 : vector<1x16xf32> to vector<16xf32>
        %swap3A_630 = vector.shape_cast %mul3A_625 : vector<16xf32> to vector<1x16xf32>
        tpu.vector_store %arg8[%swap3A_626, %swap3A_627], %swap3A_630 {strides = array<i32>} : memref<128x128xf32, #tpu.memory_space<vmem>>, vector<1x16xf32>,
        %get3A_631 = arith.index_cast %add3A_580 : i32 to index
        %get3A_632 = arith.constant 80 : index
        %get3A_633 = tpu.vector_load %arg8[%get3A_631, %get3A_632] {strides = array<i32>} : memref<128x128xf32, #tpu.memory_space<vmem>>, vector<1x16xf32>,
        %get3A_634 = vector.shape_cast %get3A_633 : vector<1x16xf32> to vector<16xf32>
        %mul3A_635 = arith.mulf %get3A_634, %gather3A_576 : vector<16xf32>
        %swap3A_636 = arith.index_cast %add3A_580 : i32 to index
        %swap3A_637 = arith.constant 80 : index
        %swap3A_638 = tpu.vector_load %arg8[%swap3A_636, %swap3A_637] {strides = array<i32>} : memref<128x128xf32, #tpu.memory_space<vmem>>, vector<1x16xf32>,
        %swap3A_639 = vector.shape_cast %swap3A_638 : vector<1x16xf32> to vector<16xf32>
        %swap3A_640 = vector.shape_cast %mul3A_635 : vector<16xf32> to vector<1x16xf32>
        tpu.vector_store %arg8[%swap3A_636, %swap3A_637], %swap3A_640 {strides = array<i32>} : memref<128x128xf32, #tpu.memory_space<vmem>>, vector<1x16xf32>,
        %get3A_641 = arith.index_cast %add3A_580 : i32 to index
        %get3A_642 = arith.constant 96 : index
        %get3A_643 = tpu.vector_load %arg8[%get3A_641, %get3A_642] {strides = array<i32>} : memref<128x128xf32, #tpu.memory_space<vmem>>, vector<1x16xf32>,
        %get3A_644 = vector.shape_cast %get3A_643 : vector<1x16xf32> to vector<16xf32>
        %mul3A_645 = arith.mulf %get3A_644, %gather3A_576 : vector<16xf32>
        %swap3A_646 = arith.index_cast %add3A_580 : i32 to index
        %swap3A_647 = arith.constant 96 : index
        %swap3A_648 = tpu.vector_load %arg8[%swap3A_646, %swap3A_647] {strides = array<i32>} : memref<128x128xf32, #tpu.memory_space<vmem>>, vector<1x16xf32>,
        %swap3A_649 = vector.shape_cast %swap3A_648 : vector<1x16xf32> to vector<16xf32>
        %swap3A_650 = vector.shape_cast %mul3A_645 : vector<16xf32> to vector<1x16xf32>
        tpu.vector_store %arg8[%swap3A_646, %swap3A_647], %swap3A_650 {strides = array<i32>} : memref<128x128xf32, #tpu.memory_space<vmem>>, vector<1x16xf32>,
        %get3A_651 = arith.index_cast %add3A_580 : i32 to index
        %get3A_652 = arith.constant 112 : index
        %get3A_653 = tpu.vector_load %arg8[%get3A_651, %get3A_652] {strides = array<i32>} : memref<128x128xf32, #tpu.memory_space<vmem>>, vector<1x16xf32>,
        %get3A_654 = vector.shape_cast %get3A_653 : vector<1x16xf32> to vector<16xf32>
        %mul3A_655 = arith.mulf %get3A_654, %gather3A_576 : vector<16xf32>
        %swap3A_656 = arith.index_cast %add3A_580 : i32 to index
        %swap3A_657 = arith.constant 112 : index
        %swap3A_658 = tpu.vector_load %arg8[%swap3A_656, %swap3A_657] {strides = array<i32>} : memref<128x128xf32, #tpu.memory_space<vmem>>, vector<1x16xf32>,
        %swap3A_659 = vector.shape_cast %swap3A_658 : vector<1x16xf32> to vector<16xf32>
        %swap3A_660 = vector.shape_cast %mul3A_655 : vector<16xf32> to vector<1x16xf32>
        tpu.vector_store %arg8[%swap3A_656, %swap3A_657], %swap3A_660 {strides = array<i32>} : memref<128x128xf32, #tpu.memory_space<vmem>>, vector<1x16xf32>,
        %broadcast_in_dim3A_661 = arith.constant 7 : i32
        %broadcast_in_dim3A_662 = vector.broadcast %broadcast_in_dim3A_661 : i32 to vector<16x1xi32>
        %gather3A_663 = vector.shape_cast %broadcast_in_dim3A_662 : vector<16x1xi32> to vector<16xi32>
        %gather3A_664 = tpu.dynamic_gather %get3A_47[%gather3A_663] in [0] : vector<16xf32>, vector<16xi32> -> vector<16xf32>
        %mul3A_665 = arith.constant 16 : i32
        %mul3A_666 = arith.muli %scan3A_44, %mul3A_665 : i32
        %add3A_667 = arith.constant 7 : i32
        %add3A_668 = arith.addi %mul3A_666, %add3A_667 : i32
        %get3A_669 = arith.index_cast %add3A_668 : i32 to index
        %get3A_670 = arith.constant 0 : index
        %get3A_671 = tpu.vector_load %arg8[%get3A_669, %get3A_670] {strides = array<i32>} : memref<128x128xf32, #tpu.memory_space<vmem>>, vector<1x16xf32>,
        %get3A_672 = vector.shape_cast %get3A_671 : vector<1x16xf32> to vector<16xf32>
        %mul3A_673 = arith.mulf %get3A_672, %gather3A_664 : vector<16xf32>
        %swap3A_674 = arith.index_cast %add3A_668 : i32 to index
        %swap3A_675 = arith.constant 0 : index
        %swap3A_676 = tpu.vector_load %arg8[%swap3A_674, %swap3A_675] {strides = array<i32>} : memref<128x128xf32, #tpu.memory_space<vmem>>, vector<1x16xf32>,
        %swap3A_677 = vector.shape_cast %swap3A_676 : vector<1x16xf32> to vector<16xf32>
        %swap3A_678 = vector.shape_cast %mul3A_673 : vector<16xf32> to vector<1x16xf32>
        tpu.vector_store %arg8[%swap3A_674, %swap3A_675], %swap3A_678 {strides = array<i32>} : memref<128x128xf32, #tpu.memory_space<vmem>>, vector<1x16xf32>,
        %get3A_679 = arith.index_cast %add3A_668 : i32 to index
        %get3A_680 = arith.constant 16 : index
        %get3A_681 = tpu.vector_load %arg8[%get3A_679, %get3A_680] {strides = array<i32>} : memref<128x128xf32, #tpu.memory_space<vmem>>, vector<1x16xf32>,
        %get3A_682 = vector.shape_cast %get3A_681 : vector<1x16xf32> to vector<16xf32>
        %mul3A_683 = arith.mulf %get3A_682, %gather3A_664 : vector<16xf32>
        %swap3A_684 = arith.index_cast %add3A_668 : i32 to index
        %swap3A_685 = arith.constant 16 : index
        %swap3A_686 = tpu.vector_load %arg8[%swap3A_684, %swap3A_685] {strides = array<i32>} : memref<128x128xf32, #tpu.memory_space<vmem>>, vector<1x16xf32>,
        %swap3A_687 = vector.shape_cast %swap3A_686 : vector<1x16xf32> to vector<16xf32>
        %swap3A_688 = vector.shape_cast %mul3A_683 : vector<16xf32> to vector<1x16xf32>
        tpu.vector_store %arg8[%swap3A_684, %swap3A_685], %swap3A_688 {strides = array<i32>} : memref<128x128xf32, #tpu.memory_space<vmem>>, vector<1x16xf32>,
        %get3A_689 = arith.index_cast %add3A_668 : i32 to index
        %get3A_690 = arith.constant 32 : index
        %get3A_691 = tpu.vector_load %arg8[%get3A_689, %get3A_690] {strides = array<i32>} : memref<128x128xf32, #tpu.memory_space<vmem>>, vector<1x16xf32>,
        %get3A_692 = vector.shape_cast %get3A_691 : vector<1x16xf32> to vector<16xf32>
        %mul3A_693 = arith.mulf %get3A_692, %gather3A_664 : vector<16xf32>
        %swap3A_694 = arith.index_cast %add3A_668 : i32 to index
        %swap3A_695 = arith.constant 32 : index
        %swap3A_696 = tpu.vector_load %arg8[%swap3A_694, %swap3A_695] {strides = array<i32>} : memref<128x128xf32, #tpu.memory_space<vmem>>, vector<1x16xf32>,
        %swap3A_697 = vector.shape_cast %swap3A_696 : vector<1x16xf32> to vector<16xf32>
        %swap3A_698 = vector.shape_cast %mul3A_693 : vector<16xf32> to vector<1x16xf32>
        tpu.vector_store %arg8[%swap3A_694, %swap3A_695], %swap3A_698 {strides = array<i32>} : memref<128x128xf32, #tpu.memory_space<vmem>>, vector<1x16xf32>,
        %get3A_699 = arith.index_cast %add3A_668 : i32 to index
        %get3A_700 = arith.constant 48 : index
        %get3A_701 = tpu.vector_load %arg8[%get3A_699, %get3A_700] {strides = array<i32>} : memref<128x128xf32, #tpu.memory_space<vmem>>, vector<1x16xf32>,
        %get3A_702 = vector.shape_cast %get3A_701 : vector<1x16xf32> to vector<16xf32>
        %mul3A_703 = arith.mulf %get3A_702, %gather3A_664 : vector<16xf32>
        %swap3A_704 = arith.index_cast %add3A_668 : i32 to index
        %swap3A_705 = arith.constant 48 : index
        %swap3A_706 = tpu.vector_load %arg8[%swap3A_704, %swap3A_705] {strides = array<i32>} : memref<128x128xf32, #tpu.memory_space<vmem>>, vector<1x16xf32>,
        %swap3A_707 = vector.shape_cast %swap3A_706 : vector<1x16xf32> to vector<16xf32>
        %swap3A_708 = vector.shape_cast %mul3A_703 : vector<16xf32> to vector<1x16xf32>
        tpu.vector_store %arg8[%swap3A_704, %swap3A_705], %swap3A_708 {strides = array<i32>} : memref<128x128xf32, #tpu.memory_space<vmem>>, vector<1x16xf32>,
        %get3A_709 = arith.index_cast %add3A_668 : i32 to index
        %get3A_710 = arith.constant 64 : index
        %get3A_711 = tpu.vector_load %arg8[%get3A_709, %get3A_710] {strides = array<i32>} : memref<128x128xf32, #tpu.memory_space<vmem>>, vector<1x16xf32>,
        %get3A_712 = vector.shape_cast %get3A_711 : vector<1x16xf32> to vector<16xf32>
        %mul3A_713 = arith.mulf %get3A_712, %gather3A_664 : vector<16xf32>
        %swap3A_714 = arith.index_cast %add3A_668 : i32 to index
        %swap3A_715 = arith.constant 64 : index
        %swap3A_716 = tpu.vector_load %arg8[%swap3A_714, %swap3A_715] {strides = array<i32>} : memref<128x128xf32, #tpu.memory_space<vmem>>, vector<1x16xf32>,
        %swap3A_717 = vector.shape_cast %swap3A_716 : vector<1x16xf32> to vector<16xf32>
        %swap3A_718 = vector.shape_cast %mul3A_713 : vector<16xf32> to vector<1x16xf32>
        tpu.vector_store %arg8[%swap3A_714, %swap3A_715], %swap3A_718 {strides = array<i32>} : memref<128x128xf32, #tpu.memory_space<vmem>>, vector<1x16xf32>,
        %get3A_719 = arith.index_cast %add3A_668 : i32 to index
        %get3A_720 = arith.constant 80 : index
        %get3A_721 = tpu.vector_load %arg8[%get3A_719, %get3A_720] {strides = array<i32>} : memref<128x128xf32, #tpu.memory_space<vmem>>, vector<1x16xf32>,
        %get3A_722 = vector.shape_cast %get3A_721 : vector<1x16xf32> to vector<16xf32>
        %mul3A_723 = arith.mulf %get3A_722, %gather3A_664 : vector<16xf32>
        %swap3A_724 = arith.index_cast %add3A_668 : i32 to index
        %swap3A_725 = arith.constant 80 : index
        %swap3A_726 = tpu.vector_load %arg8[%swap3A_724, %swap3A_725] {strides = array<i32>} : memref<128x128xf32, #tpu.memory_space<vmem>>, vector<1x16xf32>,
        %swap3A_727 = vector.shape_cast %swap3A_726 : vector<1x16xf32> to vector<16xf32>
        %swap3A_728 = vector.shape_cast %mul3A_723 : vector<16xf32> to vector<1x16xf32>
        tpu.vector_store %arg8[%swap3A_724, %swap3A_725], %swap3A_728 {strides = array<i32>} : memref<128x128xf32, #tpu.memory_space<vmem>>, vector<1x16xf32>,
        %get3A_729 = arith.index_cast %add3A_668 : i32 to index
        %get3A_730 = arith.constant 96 : index
        %get3A_731 = tpu.vector_load %arg8[%get3A_729, %get3A_730] {strides = array<i32>} : memref<128x128xf32, #tpu.memory_space<vmem>>, vector<1x16xf32>,
        %get3A_732 = vector.shape_cast %get3A_731 : vector<1x16xf32> to vector<16xf32>
        %mul3A_733 = arith.mulf %get3A_732, %gather3A_664 : vector<16xf32>
        %swap3A_734 = arith.index_cast %add3A_668 : i32 to index
        %swap3A_735 = arith.constant 96 : index
        %swap3A_736 = tpu.vector_load %arg8[%swap3A_734, %swap3A_735] {strides = array<i32>} : memref<128x128xf32, #tpu.memory_space<vmem>>, vector<1x16xf32>,
        %swap3A_737 = vector.shape_cast %swap3A_736 : vector<1x16xf32> to vector<16xf32>
        %swap3A_738 = vector.shape_cast %mul3A_733 : vector<16xf32> to vector<1x16xf32>
        tpu.vector_store %arg8[%swap3A_734, %swap3A_735], %swap3A_738 {strides = array<i32>} : memref<128x128xf32, #tpu.memory_space<vmem>>, vector<1x16xf32>,
        %get3A_739 = arith.index_cast %add3A_668 : i32 to index
        %get3A_740 = arith.constant 112 : index
        %get3A_741 = tpu.vector_load %arg8[%get3A_739, %get3A_740] {strides = array<i32>} : memref<128x128xf32, #tpu.memory_space<vmem>>, vector<1x16xf32>,
        %get3A_742 = vector.shape_cast %get3A_741 : vector<1x16xf32> to vector<16xf32>
        %mul3A_743 = arith.mulf %get3A_742, %gather3A_664 : vector<16xf32>
        %swap3A_744 = arith.index_cast %add3A_668 : i32 to index
        %swap3A_745 = arith.constant 112 : index
        %swap3A_746 = tpu.vector_load %arg8[%swap3A_744, %swap3A_745] {strides = array<i32>} : memref<128x128xf32, #tpu.memory_space<vmem>>, vector<1x16xf32>,
        %swap3A_747 = vector.shape_cast %swap3A_746 : vector<1x16xf32> to vector<16xf32>
        %swap3A_748 = vector.shape_cast %mul3A_743 : vector<16xf32> to vector<1x16xf32>
        tpu.vector_store %arg8[%swap3A_744, %swap3A_745], %swap3A_748 {strides = array<i32>} : memref<128x128xf32, #tpu.memory_space<vmem>>, vector<1x16xf32>,
        %broadcast_in_dim3A_749 = arith.constant 8 : i32
        %broadcast_in_dim3A_750 = vector.broadcast %broadcast_in_dim3A_749 : i32 to vector<16x1xi32>
        %gather3A_751 = vector.shape_cast %broadcast_in_dim3A_750 : vector<16x1xi32> to vector<16xi32>
        %gather3A_752 = tpu.dynamic_gather %get3A_47[%gather3A_751] in [0] : vector<16xf32>, vector<16xi32> -> vector<16xf32>
        %mul3A_753 = arith.constant 16 : i32
        %mul3A_754 = arith.muli %scan3A_44, %mul3A_753 : i32
        %add3A_755 = arith.constant 8 : i32
        %add3A_756 = arith.addi %mul3A_754, %add3A_755 : i32
        %get3A_757 = arith.index_cast %add3A_756 : i32 to index
        %get3A_758 = arith.constant 0 : index
        %get3A_759 = tpu.vector_load %arg8[%get3A_757, %get3A_758] {strides = array<i32>} : memref<128x128xf32, #tpu.memory_space<vmem>>, vector<1x16xf32>,
        %get3A_760 = vector.shape_cast %get3A_759 : vector<1x16xf32> to vector<16xf32>
        %mul3A_761 = arith.mulf %get3A_760, %gather3A_752 : vector<16xf32>
        %swap3A_762 = arith.index_cast %add3A_756 : i32 to index
        %swap3A_763 = arith.constant 0 : index
        %swap3A_764 = tpu.vector_load %arg8[%swap3A_762, %swap3A_763] {strides = array<i32>} : memref<128x128xf32, #tpu.memory_space<vmem>>, vector<1x16xf32>,
        %swap3A_765 = vector.shape_cast %swap3A_764 : vector<1x16xf32> to vector<16xf32>
        %swap3A_766 = vector.shape_cast %mul3A_761 : vector<16xf32> to vector<1x16xf32>
        tpu.vector_store %arg8[%swap3A_762, %swap3A_763], %swap3A_766 {strides = array<i32>} : memref<128x128xf32, #tpu.memory_space<vmem>>, vector<1x16xf32>,
        %get3A_767 = arith.index_cast %add3A_756 : i32 to index
        %get3A_768 = arith.constant 16 : index
        %get3A_769 = tpu.vector_load %arg8[%get3A_767, %get3A_768] {strides = array<i32>} : memref<128x128xf32, #tpu.memory_space<vmem>>, vector<1x16xf32>,
        %get3A_770 = vector.shape_cast %get3A_769 : vector<1x16xf32> to vector<16xf32>
        %mul3A_771 = arith.mulf %get3A_770, %gather3A_752 : vector<16xf32>
        %swap3A_772 = arith.index_cast %add3A_756 : i32 to index
        %swap3A_773 = arith.constant 16 : index
        %swap3A_774 = tpu.vector_load %arg8[%swap3A_772, %swap3A_773] {strides = array<i32>} : memref<128x128xf32, #tpu.memory_space<vmem>>, vector<1x16xf32>,
        %swap3A_775 = vector.shape_cast %swap3A_774 : vector<1x16xf32> to vector<16xf32>
        %swap3A_776 = vector.shape_cast %mul3A_771 : vector<16xf32> to vector<1x16xf32>
        tpu.vector_store %arg8[%swap3A_772, %swap3A_773], %swap3A_776 {strides = array<i32>} : memref<128x128xf32, #tpu.memory_space<vmem>>, vector<1x16xf32>,
        %get3A_777 = arith.index_cast %add3A_756 : i32 to index
        %get3A_778 = arith.constant 32 : index
        %get3A_779 = tpu.vector_load %arg8[%get3A_777, %get3A_778] {strides = array<i32>} : memref<128x128xf32, #tpu.memory_space<vmem>>, vector<1x16xf32>,
        %get3A_780 = vector.shape_cast %get3A_779 : vector<1x16xf32> to vector<16xf32>
        %mul3A_781 = arith.mulf %get3A_780, %gather3A_752 : vector<16xf32>
        %swap3A_782 = arith.index_cast %add3A_756 : i32 to index
        %swap3A_783 = arith.constant 32 : index
        %swap3A_784 = tpu.vector_load %arg8[%swap3A_782, %swap3A_783] {strides = array<i32>} : memref<128x128xf32, #tpu.memory_space<vmem>>, vector<1x16xf32>,
        %swap3A_785 = vector.shape_cast %swap3A_784 : vector<1x16xf32> to vector<16xf32>
        %swap3A_786 = vector.shape_cast %mul3A_781 : vector<16xf32> to vector<1x16xf32>
        tpu.vector_store %arg8[%swap3A_782, %swap3A_783], %swap3A_786 {strides = array<i32>} : memref<128x128xf32, #tpu.memory_space<vmem>>, vector<1x16xf32>,
        %get3A_787 = arith.index_cast %add3A_756 : i32 to index
        %get3A_788 = arith.constant 48 : index
        %get3A_789 = tpu.vector_load %arg8[%get3A_787, %get3A_788] {strides = array<i32>} : memref<128x128xf32, #tpu.memory_space<vmem>>, vector<1x16xf32>,
        %get3A_790 = vector.shape_cast %get3A_789 : vector<1x16xf32> to vector<16xf32>
        %mul3A_791 = arith.mulf %get3A_790, %gather3A_752 : vector<16xf32>
        %swap3A_792 = arith.index_cast %add3A_756 : i32 to index
        %swap3A_793 = arith.constant 48 : index
        %swap3A_794 = tpu.vector_load %arg8[%swap3A_792, %swap3A_793] {strides = array<i32>} : memref<128x128xf32, #tpu.memory_space<vmem>>, vector<1x16xf32>,
        %swap3A_795 = vector.shape_cast %swap3A_794 : vector<1x16xf32> to vector<16xf32>
        %swap3A_796 = vector.shape_cast %mul3A_791 : vector<16xf32> to vector<1x16xf32>
        tpu.vector_store %arg8[%swap3A_792, %swap3A_793], %swap3A_796 {strides = array<i32>} : memref<128x128xf32, #tpu.memory_space<vmem>>, vector<1x16xf32>,
        %get3A_797 = arith.index_cast %add3A_756 : i32 to index
        %get3A_798 = arith.constant 64 : index
        %get3A_799 = tpu.vector_load %arg8[%get3A_797, %get3A_798] {strides = array<i32>} : memref<128x128xf32, #tpu.memory_space<vmem>>, vector<1x16xf32>,
        %get3A_800 = vector.shape_cast %get3A_799 : vector<1x16xf32> to vector<16xf32>
        %mul3A_801 = arith.mulf %get3A_800, %gather3A_752 : vector<16xf32>
        %swap3A_802 = arith.index_cast %add3A_756 : i32 to index
        %swap3A_803 = arith.constant 64 : index
        %swap3A_804 = tpu.vector_load %arg8[%swap3A_802, %swap3A_803] {strides = array<i32>} : memref<128x128xf32, #tpu.memory_space<vmem>>, vector<1x16xf32>,
        %swap3A_805 = vector.shape_cast %swap3A_804 : vector<1x16xf32> to vector<16xf32>
        %swap3A_806 = vector.shape_cast %mul3A_801 : vector<16xf32> to vector<1x16xf32>
        tpu.vector_store %arg8[%swap3A_802, %swap3A_803], %swap3A_806 {strides = array<i32>} : memref<128x128xf32, #tpu.memory_space<vmem>>, vector<1x16xf32>,
        %get3A_807 = arith.index_cast %add3A_756 : i32 to index
        %get3A_808 = arith.constant 80 : index
        %get3A_809 = tpu.vector_load %arg8[%get3A_807, %get3A_808] {strides = array<i32>} : memref<128x128xf32, #tpu.memory_space<vmem>>, vector<1x16xf32>,
        %get3A_810 = vector.shape_cast %get3A_809 : vector<1x16xf32> to vector<16xf32>
        %mul3A_811 = arith.mulf %get3A_810, %gather3A_752 : vector<16xf32>
        %swap3A_812 = arith.index_cast %add3A_756 : i32 to index
        %swap3A_813 = arith.constant 80 : index
        %swap3A_814 = tpu.vector_load %arg8[%swap3A_812, %swap3A_813] {strides = array<i32>} : memref<128x128xf32, #tpu.memory_space<vmem>>, vector<1x16xf32>,
        %swap3A_815 = vector.shape_cast %swap3A_814 : vector<1x16xf32> to vector<16xf32>
        %swap3A_816 = vector.shape_cast %mul3A_811 : vector<16xf32> to vector<1x16xf32>
        tpu.vector_store %arg8[%swap3A_812, %swap3A_813], %swap3A_816 {strides = array<i32>} : memref<128x128xf32, #tpu.memory_space<vmem>>, vector<1x16xf32>,
        %get3A_817 = arith.index_cast %add3A_756 : i32 to index
        %get3A_818 = arith.constant 96 : index
        %get3A_819 = tpu.vector_load %arg8[%get3A_817, %get3A_818] {strides = array<i32>} : memref<128x128xf32, #tpu.memory_space<vmem>>, vector<1x16xf32>,
        %get3A_820 = vector.shape_cast %get3A_819 : vector<1x16xf32> to vector<16xf32>
        %mul3A_821 = arith.mulf %get3A_820, %gather3A_752 : vector<16xf32>
        %swap3A_822 = arith.index_cast %add3A_756 : i32 to index
        %swap3A_823 = arith.constant 96 : index
        %swap3A_824 = tpu.vector_load %arg8[%swap3A_822, %swap3A_823] {strides = array<i32>} : memref<128x128xf32, #tpu.memory_space<vmem>>, vector<1x16xf32>,
        %swap3A_825 = vector.shape_cast %swap3A_824 : vector<1x16xf32> to vector<16xf32>
        %swap3A_826 = vector.shape_cast %mul3A_821 : vector<16xf32> to vector<1x16xf32>
        tpu.vector_store %arg8[%swap3A_822, %swap3A_823], %swap3A_826 {strides = array<i32>} : memref<128x128xf32, #tpu.memory_space<vmem>>, vector<1x16xf32>,
        %get3A_827 = arith.index_cast %add3A_756 : i32 to index
        %get3A_828 = arith.constant 112 : index
        %get3A_829 = tpu.vector_load %arg8[%get3A_827, %get3A_828] {strides = array<i32>} : memref<128x128xf32, #tpu.memory_space<vmem>>, vector<1x16xf32>,
        %get3A_830 = vector.shape_cast %get3A_829 : vector<1x16xf32> to vector<16xf32>
        %mul3A_831 = arith.mulf %get3A_830, %gather3A_752 : vector<16xf32>
        %swap3A_832 = arith.index_cast %add3A_756 : i32 to index
        %swap3A_833 = arith.constant 112 : index
        %swap3A_834 = tpu.vector_load %arg8[%swap3A_832, %swap3A_833] {strides = array<i32>} : memref<128x128xf32, #tpu.memory_space<vmem>>, vector<1x16xf32>,
        %swap3A_835 = vector.shape_cast %swap3A_834 : vector<1x16xf32> to vector<16xf32>
        %swap3A_836 = vector.shape_cast %mul3A_831 : vector<16xf32> to vector<1x16xf32>
        tpu.vector_store %arg8[%swap3A_832, %swap3A_833], %swap3A_836 {strides = array<i32>} : memref<128x128xf32, #tpu.memory_space<vmem>>, vector<1x16xf32>,
        %broadcast_in_dim3A_837 = arith.constant 9 : i32
        %broadcast_in_dim3A_838 = vector.broadcast %broadcast_in_dim3A_837 : i32 to vector<16x1xi32>
        %gather3A_839 = vector.shape_cast %broadcast_in_dim3A_838 : vector<16x1xi32> to vector<16xi32>
        %gather3A_840 = tpu.dynamic_gather %get3A_47[%gather3A_839] in [0] : vector<16xf32>, vector<16xi32> -> vector<16xf32>
        %mul3A_841 = arith.constant 16 : i32
        %mul3A_842 = arith.muli %scan3A_44, %mul3A_841 : i32
        %add3A_843 = arith.constant 9 : i32
        %add3A_844 = arith.addi %mul3A_842, %add3A_843 : i32
        %get3A_845 = arith.index_cast %add3A_844 : i32 to index
        %get3A_846 = arith.constant 0 : index
        %get3A_847 = tpu.vector_load %arg8[%get3A_845, %get3A_846] {strides = array<i32>} : memref<128x128xf32, #tpu.memory_space<vmem>>, vector<1x16xf32>,
        %get3A_848 = vector.shape_cast %get3A_847 : vector<1x16xf32> to vector<16xf32>
        %mul3A_849 = arith.mulf %get3A_848, %gather3A_840 : vector<16xf32>
        %swap3A_850 = arith.index_cast %add3A_844 : i32 to index
        %swap3A_851 = arith.constant 0 : index
        %swap3A_852 = tpu.vector_load %arg8[%swap3A_850, %swap3A_851] {strides = array<i32>} : memref<128x128xf32, #tpu.memory_space<vmem>>, vector<1x16xf32>,
        %swap3A_853 = vector.shape_cast %swap3A_852 : vector<1x16xf32> to vector<16xf32>
        %swap3A_854 = vector.shape_cast %mul3A_849 : vector<16xf32> to vector<1x16xf32>
        tpu.vector_store %arg8[%swap3A_850, %swap3A_851], %swap3A_854 {strides = array<i32>} : memref<128x128xf32, #tpu.memory_space<vmem>>, vector<1x16xf32>,
        %get3A_855 = arith.index_cast %add3A_844 : i32 to index
        %get3A_856 = arith.constant 16 : index
        %get3A_857 = tpu.vector_load %arg8[%get3A_855, %get3A_856] {strides = array<i32>} : memref<128x128xf32, #tpu.memory_space<vmem>>, vector<1x16xf32>,
        %get3A_858 = vector.shape_cast %get3A_857 : vector<1x16xf32> to vector<16xf32>
        %mul3A_859 = arith.mulf %get3A_858, %gather3A_840 : vector<16xf32>
        %swap3A_860 = arith.index_cast %add3A_844 : i32 to index
        %swap3A_861 = arith.constant 16 : index
        %swap3A_862 = tpu.vector_load %arg8[%swap3A_860, %swap3A_861] {strides = array<i32>} : memref<128x128xf32, #tpu.memory_space<vmem>>, vector<1x16xf32>,
        %swap3A_863 = vector.shape_cast %swap3A_862 : vector<1x16xf32> to vector<16xf32>
        %swap3A_864 = vector.shape_cast %mul3A_859 : vector<16xf32> to vector<1x16xf32>
        tpu.vector_store %arg8[%swap3A_860, %swap3A_861], %swap3A_864 {strides = array<i32>} : memref<128x128xf32, #tpu.memory_space<vmem>>, vector<1x16xf32>,
        %get3A_865 = arith.index_cast %add3A_844 : i32 to index
        %get3A_866 = arith.constant 32 : index
        %get3A_867 = tpu.vector_load %arg8[%get3A_865, %get3A_866] {strides = array<i32>} : memref<128x128xf32, #tpu.memory_space<vmem>>, vector<1x16xf32>,
        %get3A_868 = vector.shape_cast %get3A_867 : vector<1x16xf32> to vector<16xf32>
        %mul3A_869 = arith.mulf %get3A_868, %gather3A_840 : vector<16xf32>
        %swap3A_870 = arith.index_cast %add3A_844 : i32 to index
        %swap3A_871 = arith.constant 32 : index
        %swap3A_872 = tpu.vector_load %arg8[%swap3A_870, %swap3A_871] {strides = array<i32>} : memref<128x128xf32, #tpu.memory_space<vmem>>, vector<1x16xf32>,
        %swap3A_873 = vector.shape_cast %swap3A_872 : vector<1x16xf32> to vector<16xf32>
        %swap3A_874 = vector.shape_cast %mul3A_869 : vector<16xf32> to vector<1x16xf32>
        tpu.vector_store %arg8[%swap3A_870, %swap3A_871], %swap3A_874 {strides = array<i32>} : memref<128x128xf32, #tpu.memory_space<vmem>>, vector<1x16xf32>,
        %get3A_875 = arith.index_cast %add3A_844 : i32 to index
        %get3A_876 = arith.constant 48 : index
        %get3A_877 = tpu.vector_load %arg8[%get3A_875, %get3A_876] {strides = array<i32>} : memref<128x128xf32, #tpu.memory_space<vmem>>, vector<1x16xf32>,
        %get3A_878 = vector.shape_cast %get3A_877 : vector<1x16xf32> to vector<16xf32>
        %mul3A_879 = arith.mulf %get3A_878, %gather3A_840 : vector<16xf32>
        %swap3A_880 = arith.index_cast %add3A_844 : i32 to index
        %swap3A_881 = arith.constant 48 : index
        %swap3A_882 = tpu.vector_load %arg8[%swap3A_880, %swap3A_881] {strides = array<i32>} : memref<128x128xf32, #tpu.memory_space<vmem>>, vector<1x16xf32>,
        %swap3A_883 = vector.shape_cast %swap3A_882 : vector<1x16xf32> to vector<16xf32>
        %swap3A_884 = vector.shape_cast %mul3A_879 : vector<16xf32> to vector<1x16xf32>
        tpu.vector_store %arg8[%swap3A_880, %swap3A_881], %swap3A_884 {strides = array<i32>} : memref<128x128xf32, #tpu.memory_space<vmem>>, vector<1x16xf32>,
        %get3A_885 = arith.index_cast %add3A_844 : i32 to index
        %get3A_886 = arith.constant 64 : index
        %get3A_887 = tpu.vector_load %arg8[%get3A_885, %get3A_886] {strides = array<i32>} : memref<128x128xf32, #tpu.memory_space<vmem>>, vector<1x16xf32>,
        %get3A_888 = vector.shape_cast %get3A_887 : vector<1x16xf32> to vector<16xf32>
        %mul3A_889 = arith.mulf %get3A_888, %gather3A_840 : vector<16xf32>
        %swap3A_890 = arith.index_cast %add3A_844 : i32 to index
        %swap3A_891 = arith.constant 64 : index
        %swap3A_892 = tpu.vector_load %arg8[%swap3A_890, %swap3A_891] {strides = array<i32>} : memref<128x128xf32, #tpu.memory_space<vmem>>, vector<1x16xf32>,
        %swap3A_893 = vector.shape_cast %swap3A_892 : vector<1x16xf32> to vector<16xf32>
        %swap3A_894 = vector.shape_cast %mul3A_889 : vector<16xf32> to vector<1x16xf32>
        tpu.vector_store %arg8[%swap3A_890, %swap3A_891], %swap3A_894 {strides = array<i32>} : memref<128x128xf32, #tpu.memory_space<vmem>>, vector<1x16xf32>,
        %get3A_895 = arith.index_cast %add3A_844 : i32 to index
        %get3A_896 = arith.constant 80 : index
        %get3A_897 = tpu.vector_load %arg8[%get3A_895, %get3A_896] {strides = array<i32>} : memref<128x128xf32, #tpu.memory_space<vmem>>, vector<1x16xf32>,
        %get3A_898 = vector.shape_cast %get3A_897 : vector<1x16xf32> to vector<16xf32>
        %mul3A_899 = arith.mulf %get3A_898, %gather3A_840 : vector<16xf32>
        %swap3A_900 = arith.index_cast %add3A_844 : i32 to index
        %swap3A_901 = arith.constant 80 : index
        %swap3A_902 = tpu.vector_load %arg8[%swap3A_900, %swap3A_901] {strides = array<i32>} : memref<128x128xf32, #tpu.memory_space<vmem>>, vector<1x16xf32>,
        %swap3A_903 = vector.shape_cast %swap3A_902 : vector<1x16xf32> to vector<16xf32>
        %swap3A_904 = vector.shape_cast %mul3A_899 : vector<16xf32> to vector<1x16xf32>
        tpu.vector_store %arg8[%swap3A_900, %swap3A_901], %swap3A_904 {strides = array<i32>} : memref<128x128xf32, #tpu.memory_space<vmem>>, vector<1x16xf32>,
        %get3A_905 = arith.index_cast %add3A_844 : i32 to index
        %get3A_906 = arith.constant 96 : index
        %get3A_907 = tpu.vector_load %arg8[%get3A_905, %get3A_906] {strides = array<i32>} : memref<128x128xf32, #tpu.memory_space<vmem>>, vector<1x16xf32>,
        %get3A_908 = vector.shape_cast %get3A_907 : vector<1x16xf32> to vector<16xf32>
        %mul3A_909 = arith.mulf %get3A_908, %gather3A_840 : vector<16xf32>
        %swap3A_910 = arith.index_cast %add3A_844 : i32 to index
        %swap3A_911 = arith.constant 96 : index
        %swap3A_912 = tpu.vector_load %arg8[%swap3A_910, %swap3A_911] {strides = array<i32>} : memref<128x128xf32, #tpu.memory_space<vmem>>, vector<1x16xf32>,
        %swap3A_913 = vector.shape_cast %swap3A_912 : vector<1x16xf32> to vector<16xf32>
        %swap3A_914 = vector.shape_cast %mul3A_909 : vector<16xf32> to vector<1x16xf32>
        tpu.vector_store %arg8[%swap3A_910, %swap3A_911], %swap3A_914 {strides = array<i32>} : memref<128x128xf32, #tpu.memory_space<vmem>>, vector<1x16xf32>,
        %get3A_915 = arith.index_cast %add3A_844 : i32 to index
        %get3A_916 = arith.constant 112 : index
        %get3A_917 = tpu.vector_load %arg8[%get3A_915, %get3A_916] {strides = array<i32>} : memref<128x128xf32, #tpu.memory_space<vmem>>, vector<1x16xf32>,
        %get3A_918 = vector.shape_cast %get3A_917 : vector<1x16xf32> to vector<16xf32>
        %mul3A_919 = arith.mulf %get3A_918, %gather3A_840 : vector<16xf32>
        %swap3A_920 = arith.index_cast %add3A_844 : i32 to index
        %swap3A_921 = arith.constant 112 : index
        %swap3A_922 = tpu.vector_load %arg8[%swap3A_920, %swap3A_921] {strides = array<i32>} : memref<128x128xf32, #tpu.memory_space<vmem>>, vector<1x16xf32>,
        %swap3A_923 = vector.shape_cast %swap3A_922 : vector<1x16xf32> to vector<16xf32>
        %swap3A_924 = vector.shape_cast %mul3A_919 : vector<16xf32> to vector<1x16xf32>
        tpu.vector_store %arg8[%swap3A_920, %swap3A_921], %swap3A_924 {strides = array<i32>} : memref<128x128xf32, #tpu.memory_space<vmem>>, vector<1x16xf32>,
        %broadcast_in_dim3A_925 = arith.constant 10 : i32
        %broadcast_in_dim3A_926 = vector.broadcast %broadcast_in_dim3A_925 : i32 to vector<16x1xi32>
        %gather3A_927 = vector.shape_cast %broadcast_in_dim3A_926 : vector<16x1xi32> to vector<16xi32>
        %gather3A_928 = tpu.dynamic_gather %get3A_47[%gather3A_927] in [0] : vector<16xf32>, vector<16xi32> -> vector<16xf32>
        %mul3A_929 = arith.constant 16 : i32
        %mul3A_930 = arith.muli %scan3A_44, %mul3A_929 : i32
        %add3A_931 = arith.constant 10 : i32
        %add3A_932 = arith.addi %mul3A_930, %add3A_931 : i32
        %get3A_933 = arith.index_cast %add3A_932 : i32 to index
        %get3A_934 = arith.constant 0 : index
        %get3A_935 = tpu.vector_load %arg8[%get3A_933, %get3A_934] {strides = array<i32>} : memref<128x128xf32, #tpu.memory_space<vmem>>, vector<1x16xf32>,
        %get3A_936 = vector.shape_cast %get3A_935 : vector<1x16xf32> to vector<16xf32>
        %mul3A_937 = arith.mulf %get3A_936, %gather3A_928 : vector<16xf32>
        %swap3A_938 = arith.index_cast %add3A_932 : i32 to index
        %swap3A_939 = arith.constant 0 : index
        %swap3A_940 = tpu.vector_load %arg8[%swap3A_938, %swap3A_939] {strides = array<i32>} : memref<128x128xf32, #tpu.memory_space<vmem>>, vector<1x16xf32>,
        %swap3A_941 = vector.shape_cast %swap3A_940 : vector<1x16xf32> to vector<16xf32>
        %swap3A_942 = vector.shape_cast %mul3A_937 : vector<16xf32> to vector<1x16xf32>
        tpu.vector_store %arg8[%swap3A_938, %swap3A_939], %swap3A_942 {strides = array<i32>} : memref<128x128xf32, #tpu.memory_space<vmem>>, vector<1x16xf32>,
        %get3A_943 = arith.index_cast %add3A_932 : i32 to index
        %get3A_944 = arith.constant 16 : index
        %get3A_945 = tpu.vector_load %arg8[%get3A_943, %get3A_944] {strides = array<i32>} : memref<128x128xf32, #tpu.memory_space<vmem>>, vector<1x16xf32>,
        %get3A_946 = vector.shape_cast %get3A_945 : vector<1x16xf32> to vector<16xf32>
        %mul3A_947 = arith.mulf %get3A_946, %gather3A_928 : vector<16xf32>
        %swap3A_948 = arith.index_cast %add3A_932 : i32 to index
        %swap3A_949 = arith.constant 16 : index
        %swap3A_950 = tpu.vector_load %arg8[%swap3A_948, %swap3A_949] {strides = array<i32>} : memref<128x128xf32, #tpu.memory_space<vmem>>, vector<1x16xf32>,
        %swap3A_951 = vector.shape_cast %swap3A_950 : vector<1x16xf32> to vector<16xf32>
        %swap3A_952 = vector.shape_cast %mul3A_947 : vector<16xf32> to vector<1x16xf32>
        tpu.vector_store %arg8[%swap3A_948, %swap3A_949], %swap3A_952 {strides = array<i32>} : memref<128x128xf32, #tpu.memory_space<vmem>>, vector<1x16xf32>,
        %get3A_953 = arith.index_cast %add3A_932 : i32 to index
        %get3A_954 = arith.constant 32 : index
        %get3A_955 = tpu.vector_load %arg8[%get3A_953, %get3A_954] {strides = array<i32>} : memref<128x128xf32, #tpu.memory_space<vmem>>, vector<1x16xf32>,
        %get3A_956 = vector.shape_cast %get3A_955 : vector<1x16xf32> to vector<16xf32>
        %mul3A_957 = arith.mulf %get3A_956, %gather3A_928 : vector<16xf32>
        %swap3A_958 = arith.index_cast %add3A_932 : i32 to index
        %swap3A_959 = arith.constant 32 : index
        %swap3A_960 = tpu.vector_load %arg8[%swap3A_958, %swap3A_959] {strides = array<i32>} : memref<128x128xf32, #tpu.memory_space<vmem>>, vector<1x16xf32>,
        %swap3A_961 = vector.shape_cast %swap3A_960 : vector<1x16xf32> to vector<16xf32>
        %swap3A_962 = vector.shape_cast %mul3A_957 : vector<16xf32> to vector<1x16xf32>
        tpu.vector_store %arg8[%swap3A_958, %swap3A_959], %swap3A_962 {strides = array<i32>} : memref<128x128xf32, #tpu.memory_space<vmem>>, vector<1x16xf32>,
        %get3A_963 = arith.index_cast %add3A_932 : i32 to index
        %get3A_964 = arith.constant 48 : index
        %get3A_965 = tpu.vector_load %arg8[%get3A_963, %get3A_964] {strides = array<i32>} : memref<128x128xf32, #tpu.memory_space<vmem>>, vector<1x16xf32>,
        %get3A_966 = vector.shape_cast %get3A_965 : vector<1x16xf32> to vector<16xf32>
        %mul3A_967 = arith.mulf %get3A_966, %gather3A_928 : vector<16xf32>
        %swap3A_968 = arith.index_cast %add3A_932 : i32 to index
        %swap3A_969 = arith.constant 48 : index
        %swap3A_970 = tpu.vector_load %arg8[%swap3A_968, %swap3A_969] {strides = array<i32>} : memref<128x128xf32, #tpu.memory_space<vmem>>, vector<1x16xf32>,
        %swap3A_971 = vector.shape_cast %swap3A_970 : vector<1x16xf32> to vector<16xf32>
        %swap3A_972 = vector.shape_cast %mul3A_967 : vector<16xf32> to vector<1x16xf32>
        tpu.vector_store %arg8[%swap3A_968, %swap3A_969], %swap3A_972 {strides = array<i32>} : memref<128x128xf32, #tpu.memory_space<vmem>>, vector<1x16xf32>,
        %get3A_973 = arith.index_cast %add3A_932 : i32 to index
        %get3A_974 = arith.constant 64 : index
        %get3A_975 = tpu.vector_load %arg8[%get3A_973, %get3A_974] {strides = array<i32>} : memref<128x128xf32, #tpu.memory_space<vmem>>, vector<1x16xf32>,
        %get3A_976 = vector.shape_cast %get3A_975 : vector<1x16xf32> to vector<16xf32>
        %mul3A_977 = arith.mulf %get3A_976, %gather3A_928 : vector<16xf32>
        %swap3A_978 = arith.index_cast %add3A_932 : i32 to index
        %swap3A_979 = arith.constant 64 : index
        %swap3A_980 = tpu.vector_load %arg8[%swap3A_978, %swap3A_979] {strides = array<i32>} : memref<128x128xf32, #tpu.memory_space<vmem>>, vector<1x16xf32>,
        %swap3A_981 = vector.shape_cast %swap3A_980 : vector<1x16xf32> to vector<16xf32>
        %swap3A_982 = vector.shape_cast %mul3A_977 : vector<16xf32> to vector<1x16xf32>
        tpu.vector_store %arg8[%swap3A_978, %swap3A_979], %swap3A_982 {strides = array<i32>} : memref<128x128xf32, #tpu.memory_space<vmem>>, vector<1x16xf32>,
        %get3A_983 = arith.index_cast %add3A_932 : i32 to index
        %get3A_984 = arith.constant 80 : index
        %get3A_985 = tpu.vector_load %arg8[%get3A_983, %get3A_984] {strides = array<i32>} : memref<128x128xf32, #tpu.memory_space<vmem>>, vector<1x16xf32>,
        %get3A_986 = vector.shape_cast %get3A_985 : vector<1x16xf32> to vector<16xf32>
        %mul3A_987 = arith.mulf %get3A_986, %gather3A_928 : vector<16xf32>
        %swap3A_988 = arith.index_cast %add3A_932 : i32 to index
        %swap3A_989 = arith.constant 80 : index
        %swap3A_990 = tpu.vector_load %arg8[%swap3A_988, %swap3A_989] {strides = array<i32>} : memref<128x128xf32, #tpu.memory_space<vmem>>, vector<1x16xf32>,
        %swap3A_991 = vector.shape_cast %swap3A_990 : vector<1x16xf32> to vector<16xf32>
        %swap3A_992 = vector.shape_cast %mul3A_987 : vector<16xf32> to vector<1x16xf32>
        tpu.vector_store %arg8[%swap3A_988, %swap3A_989], %swap3A_992 {strides = array<i32>} : memref<128x128xf32, #tpu.memory_space<vmem>>, vector<1x16xf32>,
        %get3A_993 = arith.index_cast %add3A_932 : i32 to index
        %get3A_994 = arith.constant 96 : index
        %get3A_995 = tpu.vector_load %arg8[%get3A_993, %get3A_994] {strides = array<i32>} : memref<128x128xf32, #tpu.memory_space<vmem>>, vector<1x16xf32>,
        %get3A_996 = vector.shape_cast %get3A_995 : vector<1x16xf32> to vector<16xf32>
        %mul3A_997 = arith.mulf %get3A_996, %gather3A_928 : vector<16xf32>
        %swap3A_998 = arith.index_cast %add3A_932 : i32 to index
        %swap3A_999 = arith.constant 96 : index
        %swap3A_1000 = tpu.vector_load %arg8[%swap3A_998, %swap3A_999] {strides = array<i32>} : memref<128x128xf32, #tpu.memory_space<vmem>>, vector<1x16xf32>,
        %swap3A_1001 = vector.shape_cast %swap3A_1000 : vector<1x16xf32> to vector<16xf32>
        %swap3A_1002 = vector.shape_cast %mul3A_997 : vector<16xf32> to vector<1x16xf32>
        tpu.vector_store %arg8[%swap3A_998, %swap3A_999], %swap3A_1002 {strides = array<i32>} : memref<128x128xf32, #tpu.memory_space<vmem>>, vector<1x16xf32>,
        %get3A_1003 = arith.index_cast %add3A_932 : i32 to index
        %get3A_1004 = arith.constant 112 : index
        %get3A_1005 = tpu.vector_load %arg8[%get3A_1003, %get3A_1004] {strides = array<i32>} : memref<128x128xf32, #tpu.memory_space<vmem>>, vector<1x16xf32>,
        %get3A_1006 = vector.shape_cast %get3A_1005 : vector<1x16xf32> to vector<16xf32>
        %mul3A_1007 = arith.mulf %get3A_1006, %gather3A_928 : vector<16xf32>
        %swap3A_1008 = arith.index_cast %add3A_932 : i32 to index
        %swap3A_1009 = arith.constant 112 : index
        %swap3A_1010 = tpu.vector_load %arg8[%swap3A_1008, %swap3A_1009] {strides = array<i32>} : memref<128x128xf32, #tpu.memory_space<vmem>>, vector<1x16xf32>,
        %swap3A_1011 = vector.shape_cast %swap3A_1010 : vector<1x16xf32> to vector<16xf32>
        %swap3A_1012 = vector.shape_cast %mul3A_1007 : vector<16xf32> to vector<1x16xf32>
        tpu.vector_store %arg8[%swap3A_1008, %swap3A_1009], %swap3A_1012 {strides = array<i32>} : memref<128x128xf32, #tpu.memory_space<vmem>>, vector<1x16xf32>,
        %broadcast_in_dim3A_1013 = arith.constant 11 : i32
        %broadcast_in_dim3A_1014 = vector.broadcast %broadcast_in_dim3A_1013 : i32 to vector<16x1xi32>
        %gather3A_1015 = vector.shape_cast %broadcast_in_dim3A_1014 : vector<16x1xi32> to vector<16xi32>
        %gather3A_1016 = tpu.dynamic_gather %get3A_47[%gather3A_1015] in [0] : vector<16xf32>, vector<16xi32> -> vector<16xf32>
        %mul3A_1017 = arith.constant 16 : i32
        %mul3A_1018 = arith.muli %scan3A_44, %mul3A_1017 : i32
        %add3A_1019 = arith.constant 11 : i32
        %add3A_1020 = arith.addi %mul3A_1018, %add3A_1019 : i32
        %get3A_1021 = arith.index_cast %add3A_1020 : i32 to index
        %get3A_1022 = arith.constant 0 : index
        %get3A_1023 = tpu.vector_load %arg8[%get3A_1021, %get3A_1022] {strides = array<i32>} : memref<128x128xf32, #tpu.memory_space<vmem>>, vector<1x16xf32>,
        %get3A_1024 = vector.shape_cast %get3A_1023 : vector<1x16xf32> to vector<16xf32>
        %mul3A_1025 = arith.mulf %get3A_1024, %gather3A_1016 : vector<16xf32>
        %swap3A_1026 = arith.index_cast %add3A_1020 : i32 to index
        %swap3A_1027 = arith.constant 0 : index
        %swap3A_1028 = tpu.vector_load %arg8[%swap3A_1026, %swap3A_1027] {strides = array<i32>} : memref<128x128xf32, #tpu.memory_space<vmem>>, vector<1x16xf32>,
        %swap3A_1029 = vector.shape_cast %swap3A_1028 : vector<1x16xf32> to vector<16xf32>
        %swap3A_1030 = vector.shape_cast %mul3A_1025 : vector<16xf32> to vector<1x16xf32>
        tpu.vector_store %arg8[%swap3A_1026, %swap3A_1027], %swap3A_1030 {strides = array<i32>} : memref<128x128xf32, #tpu.memory_space<vmem>>, vector<1x16xf32>,
        %get3A_1031 = arith.index_cast %add3A_1020 : i32 to index
        %get3A_1032 = arith.constant 16 : index
        %get3A_1033 = tpu.vector_load %arg8[%get3A_1031, %get3A_1032] {strides = array<i32>} : memref<128x128xf32, #tpu.memory_space<vmem>>, vector<1x16xf32>,
        %get3A_1034 = vector.shape_cast %get3A_1033 : vector<1x16xf32> to vector<16xf32>
        %mul3A_1035 = arith.mulf %get3A_1034, %gather3A_1016 : vector<16xf32>
        %swap3A_1036 = arith.index_cast %add3A_1020 : i32 to index
        %swap3A_1037 = arith.constant 16 : index
        %swap3A_1038 = tpu.vector_load %arg8[%swap3A_1036, %swap3A_1037] {strides = array<i32>} : memref<128x128xf32, #tpu.memory_space<vmem>>, vector<1x16xf32>,
        %swap3A_1039 = vector.shape_cast %swap3A_1038 : vector<1x16xf32> to vector<16xf32>
        %swap3A_1040 = vector.shape_cast %mul3A_1035 : vector<16xf32> to vector<1x16xf32>
        tpu.vector_store %arg8[%swap3A_1036, %swap3A_1037], %swap3A_1040 {strides = array<i32>} : memref<128x128xf32, #tpu.memory_space<vmem>>, vector<1x16xf32>,
        %get3A_1041 = arith.index_cast %add3A_1020 : i32 to index
        %get3A_1042 = arith.constant 32 : index
        %get3A_1043 = tpu.vector_load %arg8[%get3A_1041, %get3A_1042] {strides = array<i32>} : memref<128x128xf32, #tpu.memory_space<vmem>>, vector<1x16xf32>,
        %get3A_1044 = vector.shape_cast %get3A_1043 : vector<1x16xf32> to vector<16xf32>
        %mul3A_1045 = arith.mulf %get3A_1044, %gather3A_1016 : vector<16xf32>
        %swap3A_1046 = arith.index_cast %add3A_1020 : i32 to index
        %swap3A_1047 = arith.constant 32 : index
        %swap3A_1048 = tpu.vector_load %arg8[%swap3A_1046, %swap3A_1047] {strides = array<i32>} : memref<128x128xf32, #tpu.memory_space<vmem>>, vector<1x16xf32>,
        %swap3A_1049 = vector.shape_cast %swap3A_1048 : vector<1x16xf32> to vector<16xf32>
        %swap3A_1050 = vector.shape_cast %mul3A_1045 : vector<16xf32> to vector<1x16xf32>
        tpu.vector_store %arg8[%swap3A_1046, %swap3A_1047], %swap3A_1050 {strides = array<i32>} : memref<128x128xf32, #tpu.memory_space<vmem>>, vector<1x16xf32>,
        %get3A_1051 = arith.index_cast %add3A_1020 : i32 to index
        %get3A_1052 = arith.constant 48 : index
        %get3A_1053 = tpu.vector_load %arg8[%get3A_1051, %get3A_1052] {strides = array<i32>} : memref<128x128xf32, #tpu.memory_space<vmem>>, vector<1x16xf32>,
        %get3A_1054 = vector.shape_cast %get3A_1053 : vector<1x16xf32> to vector<16xf32>
        %mul3A_1055 = arith.mulf %get3A_1054, %gather3A_1016 : vector<16xf32>
        %swap3A_1056 = arith.index_cast %add3A_1020 : i32 to index
        %swap3A_1057 = arith.constant 48 : index
        %swap3A_1058 = tpu.vector_load %arg8[%swap3A_1056, %swap3A_1057] {strides = array<i32>} : memref<128x128xf32, #tpu.memory_space<vmem>>, vector<1x16xf32>,
        %swap3A_1059 = vector.shape_cast %swap3A_1058 : vector<1x16xf32> to vector<16xf32>
        %swap3A_1060 = vector.shape_cast %mul3A_1055 : vector<16xf32> to vector<1x16xf32>
        tpu.vector_store %arg8[%swap3A_1056, %swap3A_1057], %swap3A_1060 {strides = array<i32>} : memref<128x128xf32, #tpu.memory_space<vmem>>, vector<1x16xf32>,
        %get3A_1061 = arith.index_cast %add3A_1020 : i32 to index
        %get3A_1062 = arith.constant 64 : index
        %get3A_1063 = tpu.vector_load %arg8[%get3A_1061, %get3A_1062] {strides = array<i32>} : memref<128x128xf32, #tpu.memory_space<vmem>>, vector<1x16xf32>,
        %get3A_1064 = vector.shape_cast %get3A_1063 : vector<1x16xf32> to vector<16xf32>
        %mul3A_1065 = arith.mulf %get3A_1064, %gather3A_1016 : vector<16xf32>
        %swap3A_1066 = arith.index_cast %add3A_1020 : i32 to index
        %swap3A_1067 = arith.constant 64 : index
        %swap3A_1068 = tpu.vector_load %arg8[%swap3A_1066, %swap3A_1067] {strides = array<i32>} : memref<128x128xf32, #tpu.memory_space<vmem>>, vector<1x16xf32>,
        %swap3A_1069 = vector.shape_cast %swap3A_1068 : vector<1x16xf32> to vector<16xf32>
        %swap3A_1070 = vector.shape_cast %mul3A_1065 : vector<16xf32> to vector<1x16xf32>
        tpu.vector_store %arg8[%swap3A_1066, %swap3A_1067], %swap3A_1070 {strides = array<i32>} : memref<128x128xf32, #tpu.memory_space<vmem>>, vector<1x16xf32>,
        %get3A_1071 = arith.index_cast %add3A_1020 : i32 to index
        %get3A_1072 = arith.constant 80 : index
        %get3A_1073 = tpu.vector_load %arg8[%get3A_1071, %get3A_1072] {strides = array<i32>} : memref<128x128xf32, #tpu.memory_space<vmem>>, vector<1x16xf32>,
        %get3A_1074 = vector.shape_cast %get3A_1073 : vector<1x16xf32> to vector<16xf32>
        %mul3A_1075 = arith.mulf %get3A_1074, %gather3A_1016 : vector<16xf32>
        %swap3A_1076 = arith.index_cast %add3A_1020 : i32 to index
        %swap3A_1077 = arith.constant 80 : index
        %swap3A_1078 = tpu.vector_load %arg8[%swap3A_1076, %swap3A_1077] {strides = array<i32>} : memref<128x128xf32, #tpu.memory_space<vmem>>, vector<1x16xf32>,
        %swap3A_1079 = vector.shape_cast %swap3A_1078 : vector<1x16xf32> to vector<16xf32>
        %swap3A_1080 = vector.shape_cast %mul3A_1075 : vector<16xf32> to vector<1x16xf32>
        tpu.vector_store %arg8[%swap3A_1076, %swap3A_1077], %swap3A_1080 {strides = array<i32>} : memref<128x128xf32, #tpu.memory_space<vmem>>, vector<1x16xf32>,
        %get3A_1081 = arith.index_cast %add3A_1020 : i32 to index
        %get3A_1082 = arith.constant 96 : index
        %get3A_1083 = tpu.vector_load %arg8[%get3A_1081, %get3A_1082] {strides = array<i32>} : memref<128x128xf32, #tpu.memory_space<vmem>>, vector<1x16xf32>,
        %get3A_1084 = vector.shape_cast %get3A_1083 : vector<1x16xf32> to vector<16xf32>
        %mul3A_1085 = arith.mulf %get3A_1084, %gather3A_1016 : vector<16xf32>
        %swap3A_1086 = arith.index_cast %add3A_1020 : i32 to index
        %swap3A_1087 = arith.constant 96 : index
        %swap3A_1088 = tpu.vector_load %arg8[%swap3A_1086, %swap3A_1087] {strides = array<i32>} : memref<128x128xf32, #tpu.memory_space<vmem>>, vector<1x16xf32>,
        %swap3A_1089 = vector.shape_cast %swap3A_1088 : vector<1x16xf32> to vector<16xf32>
        %swap3A_1090 = vector.shape_cast %mul3A_1085 : vector<16xf32> to vector<1x16xf32>
        tpu.vector_store %arg8[%swap3A_1086, %swap3A_1087], %swap3A_1090 {strides = array<i32>} : memref<128x128xf32, #tpu.memory_space<vmem>>, vector<1x16xf32>,
        %get3A_1091 = arith.index_cast %add3A_1020 : i32 to index
        %get3A_1092 = arith.constant 112 : index
        %get3A_1093 = tpu.vector_load %arg8[%get3A_1091, %get3A_1092] {strides = array<i32>} : memref<128x128xf32, #tpu.memory_space<vmem>>, vector<1x16xf32>,
        %get3A_1094 = vector.shape_cast %get3A_1093 : vector<1x16xf32> to vector<16xf32>
        %mul3A_1095 = arith.mulf %get3A_1094, %gather3A_1016 : vector<16xf32>
        %swap3A_1096 = arith.index_cast %add3A_1020 : i32 to index
        %swap3A_1097 = arith.constant 112 : index
        %swap3A_1098 = tpu.vector_load %arg8[%swap3A_1096, %swap3A_1097] {strides = array<i32>} : memref<128x128xf32, #tpu.memory_space<vmem>>, vector<1x16xf32>,
        %swap3A_1099 = vector.shape_cast %swap3A_1098 : vector<1x16xf32> to vector<16xf32>
        %swap3A_1100 = vector.shape_cast %mul3A_1095 : vector<16xf32> to vector<1x16xf32>
        tpu.vector_store %arg8[%swap3A_1096, %swap3A_1097], %swap3A_1100 {strides = array<i32>} : memref<128x128xf32, #tpu.memory_space<vmem>>, vector<1x16xf32>,
        %broadcast_in_dim3A_1101 = arith.constant 12 : i32
        %broadcast_in_dim3A_1102 = vector.broadcast %broadcast_in_dim3A_1101 : i32 to vector<16x1xi32>
        %gather3A_1103 = vector.shape_cast %broadcast_in_dim3A_1102 : vector<16x1xi32> to vector<16xi32>
        %gather3A_1104 = tpu.dynamic_gather %get3A_47[%gather3A_1103] in [0] : vector<16xf32>, vector<16xi32> -> vector<16xf32>
        %mul3A_1105 = arith.constant 16 : i32
        %mul3A_1106 = arith.muli %scan3A_44, %mul3A_1105 : i32
        %add3A_1107 = arith.constant 12 : i32
        %add3A_1108 = arith.addi %mul3A_1106, %add3A_1107 : i32
        %get3A_1109 = arith.index_cast %add3A_1108 : i32 to index
        %get3A_1110 = arith.constant 0 : index
        %get3A_1111 = tpu.vector_load %arg8[%get3A_1109, %get3A_1110] {strides = array<i32>} : memref<128x128xf32, #tpu.memory_space<vmem>>, vector<1x16xf32>,
        %get3A_1112 = vector.shape_cast %get3A_1111 : vector<1x16xf32> to vector<16xf32>
        %mul3A_1113 = arith.mulf %get3A_1112, %gather3A_1104 : vector<16xf32>
        %swap3A_1114 = arith.index_cast %add3A_1108 : i32 to index
        %swap3A_1115 = arith.constant 0 : index
        %swap3A_1116 = tpu.vector_load %arg8[%swap3A_1114, %swap3A_1115] {strides = array<i32>} : memref<128x128xf32, #tpu.memory_space<vmem>>, vector<1x16xf32>,
        %swap3A_1117 = vector.shape_cast %swap3A_1116 : vector<1x16xf32> to vector<16xf32>
        %swap3A_1118 = vector.shape_cast %mul3A_1113 : vector<16xf32> to vector<1x16xf32>
        tpu.vector_store %arg8[%swap3A_1114, %swap3A_1115], %swap3A_1118 {strides = array<i32>} : memref<128x128xf32, #tpu.memory_space<vmem>>, vector<1x16xf32>,
        %get3A_1119 = arith.index_cast %add3A_1108 : i32 to index
        %get3A_1120 = arith.constant 16 : index
        %get3A_1121 = tpu.vector_load %arg8[%get3A_1119, %get3A_1120] {strides = array<i32>} : memref<128x128xf32, #tpu.memory_space<vmem>>, vector<1x16xf32>,
        %get3A_1122 = vector.shape_cast %get3A_1121 : vector<1x16xf32> to vector<16xf32>
        %mul3A_1123 = arith.mulf %get3A_1122, %gather3A_1104 : vector<16xf32>
        %swap3A_1124 = arith.index_cast %add3A_1108 : i32 to index
        %swap3A_1125 = arith.constant 16 : index
        %swap3A_1126 = tpu.vector_load %arg8[%swap3A_1124, %swap3A_1125] {strides = array<i32>} : memref<128x128xf32, #tpu.memory_space<vmem>>, vector<1x16xf32>,
        %swap3A_1127 = vector.shape_cast %swap3A_1126 : vector<1x16xf32> to vector<16xf32>
        %swap3A_1128 = vector.shape_cast %mul3A_1123 : vector<16xf32> to vector<1x16xf32>
        tpu.vector_store %arg8[%swap3A_1124, %swap3A_1125], %swap3A_1128 {strides = array<i32>} : memref<128x128xf32, #tpu.memory_space<vmem>>, vector<1x16xf32>,
        %get3A_1129 = arith.index_cast %add3A_1108 : i32 to index
        %get3A_1130 = arith.constant 32 : index
        %get3A_1131 = tpu.vector_load %arg8[%get3A_1129, %get3A_1130] {strides = array<i32>} : memref<128x128xf32, #tpu.memory_space<vmem>>, vector<1x16xf32>,
        %get3A_1132 = vector.shape_cast %get3A_1131 : vector<1x16xf32> to vector<16xf32>
        %mul3A_1133 = arith.mulf %get3A_1132, %gather3A_1104 : vector<16xf32>
        %swap3A_1134 = arith.index_cast %add3A_1108 : i32 to index
        %swap3A_1135 = arith.constant 32 : index
        %swap3A_1136 = tpu.vector_load %arg8[%swap3A_1134, %swap3A_1135] {strides = array<i32>} : memref<128x128xf32, #tpu.memory_space<vmem>>, vector<1x16xf32>,
        %swap3A_1137 = vector.shape_cast %swap3A_1136 : vector<1x16xf32> to vector<16xf32>
        %swap3A_1138 = vector.shape_cast %mul3A_1133 : vector<16xf32> to vector<1x16xf32>
        tpu.vector_store %arg8[%swap3A_1134, %swap3A_1135], %swap3A_1138 {strides = array<i32>} : memref<128x128xf32, #tpu.memory_space<vmem>>, vector<1x16xf32>,
        %get3A_1139 = arith.index_cast %add3A_1108 : i32 to index
        %get3A_1140 = arith.constant 48 : index
        %get3A_1141 = tpu.vector_load %arg8[%get3A_1139, %get3A_1140] {strides = array<i32>} : memref<128x128xf32, #tpu.memory_space<vmem>>, vector<1x16xf32>,
        %get3A_1142 = vector.shape_cast %get3A_1141 : vector<1x16xf32> to vector<16xf32>
        %mul3A_1143 = arith.mulf %get3A_1142, %gather3A_1104 : vector<16xf32>
        %swap3A_1144 = arith.index_cast %add3A_1108 : i32 to index
        %swap3A_1145 = arith.constant 48 : index
        %swap3A_1146 = tpu.vector_load %arg8[%swap3A_1144, %swap3A_1145] {strides = array<i32>} : memref<128x128xf32, #tpu.memory_space<vmem>>, vector<1x16xf32>,
        %swap3A_1147 = vector.shape_cast %swap3A_1146 : vector<1x16xf32> to vector<16xf32>
        %swap3A_1148 = vector.shape_cast %mul3A_1143 : vector<16xf32> to vector<1x16xf32>
        tpu.vector_store %arg8[%swap3A_1144, %swap3A_1145], %swap3A_1148 {strides = array<i32>} : memref<128x128xf32, #tpu.memory_space<vmem>>, vector<1x16xf32>,
        %get3A_1149 = arith.index_cast %add3A_1108 : i32 to index
        %get3A_1150 = arith.constant 64 : index
        %get3A_1151 = tpu.vector_load %arg8[%get3A_1149, %get3A_1150] {strides = array<i32>} : memref<128x128xf32, #tpu.memory_space<vmem>>, vector<1x16xf32>,
        %get3A_1152 = vector.shape_cast %get3A_1151 : vector<1x16xf32> to vector<16xf32>
        %mul3A_1153 = arith.mulf %get3A_1152, %gather3A_1104 : vector<16xf32>
        %swap3A_1154 = arith.index_cast %add3A_1108 : i32 to index
        %swap3A_1155 = arith.constant 64 : index
        %swap3A_1156 = tpu.vector_load %arg8[%swap3A_1154, %swap3A_1155] {strides = array<i32>} : memref<128x128xf32, #tpu.memory_space<vmem>>, vector<1x16xf32>,
        %swap3A_1157 = vector.shape_cast %swap3A_1156 : vector<1x16xf32> to vector<16xf32>
        %swap3A_1158 = vector.shape_cast %mul3A_1153 : vector<16xf32> to vector<1x16xf32>
        tpu.vector_store %arg8[%swap3A_1154, %swap3A_1155], %swap3A_1158 {strides = array<i32>} : memref<128x128xf32, #tpu.memory_space<vmem>>, vector<1x16xf32>,
        %get3A_1159 = arith.index_cast %add3A_1108 : i32 to index
        %get3A_1160 = arith.constant 80 : index
        %get3A_1161 = tpu.vector_load %arg8[%get3A_1159, %get3A_1160] {strides = array<i32>} : memref<128x128xf32, #tpu.memory_space<vmem>>, vector<1x16xf32>,
        %get3A_1162 = vector.shape_cast %get3A_1161 : vector<1x16xf32> to vector<16xf32>
        %mul3A_1163 = arith.mulf %get3A_1162, %gather3A_1104 : vector<16xf32>
        %swap3A_1164 = arith.index_cast %add3A_1108 : i32 to index
        %swap3A_1165 = arith.constant 80 : index
        %swap3A_1166 = tpu.vector_load %arg8[%swap3A_1164, %swap3A_1165] {strides = array<i32>} : memref<128x128xf32, #tpu.memory_space<vmem>>, vector<1x16xf32>,
        %swap3A_1167 = vector.shape_cast %swap3A_1166 : vector<1x16xf32> to vector<16xf32>
        %swap3A_1168 = vector.shape_cast %mul3A_1163 : vector<16xf32> to vector<1x16xf32>
        tpu.vector_store %arg8[%swap3A_1164, %swap3A_1165], %swap3A_1168 {strides = array<i32>} : memref<128x128xf32, #tpu.memory_space<vmem>>, vector<1x16xf32>,
        %get3A_1169 = arith.index_cast %add3A_1108 : i32 to index
        %get3A_1170 = arith.constant 96 : index
        %get3A_1171 = tpu.vector_load %arg8[%get3A_1169, %get3A_1170] {strides = array<i32>} : memref<128x128xf32, #tpu.memory_space<vmem>>, vector<1x16xf32>,
        %get3A_1172 = vector.shape_cast %get3A_1171 : vector<1x16xf32> to vector<16xf32>
        %mul3A_1173 = arith.mulf %get3A_1172, %gather3A_1104 : vector<16xf32>
        %swap3A_1174 = arith.index_cast %add3A_1108 : i32 to index
        %swap3A_1175 = arith.constant 96 : index
        %swap3A_1176 = tpu.vector_load %arg8[%swap3A_1174, %swap3A_1175] {strides = array<i32>} : memref<128x128xf32, #tpu.memory_space<vmem>>, vector<1x16xf32>,
        %swap3A_1177 = vector.shape_cast %swap3A_1176 : vector<1x16xf32> to vector<16xf32>
        %swap3A_1178 = vector.shape_cast %mul3A_1173 : vector<16xf32> to vector<1x16xf32>
        tpu.vector_store %arg8[%swap3A_1174, %swap3A_1175], %swap3A_1178 {strides = array<i32>} : memref<128x128xf32, #tpu.memory_space<vmem>>, vector<1x16xf32>,
        %get3A_1179 = arith.index_cast %add3A_1108 : i32 to index
        %get3A_1180 = arith.constant 112 : index
        %get3A_1181 = tpu.vector_load %arg8[%get3A_1179, %get3A_1180] {strides = array<i32>} : memref<128x128xf32, #tpu.memory_space<vmem>>, vector<1x16xf32>,
        %get3A_1182 = vector.shape_cast %get3A_1181 : vector<1x16xf32> to vector<16xf32>
        %mul3A_1183 = arith.mulf %get3A_1182, %gather3A_1104 : vector<16xf32>
        %swap3A_1184 = arith.index_cast %add3A_1108 : i32 to index
        %swap3A_1185 = arith.constant 112 : index
        %swap3A_1186 = tpu.vector_load %arg8[%swap3A_1184, %swap3A_1185] {strides = array<i32>} : memref<128x128xf32, #tpu.memory_space<vmem>>, vector<1x16xf32>,
        %swap3A_1187 = vector.shape_cast %swap3A_1186 : vector<1x16xf32> to vector<16xf32>
        %swap3A_1188 = vector.shape_cast %mul3A_1183 : vector<16xf32> to vector<1x16xf32>
        tpu.vector_store %arg8[%swap3A_1184, %swap3A_1185], %swap3A_1188 {strides = array<i32>} : memref<128x128xf32, #tpu.memory_space<vmem>>, vector<1x16xf32>,
        %broadcast_in_dim3A_1189 = arith.constant 13 : i32
        %broadcast_in_dim3A_1190 = vector.broadcast %broadcast_in_dim3A_1189 : i32 to vector<16x1xi32>
        %gather3A_1191 = vector.shape_cast %broadcast_in_dim3A_1190 : vector<16x1xi32> to vector<16xi32>
        %gather3A_1192 = tpu.dynamic_gather %get3A_47[%gather3A_1191] in [0] : vector<16xf32>, vector<16xi32> -> vector<16xf32>
        %mul3A_1193 = arith.constant 16 : i32
        %mul3A_1194 = arith.muli %scan3A_44, %mul3A_1193 : i32
        %add3A_1195 = arith.constant 13 : i32
        %add3A_1196 = arith.addi %mul3A_1194, %add3A_1195 : i32
        %get3A_1197 = arith.index_cast %add3A_1196 : i32 to index
        %get3A_1198 = arith.constant 0 : index
        %get3A_1199 = tpu.vector_load %arg8[%get3A_1197, %get3A_1198] {strides = array<i32>} : memref<128x128xf32, #tpu.memory_space<vmem>>, vector<1x16xf32>,
        %get3A_1200 = vector.shape_cast %get3A_1199 : vector<1x16xf32> to vector<16xf32>
        %mul3A_1201 = arith.mulf %get3A_1200, %gather3A_1192 : vector<16xf32>
        %swap3A_1202 = arith.index_cast %add3A_1196 : i32 to index
        %swap3A_1203 = arith.constant 0 : index
        %swap3A_1204 = tpu.vector_load %arg8[%swap3A_1202, %swap3A_1203] {strides = array<i32>} : memref<128x128xf32, #tpu.memory_space<vmem>>, vector<1x16xf32>,
        %swap3A_1205 = vector.shape_cast %swap3A_1204 : vector<1x16xf32> to vector<16xf32>
        %swap3A_1206 = vector.shape_cast %mul3A_1201 : vector<16xf32> to vector<1x16xf32>
        tpu.vector_store %arg8[%swap3A_1202, %swap3A_1203], %swap3A_1206 {strides = array<i32>} : memref<128x128xf32, #tpu.memory_space<vmem>>, vector<1x16xf32>,
        %get3A_1207 = arith.index_cast %add3A_1196 : i32 to index
        %get3A_1208 = arith.constant 16 : index
        %get3A_1209 = tpu.vector_load %arg8[%get3A_1207, %get3A_1208] {strides = array<i32>} : memref<128x128xf32, #tpu.memory_space<vmem>>, vector<1x16xf32>,
        %get3A_1210 = vector.shape_cast %get3A_1209 : vector<1x16xf32> to vector<16xf32>
        %mul3A_1211 = arith.mulf %get3A_1210, %gather3A_1192 : vector<16xf32>
        %swap3A_1212 = arith.index_cast %add3A_1196 : i32 to index
        %swap3A_1213 = arith.constant 16 : index
        %swap3A_1214 = tpu.vector_load %arg8[%swap3A_1212, %swap3A_1213] {strides = array<i32>} : memref<128x128xf32, #tpu.memory_space<vmem>>, vector<1x16xf32>,
        %swap3A_1215 = vector.shape_cast %swap3A_1214 : vector<1x16xf32> to vector<16xf32>
        %swap3A_1216 = vector.shape_cast %mul3A_1211 : vector<16xf32> to vector<1x16xf32>
        tpu.vector_store %arg8[%swap3A_1212, %swap3A_1213], %swap3A_1216 {strides = array<i32>} : memref<128x128xf32, #tpu.memory_space<vmem>>, vector<1x16xf32>,
        %get3A_1217 = arith.index_cast %add3A_1196 : i32 to index
        %get3A_1218 = arith.constant 32 : index
        %get3A_1219 = tpu.vector_load %arg8[%get3A_1217, %get3A_1218] {strides = array<i32>} : memref<128x128xf32, #tpu.memory_space<vmem>>, vector<1x16xf32>,
        %get3A_1220 = vector.shape_cast %get3A_1219 : vector<1x16xf32> to vector<16xf32>
        %mul3A_1221 = arith.mulf %get3A_1220, %gather3A_1192 : vector<16xf32>
        %swap3A_1222 = arith.index_cast %add3A_1196 : i32 to index
        %swap3A_1223 = arith.constant 32 : index
        %swap3A_1224 = tpu.vector_load %arg8[%swap3A_1222, %swap3A_1223] {strides = array<i32>} : memref<128x128xf32, #tpu.memory_space<vmem>>, vector<1x16xf32>,
        %swap3A_1225 = vector.shape_cast %swap3A_1224 : vector<1x16xf32> to vector<16xf32>
        %swap3A_1226 = vector.shape_cast %mul3A_1221 : vector<16xf32> to vector<1x16xf32>
        tpu.vector_store %arg8[%swap3A_1222, %swap3A_1223], %swap3A_1226 {strides = array<i32>} : memref<128x128xf32, #tpu.memory_space<vmem>>, vector<1x16xf32>,
        %get3A_1227 = arith.index_cast %add3A_1196 : i32 to index
        %get3A_1228 = arith.constant 48 : index
        %get3A_1229 = tpu.vector_load %arg8[%get3A_1227, %get3A_1228] {strides = array<i32>} : memref<128x128xf32, #tpu.memory_space<vmem>>, vector<1x16xf32>,
        %get3A_1230 = vector.shape_cast %get3A_1229 : vector<1x16xf32> to vector<16xf32>
        %mul3A_1231 = arith.mulf %get3A_1230, %gather3A_1192 : vector<16xf32>
        %swap3A_1232 = arith.index_cast %add3A_1196 : i32 to index
        %swap3A_1233 = arith.constant 48 : index
        %swap3A_1234 = tpu.vector_load %arg8[%swap3A_1232, %swap3A_1233] {strides = array<i32>} : memref<128x128xf32, #tpu.memory_space<vmem>>, vector<1x16xf32>,
        %swap3A_1235 = vector.shape_cast %swap3A_1234 : vector<1x16xf32> to vector<16xf32>
        %swap3A_1236 = vector.shape_cast %mul3A_1231 : vector<16xf32> to vector<1x16xf32>
        tpu.vector_store %arg8[%swap3A_1232, %swap3A_1233], %swap3A_1236 {strides = array<i32>} : memref<128x128xf32, #tpu.memory_space<vmem>>, vector<1x16xf32>,
        %get3A_1237 = arith.index_cast %add3A_1196 : i32 to index
        %get3A_1238 = arith.constant 64 : index
        %get3A_1239 = tpu.vector_load %arg8[%get3A_1237, %get3A_1238] {strides = array<i32>} : memref<128x128xf32, #tpu.memory_space<vmem>>, vector<1x16xf32>,
        %get3A_1240 = vector.shape_cast %get3A_1239 : vector<1x16xf32> to vector<16xf32>
        %mul3A_1241 = arith.mulf %get3A_1240, %gather3A_1192 : vector<16xf32>
        %swap3A_1242 = arith.index_cast %add3A_1196 : i32 to index
        %swap3A_1243 = arith.constant 64 : index
        %swap3A_1244 = tpu.vector_load %arg8[%swap3A_1242, %swap3A_1243] {strides = array<i32>} : memref<128x128xf32, #tpu.memory_space<vmem>>, vector<1x16xf32>,
        %swap3A_1245 = vector.shape_cast %swap3A_1244 : vector<1x16xf32> to vector<16xf32>
        %swap3A_1246 = vector.shape_cast %mul3A_1241 : vector<16xf32> to vector<1x16xf32>
        tpu.vector_store %arg8[%swap3A_1242, %swap3A_1243], %swap3A_1246 {strides = array<i32>} : memref<128x128xf32, #tpu.memory_space<vmem>>, vector<1x16xf32>,
        %get3A_1247 = arith.index_cast %add3A_1196 : i32 to index
        %get3A_1248 = arith.constant 80 : index
        %get3A_1249 = tpu.vector_load %arg8[%get3A_1247, %get3A_1248] {strides = array<i32>} : memref<128x128xf32, #tpu.memory_space<vmem>>, vector<1x16xf32>,
        %get3A_1250 = vector.shape_cast %get3A_1249 : vector<1x16xf32> to vector<16xf32>
        %mul3A_1251 = arith.mulf %get3A_1250, %gather3A_1192 : vector<16xf32>
        %swap3A_1252 = arith.index_cast %add3A_1196 : i32 to index
        %swap3A_1253 = arith.constant 80 : index
        %swap3A_1254 = tpu.vector_load %arg8[%swap3A_1252, %swap3A_1253] {strides = array<i32>} : memref<128x128xf32, #tpu.memory_space<vmem>>, vector<1x16xf32>,
        %swap3A_1255 = vector.shape_cast %swap3A_1254 : vector<1x16xf32> to vector<16xf32>
        %swap3A_1256 = vector.shape_cast %mul3A_1251 : vector<16xf32> to vector<1x16xf32>
        tpu.vector_store %arg8[%swap3A_1252, %swap3A_1253], %swap3A_1256 {strides = array<i32>} : memref<128x128xf32, #tpu.memory_space<vmem>>, vector<1x16xf32>,
        %get3A_1257 = arith.index_cast %add3A_1196 : i32 to index
        %get3A_1258 = arith.constant 96 : index
        %get3A_1259 = tpu.vector_load %arg8[%get3A_1257, %get3A_1258] {strides = array<i32>} : memref<128x128xf32, #tpu.memory_space<vmem>>, vector<1x16xf32>,
        %get3A_1260 = vector.shape_cast %get3A_1259 : vector<1x16xf32> to vector<16xf32>
        %mul3A_1261 = arith.mulf %get3A_1260, %gather3A_1192 : vector<16xf32>
        %swap3A_1262 = arith.index_cast %add3A_1196 : i32 to index
        %swap3A_1263 = arith.constant 96 : index
        %swap3A_1264 = tpu.vector_load %arg8[%swap3A_1262, %swap3A_1263] {strides = array<i32>} : memref<128x128xf32, #tpu.memory_space<vmem>>, vector<1x16xf32>,
        %swap3A_1265 = vector.shape_cast %swap3A_1264 : vector<1x16xf32> to vector<16xf32>
        %swap3A_1266 = vector.shape_cast %mul3A_1261 : vector<16xf32> to vector<1x16xf32>
        tpu.vector_store %arg8[%swap3A_1262, %swap3A_1263], %swap3A_1266 {strides = array<i32>} : memref<128x128xf32, #tpu.memory_space<vmem>>, vector<1x16xf32>,
        %get3A_1267 = arith.index_cast %add3A_1196 : i32 to index
        %get3A_1268 = arith.constant 112 : index
        %get3A_1269 = tpu.vector_load %arg8[%get3A_1267, %get3A_1268] {strides = array<i32>} : memref<128x128xf32, #tpu.memory_space<vmem>>, vector<1x16xf32>,
        %get3A_1270 = vector.shape_cast %get3A_1269 : vector<1x16xf32> to vector<16xf32>
        %mul3A_1271 = arith.mulf %get3A_1270, %gather3A_1192 : vector<16xf32>
        %swap3A_1272 = arith.index_cast %add3A_1196 : i32 to index
        %swap3A_1273 = arith.constant 112 : index
        %swap3A_1274 = tpu.vector_load %arg8[%swap3A_1272, %swap3A_1273] {strides = array<i32>} : memref<128x128xf32, #tpu.memory_space<vmem>>, vector<1x16xf32>,
        %swap3A_1275 = vector.shape_cast %swap3A_1274 : vector<1x16xf32> to vector<16xf32>
        %swap3A_1276 = vector.shape_cast %mul3A_1271 : vector<16xf32> to vector<1x16xf32>
        tpu.vector_store %arg8[%swap3A_1272, %swap3A_1273], %swap3A_1276 {strides = array<i32>} : memref<128x128xf32, #tpu.memory_space<vmem>>, vector<1x16xf32>,
        %broadcast_in_dim3A_1277 = arith.constant 14 : i32
        %broadcast_in_dim3A_1278 = vector.broadcast %broadcast_in_dim3A_1277 : i32 to vector<16x1xi32>
        %gather3A_1279 = vector.shape_cast %broadcast_in_dim3A_1278 : vector<16x1xi32> to vector<16xi32>
        %gather3A_1280 = tpu.dynamic_gather %get3A_47[%gather3A_1279] in [0] : vector<16xf32>, vector<16xi32> -> vector<16xf32>
        %mul3A_1281 = arith.constant 16 : i32
        %mul3A_1282 = arith.muli %scan3A_44, %mul3A_1281 : i32
        %add3A_1283 = arith.constant 14 : i32
        %add3A_1284 = arith.addi %mul3A_1282, %add3A_1283 : i32
        %get3A_1285 = arith.index_cast %add3A_1284 : i32 to index
        %get3A_1286 = arith.constant 0 : index
        %get3A_1287 = tpu.vector_load %arg8[%get3A_1285, %get3A_1286] {strides = array<i32>} : memref<128x128xf32, #tpu.memory_space<vmem>>, vector<1x16xf32>,
        %get3A_1288 = vector.shape_cast %get3A_1287 : vector<1x16xf32> to vector<16xf32>
        %mul3A_1289 = arith.mulf %get3A_1288, %gather3A_1280 : vector<16xf32>
        %swap3A_1290 = arith.index_cast %add3A_1284 : i32 to index
        %swap3A_1291 = arith.constant 0 : index
        %swap3A_1292 = tpu.vector_load %arg8[%swap3A_1290, %swap3A_1291] {strides = array<i32>} : memref<128x128xf32, #tpu.memory_space<vmem>>, vector<1x16xf32>,
        %swap3A_1293 = vector.shape_cast %swap3A_1292 : vector<1x16xf32> to vector<16xf32>
        %swap3A_1294 = vector.shape_cast %mul3A_1289 : vector<16xf32> to vector<1x16xf32>
        tpu.vector_store %arg8[%swap3A_1290, %swap3A_1291], %swap3A_1294 {strides = array<i32>} : memref<128x128xf32, #tpu.memory_space<vmem>>, vector<1x16xf32>,
        %get3A_1295 = arith.index_cast %add3A_1284 : i32 to index
        %get3A_1296 = arith.constant 16 : index
        %get3A_1297 = tpu.vector_load %arg8[%get3A_1295, %get3A_1296] {strides = array<i32>} : memref<128x128xf32, #tpu.memory_space<vmem>>, vector<1x16xf32>,
        %get3A_1298 = vector.shape_cast %get3A_1297 : vector<1x16xf32> to vector<16xf32>
        %mul3A_1299 = arith.mulf %get3A_1298, %gather3A_1280 : vector<16xf32>
        %swap3A_1300 = arith.index_cast %add3A_1284 : i32 to index
        %swap3A_1301 = arith.constant 16 : index
        %swap3A_1302 = tpu.vector_load %arg8[%swap3A_1300, %swap3A_1301] {strides = array<i32>} : memref<128x128xf32, #tpu.memory_space<vmem>>, vector<1x16xf32>,
        %swap3A_1303 = vector.shape_cast %swap3A_1302 : vector<1x16xf32> to vector<16xf32>
        %swap3A_1304 = vector.shape_cast %mul3A_1299 : vector<16xf32> to vector<1x16xf32>
        tpu.vector_store %arg8[%swap3A_1300, %swap3A_1301], %swap3A_1304 {strides = array<i32>} : memref<128x128xf32, #tpu.memory_space<vmem>>, vector<1x16xf32>,
        %get3A_1305 = arith.index_cast %add3A_1284 : i32 to index
        %get3A_1306 = arith.constant 32 : index
        %get3A_1307 = tpu.vector_load %arg8[%get3A_1305, %get3A_1306] {strides = array<i32>} : memref<128x128xf32, #tpu.memory_space<vmem>>, vector<1x16xf32>,
        %get3A_1308 = vector.shape_cast %get3A_1307 : vector<1x16xf32> to vector<16xf32>
        %mul3A_1309 = arith.mulf %get3A_1308, %gather3A_1280 : vector<16xf32>
        %swap3A_1310 = arith.index_cast %add3A_1284 : i32 to index
        %swap3A_1311 = arith.constant 32 : index
        %swap3A_1312 = tpu.vector_load %arg8[%swap3A_1310, %swap3A_1311] {strides = array<i32>} : memref<128x128xf32, #tpu.memory_space<vmem>>, vector<1x16xf32>,
        %swap3A_1313 = vector.shape_cast %swap3A_1312 : vector<1x16xf32> to vector<16xf32>
        %swap3A_1314 = vector.shape_cast %mul3A_1309 : vector<16xf32> to vector<1x16xf32>
        tpu.vector_store %arg8[%swap3A_1310, %swap3A_1311], %swap3A_1314 {strides = array<i32>} : memref<128x128xf32, #tpu.memory_space<vmem>>, vector<1x16xf32>,
        %get3A_1315 = arith.index_cast %add3A_1284 : i32 to index
        %get3A_1316 = arith.constant 48 : index
        %get3A_1317 = tpu.vector_load %arg8[%get3A_1315, %get3A_1316] {strides = array<i32>} : memref<128x128xf32, #tpu.memory_space<vmem>>, vector<1x16xf32>,
        %get3A_1318 = vector.shape_cast %get3A_1317 : vector<1x16xf32> to vector<16xf32>
        %mul3A_1319 = arith.mulf %get3A_1318, %gather3A_1280 : vector<16xf32>
        %swap3A_1320 = arith.index_cast %add3A_1284 : i32 to index
        %swap3A_1321 = arith.constant 48 : index
        %swap3A_1322 = tpu.vector_load %arg8[%swap3A_1320, %swap3A_1321] {strides = array<i32>} : memref<128x128xf32, #tpu.memory_space<vmem>>, vector<1x16xf32>,
        %swap3A_1323 = vector.shape_cast %swap3A_1322 : vector<1x16xf32> to vector<16xf32>
        %swap3A_1324 = vector.shape_cast %mul3A_1319 : vector<16xf32> to vector<1x16xf32>
        tpu.vector_store %arg8[%swap3A_1320, %swap3A_1321], %swap3A_1324 {strides = array<i32>} : memref<128x128xf32, #tpu.memory_space<vmem>>, vector<1x16xf32>,
        %get3A_1325 = arith.index_cast %add3A_1284 : i32 to index
        %get3A_1326 = arith.constant 64 : index
        %get3A_1327 = tpu.vector_load %arg8[%get3A_1325, %get3A_1326] {strides = array<i32>} : memref<128x128xf32, #tpu.memory_space<vmem>>, vector<1x16xf32>,
        %get3A_1328 = vector.shape_cast %get3A_1327 : vector<1x16xf32> to vector<16xf32>
        %mul3A_1329 = arith.mulf %get3A_1328, %gather3A_1280 : vector<16xf32>
        %swap3A_1330 = arith.index_cast %add3A_1284 : i32 to index
        %swap3A_1331 = arith.constant 64 : index
        %swap3A_1332 = tpu.vector_load %arg8[%swap3A_1330, %swap3A_1331] {strides = array<i32>} : memref<128x128xf32, #tpu.memory_space<vmem>>, vector<1x16xf32>,
        %swap3A_1333 = vector.shape_cast %swap3A_1332 : vector<1x16xf32> to vector<16xf32>
        %swap3A_1334 = vector.shape_cast %mul3A_1329 : vector<16xf32> to vector<1x16xf32>
        tpu.vector_store %arg8[%swap3A_1330, %swap3A_1331], %swap3A_1334 {strides = array<i32>} : memref<128x128xf32, #tpu.memory_space<vmem>>, vector<1x16xf32>,
        %get3A_1335 = arith.index_cast %add3A_1284 : i32 to index
        %get3A_1336 = arith.constant 80 : index
        %get3A_1337 = tpu.vector_load %arg8[%get3A_1335, %get3A_1336] {strides = array<i32>} : memref<128x128xf32, #tpu.memory_space<vmem>>, vector<1x16xf32>,
        %get3A_1338 = vector.shape_cast %get3A_1337 : vector<1x16xf32> to vector<16xf32>
        %mul3A_1339 = arith.mulf %get3A_1338, %gather3A_1280 : vector<16xf32>
        %swap3A_1340 = arith.index_cast %add3A_1284 : i32 to index
        %swap3A_1341 = arith.constant 80 : index
        %swap3A_1342 = tpu.vector_load %arg8[%swap3A_1340, %swap3A_1341] {strides = array<i32>} : memref<128x128xf32, #tpu.memory_space<vmem>>, vector<1x16xf32>,
        %swap3A_1343 = vector.shape_cast %swap3A_1342 : vector<1x16xf32> to vector<16xf32>
        %swap3A_1344 = vector.shape_cast %mul3A_1339 : vector<16xf32> to vector<1x16xf32>
        tpu.vector_store %arg8[%swap3A_1340, %swap3A_1341], %swap3A_1344 {strides = array<i32>} : memref<128x128xf32, #tpu.memory_space<vmem>>, vector<1x16xf32>,
        %get3A_1345 = arith.index_cast %add3A_1284 : i32 to index
        %get3A_1346 = arith.constant 96 : index
        %get3A_1347 = tpu.vector_load %arg8[%get3A_1345, %get3A_1346] {strides = array<i32>} : memref<128x128xf32, #tpu.memory_space<vmem>>, vector<1x16xf32>,
        %get3A_1348 = vector.shape_cast %get3A_1347 : vector<1x16xf32> to vector<16xf32>
        %mul3A_1349 = arith.mulf %get3A_1348, %gather3A_1280 : vector<16xf32>
        %swap3A_1350 = arith.index_cast %add3A_1284 : i32 to index
        %swap3A_1351 = arith.constant 96 : index
        %swap3A_1352 = tpu.vector_load %arg8[%swap3A_1350, %swap3A_1351] {strides = array<i32>} : memref<128x128xf32, #tpu.memory_space<vmem>>, vector<1x16xf32>,
        %swap3A_1353 = vector.shape_cast %swap3A_1352 : vector<1x16xf32> to vector<16xf32>
        %swap3A_1354 = vector.shape_cast %mul3A_1349 : vector<16xf32> to vector<1x16xf32>
        tpu.vector_store %arg8[%swap3A_1350, %swap3A_1351], %swap3A_1354 {strides = array<i32>} : memref<128x128xf32, #tpu.memory_space<vmem>>, vector<1x16xf32>,
        %get3A_1355 = arith.index_cast %add3A_1284 : i32 to index
        %get3A_1356 = arith.constant 112 : index
        %get3A_1357 = tpu.vector_load %arg8[%get3A_1355, %get3A_1356] {strides = array<i32>} : memref<128x128xf32, #tpu.memory_space<vmem>>, vector<1x16xf32>,
        %get3A_1358 = vector.shape_cast %get3A_1357 : vector<1x16xf32> to vector<16xf32>
        %mul3A_1359 = arith.mulf %get3A_1358, %gather3A_1280 : vector<16xf32>
        %swap3A_1360 = arith.index_cast %add3A_1284 : i32 to index
        %swap3A_1361 = arith.constant 112 : index
        %swap3A_1362 = tpu.vector_load %arg8[%swap3A_1360, %swap3A_1361] {strides = array<i32>} : memref<128x128xf32, #tpu.memory_space<vmem>>, vector<1x16xf32>,
        %swap3A_1363 = vector.shape_cast %swap3A_1362 : vector<1x16xf32> to vector<16xf32>
        %swap3A_1364 = vector.shape_cast %mul3A_1359 : vector<16xf32> to vector<1x16xf32>
        tpu.vector_store %arg8[%swap3A_1360, %swap3A_1361], %swap3A_1364 {strides = array<i32>} : memref<128x128xf32, #tpu.memory_space<vmem>>, vector<1x16xf32>,
        %broadcast_in_dim3A_1365 = arith.constant 15 : i32
        %broadcast_in_dim3A_1366 = vector.broadcast %broadcast_in_dim3A_1365 : i32 to vector<16x1xi32>
        %gather3A_1367 = vector.shape_cast %broadcast_in_dim3A_1366 : vector<16x1xi32> to vector<16xi32>
        %gather3A_1368 = tpu.dynamic_gather %get3A_47[%gather3A_1367] in [0] : vector<16xf32>, vector<16xi32> -> vector<16xf32>
        %mul3A_1369 = arith.constant 16 : i32
        %mul3A_1370 = arith.muli %scan3A_44, %mul3A_1369 : i32
        %add3A_1371 = arith.constant 15 : i32
        %add3A_1372 = arith.addi %mul3A_1370, %add3A_1371 : i32
        %get3A_1373 = arith.index_cast %add3A_1372 : i32 to index
        %get3A_1374 = arith.constant 0 : index
        %get3A_1375 = tpu.vector_load %arg8[%get3A_1373, %get3A_1374] {strides = array<i32>} : memref<128x128xf32, #tpu.memory_space<vmem>>, vector<1x16xf32>,
        %get3A_1376 = vector.shape_cast %get3A_1375 : vector<1x16xf32> to vector<16xf32>
        %mul3A_1377 = arith.mulf %get3A_1376, %gather3A_1368 : vector<16xf32>
        %swap3A_1378 = arith.index_cast %add3A_1372 : i32 to index
        %swap3A_1379 = arith.constant 0 : index
        %swap3A_1380 = tpu.vector_load %arg8[%swap3A_1378, %swap3A_1379] {strides = array<i32>} : memref<128x128xf32, #tpu.memory_space<vmem>>, vector<1x16xf32>,
        %swap3A_1381 = vector.shape_cast %swap3A_1380 : vector<1x16xf32> to vector<16xf32>
        %swap3A_1382 = vector.shape_cast %mul3A_1377 : vector<16xf32> to vector<1x16xf32>
        tpu.vector_store %arg8[%swap3A_1378, %swap3A_1379], %swap3A_1382 {strides = array<i32>} : memref<128x128xf32, #tpu.memory_space<vmem>>, vector<1x16xf32>,
        %get3A_1383 = arith.index_cast %add3A_1372 : i32 to index
        %get3A_1384 = arith.constant 16 : index
        %get3A_1385 = tpu.vector_load %arg8[%get3A_1383, %get3A_1384] {strides = array<i32>} : memref<128x128xf32, #tpu.memory_space<vmem>>, vector<1x16xf32>,
        %get3A_1386 = vector.shape_cast %get3A_1385 : vector<1x16xf32> to vector<16xf32>
        %mul3A_1387 = arith.mulf %get3A_1386, %gather3A_1368 : vector<16xf32>
        %swap3A_1388 = arith.index_cast %add3A_1372 : i32 to index
        %swap3A_1389 = arith.constant 16 : index
        %swap3A_1390 = tpu.vector_load %arg8[%swap3A_1388, %swap3A_1389] {strides = array<i32>} : memref<128x128xf32, #tpu.memory_space<vmem>>, vector<1x16xf32>,
        %swap3A_1391 = vector.shape_cast %swap3A_1390 : vector<1x16xf32> to vector<16xf32>
        %swap3A_1392 = vector.shape_cast %mul3A_1387 : vector<16xf32> to vector<1x16xf32>
        tpu.vector_store %arg8[%swap3A_1388, %swap3A_1389], %swap3A_1392 {strides = array<i32>} : memref<128x128xf32, #tpu.memory_space<vmem>>, vector<1x16xf32>,
        %get3A_1393 = arith.index_cast %add3A_1372 : i32 to index
        %get3A_1394 = arith.constant 32 : index
        %get3A_1395 = tpu.vector_load %arg8[%get3A_1393, %get3A_1394] {strides = array<i32>} : memref<128x128xf32, #tpu.memory_space<vmem>>, vector<1x16xf32>,
        %get3A_1396 = vector.shape_cast %get3A_1395 : vector<1x16xf32> to vector<16xf32>
        %mul3A_1397 = arith.mulf %get3A_1396, %gather3A_1368 : vector<16xf32>
        %swap3A_1398 = arith.index_cast %add3A_1372 : i32 to index
        %swap3A_1399 = arith.constant 32 : index
        %swap3A_1400 = tpu.vector_load %arg8[%swap3A_1398, %swap3A_1399] {strides = array<i32>} : memref<128x128xf32, #tpu.memory_space<vmem>>, vector<1x16xf32>,
        %swap3A_1401 = vector.shape_cast %swap3A_1400 : vector<1x16xf32> to vector<16xf32>
        %swap3A_1402 = vector.shape_cast %mul3A_1397 : vector<16xf32> to vector<1x16xf32>
        tpu.vector_store %arg8[%swap3A_1398, %swap3A_1399], %swap3A_1402 {strides = array<i32>} : memref<128x128xf32, #tpu.memory_space<vmem>>, vector<1x16xf32>,
        %get3A_1403 = arith.index_cast %add3A_1372 : i32 to index
        %get3A_1404 = arith.constant 48 : index
        %get3A_1405 = tpu.vector_load %arg8[%get3A_1403, %get3A_1404] {strides = array<i32>} : memref<128x128xf32, #tpu.memory_space<vmem>>, vector<1x16xf32>,
        %get3A_1406 = vector.shape_cast %get3A_1405 : vector<1x16xf32> to vector<16xf32>
        %mul3A_1407 = arith.mulf %get3A_1406, %gather3A_1368 : vector<16xf32>
        %swap3A_1408 = arith.index_cast %add3A_1372 : i32 to index
        %swap3A_1409 = arith.constant 48 : index
        %swap3A_1410 = tpu.vector_load %arg8[%swap3A_1408, %swap3A_1409] {strides = array<i32>} : memref<128x128xf32, #tpu.memory_space<vmem>>, vector<1x16xf32>,
        %swap3A_1411 = vector.shape_cast %swap3A_1410 : vector<1x16xf32> to vector<16xf32>
        %swap3A_1412 = vector.shape_cast %mul3A_1407 : vector<16xf32> to vector<1x16xf32>
        tpu.vector_store %arg8[%swap3A_1408, %swap3A_1409], %swap3A_1412 {strides = array<i32>} : memref<128x128xf32, #tpu.memory_space<vmem>>, vector<1x16xf32>,
        %get3A_1413 = arith.index_cast %add3A_1372 : i32 to index
        %get3A_1414 = arith.constant 64 : index
        %get3A_1415 = tpu.vector_load %arg8[%get3A_1413, %get3A_1414] {strides = array<i32>} : memref<128x128xf32, #tpu.memory_space<vmem>>, vector<1x16xf32>,
        %get3A_1416 = vector.shape_cast %get3A_1415 : vector<1x16xf32> to vector<16xf32>
        %mul3A_1417 = arith.mulf %get3A_1416, %gather3A_1368 : vector<16xf32>
        %swap3A_1418 = arith.index_cast %add3A_1372 : i32 to index
        %swap3A_1419 = arith.constant 64 : index
        %swap3A_1420 = tpu.vector_load %arg8[%swap3A_1418, %swap3A_1419] {strides = array<i32>} : memref<128x128xf32, #tpu.memory_space<vmem>>, vector<1x16xf32>,
        %swap3A_1421 = vector.shape_cast %swap3A_1420 : vector<1x16xf32> to vector<16xf32>
        %swap3A_1422 = vector.shape_cast %mul3A_1417 : vector<16xf32> to vector<1x16xf32>
        tpu.vector_store %arg8[%swap3A_1418, %swap3A_1419], %swap3A_1422 {strides = array<i32>} : memref<128x128xf32, #tpu.memory_space<vmem>>, vector<1x16xf32>,
        %get3A_1423 = arith.index_cast %add3A_1372 : i32 to index
        %get3A_1424 = arith.constant 80 : index
        %get3A_1425 = tpu.vector_load %arg8[%get3A_1423, %get3A_1424] {strides = array<i32>} : memref<128x128xf32, #tpu.memory_space<vmem>>, vector<1x16xf32>,
        %get3A_1426 = vector.shape_cast %get3A_1425 : vector<1x16xf32> to vector<16xf32>
        %mul3A_1427 = arith.mulf %get3A_1426, %gather3A_1368 : vector<16xf32>
        %swap3A_1428 = arith.index_cast %add3A_1372 : i32 to index
        %swap3A_1429 = arith.constant 80 : index
        %swap3A_1430 = tpu.vector_load %arg8[%swap3A_1428, %swap3A_1429] {strides = array<i32>} : memref<128x128xf32, #tpu.memory_space<vmem>>, vector<1x16xf32>,
        %swap3A_1431 = vector.shape_cast %swap3A_1430 : vector<1x16xf32> to vector<16xf32>
        %swap3A_1432 = vector.shape_cast %mul3A_1427 : vector<16xf32> to vector<1x16xf32>
        tpu.vector_store %arg8[%swap3A_1428, %swap3A_1429], %swap3A_1432 {strides = array<i32>} : memref<128x128xf32, #tpu.memory_space<vmem>>, vector<1x16xf32>,
        %get3A_1433 = arith.index_cast %add3A_1372 : i32 to index
        %get3A_1434 = arith.constant 96 : index
        %get3A_1435 = tpu.vector_load %arg8[%get3A_1433, %get3A_1434] {strides = array<i32>} : memref<128x128xf32, #tpu.memory_space<vmem>>, vector<1x16xf32>,
        %get3A_1436 = vector.shape_cast %get3A_1435 : vector<1x16xf32> to vector<16xf32>
        %mul3A_1437 = arith.mulf %get3A_1436, %gather3A_1368 : vector<16xf32>
        %swap3A_1438 = arith.index_cast %add3A_1372 : i32 to index
        %swap3A_1439 = arith.constant 96 : index
        %swap3A_1440 = tpu.vector_load %arg8[%swap3A_1438, %swap3A_1439] {strides = array<i32>} : memref<128x128xf32, #tpu.memory_space<vmem>>, vector<1x16xf32>,
        %swap3A_1441 = vector.shape_cast %swap3A_1440 : vector<1x16xf32> to vector<16xf32>
        %swap3A_1442 = vector.shape_cast %mul3A_1437 : vector<16xf32> to vector<1x16xf32>
        tpu.vector_store %arg8[%swap3A_1438, %swap3A_1439], %swap3A_1442 {strides = array<i32>} : memref<128x128xf32, #tpu.memory_space<vmem>>, vector<1x16xf32>,
        %get3A_1443 = arith.index_cast %add3A_1372 : i32 to index
        %get3A_1444 = arith.constant 112 : index
        %get3A_1445 = tpu.vector_load %arg8[%get3A_1443, %get3A_1444] {strides = array<i32>} : memref<128x128xf32, #tpu.memory_space<vmem>>, vector<1x16xf32>,
        %get3A_1446 = vector.shape_cast %get3A_1445 : vector<1x16xf32> to vector<16xf32>
        %mul3A_1447 = arith.mulf %get3A_1446, %gather3A_1368 : vector<16xf32>
        %swap3A_1448 = arith.index_cast %add3A_1372 : i32 to index
        %swap3A_1449 = arith.constant 112 : index
        %swap3A_1450 = tpu.vector_load %arg8[%swap3A_1448, %swap3A_1449] {strides = array<i32>} : memref<128x128xf32, #tpu.memory_space<vmem>>, vector<1x16xf32>,
        %swap3A_1451 = vector.shape_cast %swap3A_1450 : vector<1x16xf32> to vector<16xf32>
        %swap3A_1452 = vector.shape_cast %mul3A_1447 : vector<16xf32> to vector<1x16xf32>
        tpu.vector_store %arg8[%swap3A_1448, %swap3A_1449], %swap3A_1452 {strides = array<i32>} : memref<128x128xf32, #tpu.memory_space<vmem>>, vector<1x16xf32>,
      }
      %scan3A_43 = arith.constant 8 : i32
      %run_scoped3A = arith.constant 1 : i32
      "tpu.region"() ({
        %run_scoped3A_44 = tpu.sem_alloc : memref<!tpu.dma_semaphore, #tpu.memory_space<semaphore_mem>>
        %dma_start3A_45 = arith.constant 0 : i32
        %dma_start3A_46 = tpu.memref_slice %arg6[%run_scoped3A, %dma_start3A_45] : memref<2x128xi32, #tpu.memory_space<vmem>> -> memref<1x128xi32, #tpu.memory_space<vmem>>
        %dma_start3A_47 = tpu.memref_squeeze %dma_start3A_46 : memref<1x128xi32, #tpu.memory_space<vmem>> -> memref<128xi32, #tpu.memory_space<vmem>>
        %dma_start3A_48 = arith.constant 0 : i32
        %dma_start3A_49 = arith.constant 0 : i32
        %dma_start3A_50 = tpu.memref_slice %arg9[%dma_start3A_48, %dma_start3A_49] : memref<10240x128xf32, #tpu.memory_space<vmem_shared>> -> memref<10240x128xf32, #tpu.memory_space<vmem_shared>>
        tpu.enqueue_indirect_dma source(%arg8 : memref<128x128xf32, #tpu.memory_space<vmem>>) target(%dma_start3A_50 : memref<10240x128xf32, #tpu.memory_space<vmem_shared>>) offsets(%dma_start3A_47 : memref<128xi32, #tpu.memory_space<vmem>>) semaphore(%run_scoped3A_44 : memref<!tpu.dma_semaphore, #tpu.memory_space<semaphore_mem>>) {add = true}
        %dma_wait3A_51 = arith.constant 0 : i32
        %dma_wait3A_52 = tpu.memref_slice %arg6[%run_scoped3A, %dma_wait3A_51] : memref<2x128xi32, #tpu.memory_space<vmem>> -> memref<1x128xi32, #tpu.memory_space<vmem>>
        %dma_wait3A_53 = tpu.memref_squeeze %dma_wait3A_52 : memref<1x128xi32, #tpu.memory_space<vmem>> -> memref<128xi32, #tpu.memory_space<vmem>>
        %dma_wait3A_54 = arith.constant 0 : i32
        %dma_wait3A_55 = arith.constant 0 : i32
        %dma_wait3A_56 = tpu.memref_slice %arg9[%dma_wait3A_54, %dma_wait3A_55] : memref<10240x128xf32, #tpu.memory_space<vmem_shared>> -> memref<10240x128xf32, #tpu.memory_space<vmem_shared>>
        tpu.wait_indirect_dma semaphore(%run_scoped3A_44 : memref<!tpu.dma_semaphore, #tpu.memory_space<semaphore_mem>>) src(%arg8 : memref<128x128xf32, #tpu.memory_space<vmem>>) dst(%dma_wait3A_56 : memref<10240x128xf32, #tpu.memory_space<vmem_shared>>)
        tpu.yield
      }) : () -> ()
    }
    %scan3A_17 = arith.constant 79 : i32
    %barrier3A_18 = arith.constant 0 : index
    tpu.barrier barrier_id(%barrier3A_18)
    %scan3A_19 = arith.constant 0 : i32
    %scan3A_20 = arith.constant 0 : i32
    %scan3A_21 = arith.constant 5 : i32
    %scan3A_22 = arith.addi %scan3A_20, %scan3A_21 : i32
    %scan3A_23 = arith.constant 1 : i32
    scf.for %scan3A_25 = %scan3A_20 to %scan3A_22 step %scan3A_23  : i32 {
      %mul3A_26 = arith.constant 640 : i32
      %mul3A_27 = arith.muli %arg1, %mul3A_26 : i32
      %mul3A_28 = arith.constant 128 : i32
      %mul3A_29 = arith.muli %scan3A_25, %mul3A_28 : i32
      %add3A_30 = arith.addi %mul3A_27, %mul3A_29 : i32
      "tpu.region"() ({
        %run_scoped3A = tpu.sem_alloc : memref<!tpu.dma_semaphore, #tpu.memory_space<semaphore_mem>>
        %dma_start3A = arith.constant 0 : i32
        %dma_start3A_31 = tpu.memref_slice %arg9[%add3A_30, %dma_start3A] : memref<10240x128xf32, #tpu.memory_space<vmem_shared>> -> memref<128x128xf32, #tpu.memory_space<vmem_shared>>
        %dma_start3A_32 = arith.constant 0 : i32
        %dma_start3A_33 = tpu.memref_slice %arg9[%add3A_30, %dma_start3A_32] : memref<10240x128xf32, #tpu.memory_space<vmem_shared>> -> memref<128x128xf32, #tpu.memory_space<vmem_shared>>
        tpu.enqueue_dma source(%dma_start3A_33 : memref<128x128xf32, #tpu.memory_space<vmem_shared>>) target(%arg8 : memref<128x128xf32, #tpu.memory_space<vmem>>) target_semaphore(%run_scoped3A : memref<!tpu.dma_semaphore, #tpu.memory_space<semaphore_mem>>)
        %dma_wait3A = arith.constant 0 : i32
        %dma_wait3A_34 = tpu.memref_slice %arg9[%add3A_30, %dma_wait3A] : memref<10240x128xf32, #tpu.memory_space<vmem_shared>> -> memref<128x128xf32, #tpu.memory_space<vmem_shared>>
        %dma_wait3A_35 = arith.constant 0 : i32
        %dma_wait3A_36 = tpu.memref_slice %arg9[%add3A_30, %dma_wait3A_35] : memref<10240x128xf32, #tpu.memory_space<vmem_shared>> -> memref<128x128xf32, #tpu.memory_space<vmem_shared>>
        tpu.wait_dma2 semaphore(%run_scoped3A : memref<!tpu.dma_semaphore, #tpu.memory_space<semaphore_mem>>) src(%dma_wait3A_36 : memref<128x128xf32, #tpu.memory_space<vmem_shared>>) dst(%arg8 : memref<128x128xf32, #tpu.memory_space<vmem>>)
        tpu.yield
      }) : () -> ()
      "tpu.region"() ({
        %run_scoped3A = tpu.sem_alloc : memref<!tpu.dma_semaphore, #tpu.memory_space<semaphore_mem>>
        %dma_start3A = arith.constant 0 : i32
        %dma_start3A_31 = arith.constant 0 : i32
        %dma_start3A_32 = tpu.memref_slice %arg5[%arg0, %arg1, %scan3A_25, %dma_start3A, %dma_start3A_31] : memref<2x16x5x128x128xf32, #tpu.memory_space<hbm>> -> memref<1x1x1x128x128xf32, #tpu.memory_space<hbm>>
        %dma_start3A_33 = tpu.memref_squeeze %dma_start3A_32 : memref<1x1x1x128x128xf32, #tpu.memory_space<hbm>> -> memref<128x128xf32, #tpu.memory_space<hbm>>
        %dma_start3A_34 = arith.constant 0 : i32
        %dma_start3A_35 = arith.constant 0 : i32
        %dma_start3A_36 = tpu.memref_slice %arg5[%arg0, %arg1, %scan3A_25, %dma_start3A_34, %dma_start3A_35] : memref<2x16x5x128x128xf32, #tpu.memory_space<hbm>> -> memref<1x1x1x128x128xf32, #tpu.memory_space<hbm>>
        %dma_start3A_37 = tpu.memref_squeeze %dma_start3A_36 : memref<1x1x1x128x128xf32, #tpu.memory_space<hbm>> -> memref<128x128xf32, #tpu.memory_space<hbm>>
        tpu.enqueue_dma source(%arg8 : memref<128x128xf32, #tpu.memory_space<vmem>>) target(%dma_start3A_37 : memref<128x128xf32, #tpu.memory_space<hbm>>) target_semaphore(%run_scoped3A : memref<!tpu.dma_semaphore, #tpu.memory_space<semaphore_mem>>)
        %dma_wait3A = arith.constant 0 : i32
        %dma_wait3A_38 = arith.constant 0 : i32
        %dma_wait3A_39 = tpu.memref_slice %arg5[%arg0, %arg1, %scan3A_25, %dma_wait3A, %dma_wait3A_38] : memref<2x16x5x128x128xf32, #tpu.memory_space<hbm>> -> memref<1x1x1x128x128xf32, #tpu.memory_space<hbm>>
        %dma_wait3A_40 = tpu.memref_squeeze %dma_wait3A_39 : memref<1x1x1x128x128xf32, #tpu.memory_space<hbm>> -> memref<128x128xf32, #tpu.memory_space<hbm>>
        %dma_wait3A_41 = arith.constant 0 : i32
        %dma_wait3A_42 = arith.constant 0 : i32
        %dma_wait3A_43 = tpu.memref_slice %arg5[%arg0, %arg1, %scan3A_25, %dma_wait3A_41, %dma_wait3A_42] : memref<2x16x5x128x128xf32, #tpu.memory_space<hbm>> -> memref<1x1x1x128x128xf32, #tpu.memory_space<hbm>>
        %dma_wait3A_44 = tpu.memref_squeeze %dma_wait3A_43 : memref<1x1x1x128x128xf32, #tpu.memory_space<hbm>> -> memref<128x128xf32, #tpu.memory_space<hbm>>
        tpu.wait_dma2 semaphore(%run_scoped3A : memref<!tpu.dma_semaphore, #tpu.memory_space<semaphore_mem>>) src(%arg8 : memref<128x128xf32, #tpu.memory_space<vmem>>) dst(%dma_wait3A_44 : memref<128x128xf32, #tpu.memory_space<hbm>>)
        tpu.yield
      }) : () -> ()
    }
    %scan3A_24 = arith.constant 5 : i32
    return
  }
}

module attributes {stable_mosaic.version = 14 : i64} {
  func.func @_tc_xw2_body(%arg0: i32, %arg1: memref<1000x128xf32, #tpu.memory_space<vmem>>, %arg2: memref<128x128xf32, #tpu.memory_space<vmem>>, %arg3: memref<2x1x1x1000xf32, #tpu.memory_space<vmem>>, %arg4: memref<1000x128xf32, #tpu.memory_space<vmem>>, %arg5: memref<1000x128xf32, #tpu.memory_space<vmem>>) attributes {dimension_semantics = [#tpu.dimension_semantics<arbitrary>], iteration_bounds = array<i64: 10>, scalar_prefetch = 0 : i64, scratch_operands = 0 : i64, tpu.core_type = #tpu.core_type<tc>, window_params = [{transform_indices = @transform_0, window_bounds = array<i64: 1000, 128>}, {pipeline_mode = #tpu.pipeline_mode<synchronous>, transform_indices = @transform_1, window_bounds = array<i64: 128, 128>}, {transform_indices = @transform_2, window_bounds = array<i64: 2, 1, 1, 1000>}, {transform_indices = @transform_3, window_bounds = array<i64: 1000, 128>}, {transform_indices = @transform_4, window_bounds = array<i64: 1000, 128>}]} {
    %get3A = arith.constant 0 : index
    %get3A_0 = arith.constant 0 : index
    %get3A_1 = arith.constant 0 : index
    %get3A_2 = arith.constant 0 : index
    %get3A_3 = vector.load %arg3[%get3A, %get3A_0, %get3A_1, %get3A_2] : memref<2x1x1x1000xf32, #tpu.memory_space<vmem>>, vector<1x1x1x1000xf32>
    %get3A_4 = vector.shape_cast %get3A_3 : vector<1x1x1x1000xf32> to vector<1x1000xf32>
    %get3A_5 = arith.constant 1 : index
    %get3A_6 = arith.constant 0 : index
    %get3A_7 = arith.constant 0 : index
    %get3A_8 = arith.constant 0 : index
    %get3A_9 = vector.load %arg3[%get3A_5, %get3A_6, %get3A_7, %get3A_8] : memref<2x1x1x1000xf32, #tpu.memory_space<vmem>>, vector<1x1x1x1000xf32>
    %get3A_10 = vector.shape_cast %get3A_9 : vector<1x1x1x1000xf32> to vector<1x1000xf32>
    %add3A = arith.addf %get3A_4, %get3A_10 : vector<1x1000xf32>
    %add3A_11 = arith.constant 1.000000e+00 : f32
    %add3A_12 = vector.broadcast %add3A_11 : f32 to vector<1x1000xf32>
    %add3A_13 = arith.addf %add3A, %add3A_12 : vector<1x1000xf32>
    %broadcast_in_dim3A = arith.constant 1.000000e+00 : f32
    %broadcast_in_dim3A_14 = vector.broadcast %broadcast_in_dim3A : f32 to vector<1x128xf32>
    %dot_general3A = arith.constant dense<0.000000e+00> : vector<1000x128xf32>
    %dot_general3A_15 = tpu.matmul %add3A_13, %broadcast_in_dim3A_14, %dot_general3A {dimension_numbers = #tpu.dot_dimension_numbers<[0], [0], [1], [1], [0, 1, 1, 1], [], []>, transpose_lhs_hint = false} : vector<1x1000xf32>, vector<1x128xf32>, vector<1000x128xf32> -> vector<1000x128xf32>
    %rsqrt3A = math.rsqrt %dot_general3A_15 : vector<1000x128xf32>
    %get3A_16 = arith.constant 0 : index
    %get3A_17 = arith.constant 0 : index
    %get3A_18 = vector.load %arg1[%get3A_16, %get3A_17] : memref<1000x128xf32, #tpu.memory_space<vmem>>, vector<1000x128xf32>
    %get3A_19 = arith.constant 0 : index
    %get3A_20 = arith.constant 0 : index
    %get3A_21 = vector.load %arg2[%get3A_19, %get3A_20] : memref<128x128xf32, #tpu.memory_space<vmem>>, vector<128x128xf32>
    %dot_general3A_22 = arith.constant dense<0.000000e+00> : vector<1000x128xf32>
    %dot_general3A_23 = tpu.matmul %get3A_18, %get3A_21, %dot_general3A_22 {dimension_numbers = #tpu.dot_dimension_numbers<[1], [0], [0], [1], [0, 0, 1, 1], [], []>, transpose_lhs_hint = false} : vector<1000x128xf32>, vector<128x128xf32>, vector<1000x128xf32> -> vector<1000x128xf32>
    %mul3A = arith.mulf %dot_general3A_23, %rsqrt3A : vector<1000x128xf32>
    %swap3A = arith.constant 0 : index
    %swap3A_24 = arith.constant 0 : index
    %swap3A_25 = vector.load %arg4[%swap3A, %swap3A_24] : memref<1000x128xf32, #tpu.memory_space<vmem>>, vector<1000x128xf32>
    tpu.vector_store %arg4[%swap3A, %swap3A_24], %mul3A {strides = array<i32>} : memref<1000x128xf32, #tpu.memory_space<vmem>>, vector<1000x128xf32>,
    %swap3A_26 = arith.constant 0 : index
    %swap3A_27 = arith.constant 0 : index
    %swap3A_28 = vector.load %arg5[%swap3A_26, %swap3A_27] : memref<1000x128xf32, #tpu.memory_space<vmem>>, vector<1000x128xf32>
    tpu.vector_store %arg5[%swap3A_26, %swap3A_27], %rsqrt3A {strides = array<i32>} : memref<1000x128xf32, #tpu.memory_space<vmem>>, vector<1000x128xf32>,
    return
  }
  func.func @transform_0(%arg0: i32) -> (i32, i32) {
    %c0_i32 = arith.constant 0 : i32
    %c0_i32_0 = arith.constant 0 : i32
    return %arg0, %c0_i32 : i32, i32
  }
  func.func @transform_1(%arg0: i32) -> (i32, i32) {
    %c0_i32 = arith.constant 0 : i32
    %c0_i32_0 = arith.constant 0 : i32
    %c0_i32_1 = arith.constant 0 : i32
    return %c0_i32, %c0_i32_0 : i32, i32
  }
  func.func @transform_2(%arg0: i32) -> (i32, i32, i32, i32) {
    %c0_i32 = arith.constant 0 : i32
    %c0_i32_0 = arith.constant 0 : i32
    %c0_i32_1 = arith.constant 0 : i32
    %c0_i32_2 = arith.constant 0 : i32
    return %c0_i32, %arg0, %c0_i32_0, %c0_i32_1 : i32, i32, i32, i32
  }
  func.func @transform_3(%arg0: i32) -> (i32, i32) {
    %c0_i32 = arith.constant 0 : i32
    %c0_i32_0 = arith.constant 0 : i32
    return %arg0, %c0_i32 : i32, i32
  }
  func.func @transform_4(%arg0: i32) -> (i32, i32) {
    %c0_i32 = arith.constant 0 : i32
    %c0_i32_0 = arith.constant 0 : i32
    return %arg0, %c0_i32 : i32, i32
  }
}

module attributes {stable_mosaic.version = 14 : i64} {
  func.func @body(%arg0: i32, %arg1: memref<2x1000x128xf32, #tpu.memory_space<vmem>>, %arg2: memref<1000x128xf32, #tpu.memory_space<vmem>>, %arg3: memref<1000x128xf32, #tpu.memory_space<vmem>>, %arg4: memref<1x1x1000xi32, #tpu.memory_space<vmem>>, %arg5: memref<1x128xf32, #tpu.memory_space<vmem>>, %arg6: memref<128x128xf32, #tpu.memory_space<vmem>>, %arg7: memref<128x128xf32, #tpu.memory_space<vmem>>, %arg8: memref<1x128xf32, #tpu.memory_space<vmem>>, %arg9: memref<128x128xf32, #tpu.memory_space<vmem>>, %arg10: memref<1x128xf32, #tpu.memory_space<vmem>>, %arg11: memref<8x128xf32, #tpu.memory_space<vmem>>, %arg12: memref<8x128xf32, #tpu.memory_space<vmem>>, %arg13: memref<8x128xf32, #tpu.memory_space<vmem>>) attributes {dimension_semantics = [#tpu.dimension_semantics<arbitrary>], iteration_bounds = array<i64: 10>, scalar_prefetch = 0 : i64, scratch_operands = 2 : i64, tpu.core_type = #tpu.core_type<tc>, window_params = [{transform_indices = @transform_0, window_bounds = array<i64: 2, 1000, 128>}, {transform_indices = @transform_1, window_bounds = array<i64: 1000, 128>}, {transform_indices = @transform_2, window_bounds = array<i64: 1000, 128>}, {transform_indices = @transform_3, window_bounds = array<i64: 1, 1, 1000>}, {pipeline_mode = #tpu.pipeline_mode<synchronous>, transform_indices = @transform_4, window_bounds = array<i64: 1, 128>}, {pipeline_mode = #tpu.pipeline_mode<synchronous>, transform_indices = @transform_5, window_bounds = array<i64: 128, 128>}, {pipeline_mode = #tpu.pipeline_mode<synchronous>, transform_indices = @transform_6, window_bounds = array<i64: 128, 128>}, {pipeline_mode = #tpu.pipeline_mode<synchronous>, transform_indices = @transform_7, window_bounds = array<i64: 1, 128>}, {pipeline_mode = #tpu.pipeline_mode<synchronous>, transform_indices = @transform_8, window_bounds = array<i64: 128, 128>}, {pipeline_mode = #tpu.pipeline_mode<synchronous>, transform_indices = @transform_9, window_bounds = array<i64: 1, 128>}, {pipeline_mode = #tpu.pipeline_mode<synchronous>, transform_indices = @transform_10, window_bounds = array<i64: 8, 128>}]} {
    %eq3A = arith.constant 0 : i32
    %eq3A_0 = arith.cmpi eq, %arg0, %eq3A : i32
    %convert_element_type3A = arith.extui %eq3A_0 : i1 to i32
    %cond3A = arith.constant 0 : i32
    %cond3A_1 = arith.cmpi ne, %convert_element_type3A, %cond3A : i32
    scf.if %cond3A_1 {
      %broadcast_in_dim3A_123 = arith.constant 0.000000e+00 : f32
      %broadcast_in_dim3A_124 = vector.broadcast %broadcast_in_dim3A_123 : f32 to vector<8x128xf32>
      %swap3A_125 = arith.constant 0 : index
      %swap3A_126 = arith.constant 0 : index
      %swap3A_127 = vector.load %arg12[%swap3A_125, %swap3A_126] : memref<8x128xf32, #tpu.memory_space<vmem>>, vector<8x128xf32>
      tpu.vector_store %arg12[%swap3A_125, %swap3A_126], %broadcast_in_dim3A_124 {strides = array<i32>} : memref<8x128xf32, #tpu.memory_space<vmem>>, vector<8x128xf32>,
      %broadcast_in_dim3A_128 = arith.constant 0.000000e+00 : f32
      %broadcast_in_dim3A_129 = vector.broadcast %broadcast_in_dim3A_128 : f32 to vector<8x128xf32>
      %swap3A_130 = arith.constant 0 : index
      %swap3A_131 = arith.constant 0 : index
      %swap3A_132 = vector.load %arg13[%swap3A_130, %swap3A_131] : memref<8x128xf32, #tpu.memory_space<vmem>>, vector<8x128xf32>
      tpu.vector_store %arg13[%swap3A_130, %swap3A_131], %broadcast_in_dim3A_129 {strides = array<i32>} : memref<8x128xf32, #tpu.memory_space<vmem>>, vector<8x128xf32>,
    } else {
    }
    %get3A = arith.constant 0 : index
    %get3A_2 = arith.constant 0 : index
    %get3A_3 = arith.constant 0 : index
    %get3A_4 = vector.load %arg1[%get3A, %get3A_2, %get3A_3] : memref<2x1000x128xf32, #tpu.memory_space<vmem>>, vector<1x1000x128xf32>
    %get3A_5 = vector.shape_cast %get3A_4 : vector<1x1000x128xf32> to vector<1000x128xf32>
    %get3A_6 = arith.constant 1 : index
    %get3A_7 = arith.constant 0 : index
    %get3A_8 = arith.constant 0 : index
    %get3A_9 = vector.load %arg1[%get3A_6, %get3A_7, %get3A_8] : memref<2x1000x128xf32, #tpu.memory_space<vmem>>, vector<1x1000x128xf32>
    %get3A_10 = vector.shape_cast %get3A_9 : vector<1x1000x128xf32> to vector<1000x128xf32>
    %add3A = arith.addf %get3A_5, %get3A_10 : vector<1000x128xf32>
    %get3A_11 = arith.constant 0 : index
    %get3A_12 = arith.constant 0 : index
    %get3A_13 = vector.load %arg2[%get3A_11, %get3A_12] : memref<1000x128xf32, #tpu.memory_space<vmem>>, vector<1000x128xf32>
    %add3A_14 = arith.addf %add3A, %get3A_13 : vector<1000x128xf32>
    %get3A_15 = arith.constant 0 : index
    %get3A_16 = arith.constant 0 : index
    %get3A_17 = vector.load %arg3[%get3A_15, %get3A_16] : memref<1000x128xf32, #tpu.memory_space<vmem>>, vector<1000x128xf32>
    %mul3A = arith.mulf %add3A_14, %get3A_17 : vector<1000x128xf32>
    %get3A_18 = arith.constant 0 : index
    %get3A_19 = arith.constant 0 : index
    %get3A_20 = vector.load %arg5[%get3A_18, %get3A_19] : memref<1x128xf32, #tpu.memory_space<vmem>>, vector<1x128xf32>
    %add3A_21 = vector.broadcast %get3A_20 : vector<1x128xf32> to vector<1000x128xf32>
    %add3A_22 = arith.addf %mul3A, %add3A_21 : vector<1000x128xf32>
    %max3A = arith.constant 0.000000e+00 : f32
    %max3A_23 = vector.broadcast %max3A : f32 to vector<1000x128xf32>
    %max3A_24 = arith.maximumf %add3A_22, %max3A_23 : vector<1000x128xf32>
    %get3A_25 = arith.constant 0 : index
    %get3A_26 = arith.constant 0 : index
    %get3A_27 = arith.constant 0 : index
    %get3A_28 = vector.load %arg4[%get3A_25, %get3A_26, %get3A_27] : memref<1x1x1000xi32, #tpu.memory_space<vmem>>, vector<1x1x1000xi32>
    %get3A_29 = vector.shape_cast %get3A_28 : vector<1x1x1000xi32> to vector<1x1000xi32>
    %broadcast_in_dim3A = vector.shape_cast %get3A_29 : vector<1x1000xi32> to vector<1x1000xi32>
    %broadcast_in_dim3A_30 = vector.broadcast %broadcast_in_dim3A : vector<1x1000xi32> to vector<8x1000xi32>
    %iota3A = tpu.iota {dimensions = array<i32: 0>} : vector<8x1000xi32>
    %eq3A_31 = arith.cmpi eq, %broadcast_in_dim3A_30, %iota3A : vector<8x1000xi32>
    %convert_element_type3A_32 = arith.extui %eq3A_31 : vector<8x1000xi1> to vector<8x1000xi32>
    %convert_element_type3A_33 = arith.sitofp %convert_element_type3A_32 : vector<8x1000xi32> to vector<8x1000xf32>
    %get3A_34 = arith.constant 0 : index
    %get3A_35 = arith.constant 0 : index
    %get3A_36 = vector.load %arg12[%get3A_34, %get3A_35] : memref<8x128xf32, #tpu.memory_space<vmem>>, vector<8x128xf32>
    %dot_general3A = arith.constant dense<0.000000e+00> : vector<8x128xf32>
    %dot_general3A_37 = tpu.matmul %convert_element_type3A_33, %max3A_24, %dot_general3A {dimension_numbers = #tpu.dot_dimension_numbers<[1], [0], [0], [1], [0, 0, 1, 1], [], []>, transpose_lhs_hint = false} : vector<8x1000xf32>, vector<1000x128xf32>, vector<8x128xf32> -> vector<8x128xf32>
    %add3A_38 = arith.addf %get3A_36, %dot_general3A_37 : vector<8x128xf32>
    %swap3A = arith.constant 0 : index
    %swap3A_39 = arith.constant 0 : index
    %swap3A_40 = vector.load %arg12[%swap3A, %swap3A_39] : memref<8x128xf32, #tpu.memory_space<vmem>>, vector<8x128xf32>
    tpu.vector_store %arg12[%swap3A, %swap3A_39], %add3A_38 {strides = array<i32>} : memref<8x128xf32, #tpu.memory_space<vmem>>, vector<8x128xf32>,
    %slice3A = vector.extract_strided_slice %convert_element_type3A_33 {offsets = [0, 0], sizes = [1, 1000], strides = [1, 1]} : vector<8x1000xf32> to vector<1x1000xf32>
    %broadcast_in_dim3A_41 = arith.constant 1.000000e+00 : f32
    %broadcast_in_dim3A_42 = vector.broadcast %broadcast_in_dim3A_41 : f32 to vector<1x128xf32>
    %dot_general3A_43 = arith.constant dense<0.000000e+00> : vector<1000x128xf32>
    %dot_general3A_44 = tpu.matmul %slice3A, %broadcast_in_dim3A_42, %dot_general3A_43 {dimension_numbers = #tpu.dot_dimension_numbers<[0], [0], [1], [1], [0, 1, 1, 1], [], []>, transpose_lhs_hint = false} : vector<1x1000xf32>, vector<1x128xf32>, vector<1000x128xf32> -> vector<1000x128xf32>
    %mul3A_45 = arith.mulf %max3A_24, %dot_general3A_44 : vector<1000x128xf32>
    %reduce_max3A = arith.constant dense<0xFF800000> : vector<128xf32>
    %reduce_max3A_46 = vector.multi_reduction <maximumf>, %mul3A_45, %reduce_max3A [0] : vector<1000x128xf32> to vector<128xf32>
    %broadcast_in_dim3A_47 = vector.shape_cast %reduce_max3A_46 : vector<128xf32> to vector<1x128xf32>
    %slice3A_48 = vector.extract_strided_slice %convert_element_type3A_33 {offsets = [1, 0], sizes = [1, 1000], strides = [1, 1]} : vector<8x1000xf32> to vector<1x1000xf32>
    %broadcast_in_dim3A_49 = arith.constant 1.000000e+00 : f32
    %broadcast_in_dim3A_50 = vector.broadcast %broadcast_in_dim3A_49 : f32 to vector<1x128xf32>
    %dot_general3A_51 = arith.constant dense<0.000000e+00> : vector<1000x128xf32>
    %dot_general3A_52 = tpu.matmul %slice3A_48, %broadcast_in_dim3A_50, %dot_general3A_51 {dimension_numbers = #tpu.dot_dimension_numbers<[0], [0], [1], [1], [0, 1, 1, 1], [], []>, transpose_lhs_hint = false} : vector<1x1000xf32>, vector<1x128xf32>, vector<1000x128xf32> -> vector<1000x128xf32>
    %mul3A_53 = arith.mulf %max3A_24, %dot_general3A_52 : vector<1000x128xf32>
    %reduce_max3A_54 = arith.constant dense<0xFF800000> : vector<128xf32>
    %reduce_max3A_55 = vector.multi_reduction <maximumf>, %mul3A_53, %reduce_max3A_54 [0] : vector<1000x128xf32> to vector<128xf32>
    %broadcast_in_dim3A_56 = vector.shape_cast %reduce_max3A_55 : vector<128xf32> to vector<1x128xf32>
    %slice3A_57 = vector.extract_strided_slice %convert_element_type3A_33 {offsets = [2, 0], sizes = [1, 1000], strides = [1, 1]} : vector<8x1000xf32> to vector<1x1000xf32>
    %broadcast_in_dim3A_58 = arith.constant 1.000000e+00 : f32
    %broadcast_in_dim3A_59 = vector.broadcast %broadcast_in_dim3A_58 : f32 to vector<1x128xf32>
    %dot_general3A_60 = arith.constant dense<0.000000e+00> : vector<1000x128xf32>
    %dot_general3A_61 = tpu.matmul %slice3A_57, %broadcast_in_dim3A_59, %dot_general3A_60 {dimension_numbers = #tpu.dot_dimension_numbers<[0], [0], [1], [1], [0, 1, 1, 1], [], []>, transpose_lhs_hint = false} : vector<1x1000xf32>, vector<1x128xf32>, vector<1000x128xf32> -> vector<1000x128xf32>
    %mul3A_62 = arith.mulf %max3A_24, %dot_general3A_61 : vector<1000x128xf32>
    %reduce_max3A_63 = arith.constant dense<0xFF800000> : vector<128xf32>
    %reduce_max3A_64 = vector.multi_reduction <maximumf>, %mul3A_62, %reduce_max3A_63 [0] : vector<1000x128xf32> to vector<128xf32>
    %broadcast_in_dim3A_65 = vector.shape_cast %reduce_max3A_64 : vector<128xf32> to vector<1x128xf32>
    %slice3A_66 = vector.extract_strided_slice %convert_element_type3A_33 {offsets = [3, 0], sizes = [1, 1000], strides = [1, 1]} : vector<8x1000xf32> to vector<1x1000xf32>
    %broadcast_in_dim3A_67 = arith.constant 1.000000e+00 : f32
    %broadcast_in_dim3A_68 = vector.broadcast %broadcast_in_dim3A_67 : f32 to vector<1x128xf32>
    %dot_general3A_69 = arith.constant dense<0.000000e+00> : vector<1000x128xf32>
    %dot_general3A_70 = tpu.matmul %slice3A_66, %broadcast_in_dim3A_68, %dot_general3A_69 {dimension_numbers = #tpu.dot_dimension_numbers<[0], [0], [1], [1], [0, 1, 1, 1], [], []>, transpose_lhs_hint = false} : vector<1x1000xf32>, vector<1x128xf32>, vector<1000x128xf32> -> vector<1000x128xf32>
    %mul3A_71 = arith.mulf %max3A_24, %dot_general3A_70 : vector<1000x128xf32>
    %reduce_max3A_72 = arith.constant dense<0xFF800000> : vector<128xf32>
    %reduce_max3A_73 = vector.multi_reduction <maximumf>, %mul3A_71, %reduce_max3A_72 [0] : vector<1000x128xf32> to vector<128xf32>
    %broadcast_in_dim3A_74 = vector.shape_cast %reduce_max3A_73 : vector<128xf32> to vector<1x128xf32>
    %slice3A_75 = vector.extract_strided_slice %convert_element_type3A_33 {offsets = [4, 0], sizes = [1, 1000], strides = [1, 1]} : vector<8x1000xf32> to vector<1x1000xf32>
    %broadcast_in_dim3A_76 = arith.constant 1.000000e+00 : f32
    %broadcast_in_dim3A_77 = vector.broadcast %broadcast_in_dim3A_76 : f32 to vector<1x128xf32>
    %dot_general3A_78 = arith.constant dense<0.000000e+00> : vector<1000x128xf32>
    %dot_general3A_79 = tpu.matmul %slice3A_75, %broadcast_in_dim3A_77, %dot_general3A_78 {dimension_numbers = #tpu.dot_dimension_numbers<[0], [0], [1], [1], [0, 1, 1, 1], [], []>, transpose_lhs_hint = false} : vector<1x1000xf32>, vector<1x128xf32>, vector<1000x128xf32> -> vector<1000x128xf32>
    %mul3A_80 = arith.mulf %max3A_24, %dot_general3A_79 : vector<1000x128xf32>
    %reduce_max3A_81 = arith.constant dense<0xFF800000> : vector<128xf32>
    %reduce_max3A_82 = vector.multi_reduction <maximumf>, %mul3A_80, %reduce_max3A_81 [0] : vector<1000x128xf32> to vector<128xf32>
    %broadcast_in_dim3A_83 = vector.shape_cast %reduce_max3A_82 : vector<128xf32> to vector<1x128xf32>
    %slice3A_84 = vector.extract_strided_slice %convert_element_type3A_33 {offsets = [5, 0], sizes = [1, 1000], strides = [1, 1]} : vector<8x1000xf32> to vector<1x1000xf32>
    %broadcast_in_dim3A_85 = arith.constant 1.000000e+00 : f32
    %broadcast_in_dim3A_86 = vector.broadcast %broadcast_in_dim3A_85 : f32 to vector<1x128xf32>
    %dot_general3A_87 = arith.constant dense<0.000000e+00> : vector<1000x128xf32>
    %dot_general3A_88 = tpu.matmul %slice3A_84, %broadcast_in_dim3A_86, %dot_general3A_87 {dimension_numbers = #tpu.dot_dimension_numbers<[0], [0], [1], [1], [0, 1, 1, 1], [], []>, transpose_lhs_hint = false} : vector<1x1000xf32>, vector<1x128xf32>, vector<1000x128xf32> -> vector<1000x128xf32>
    %mul3A_89 = arith.mulf %max3A_24, %dot_general3A_88 : vector<1000x128xf32>
    %reduce_max3A_90 = arith.constant dense<0xFF800000> : vector<128xf32>
    %reduce_max3A_91 = vector.multi_reduction <maximumf>, %mul3A_89, %reduce_max3A_90 [0] : vector<1000x128xf32> to vector<128xf32>
    %broadcast_in_dim3A_92 = vector.shape_cast %reduce_max3A_91 : vector<128xf32> to vector<1x128xf32>
    %slice3A_93 = vector.extract_strided_slice %convert_element_type3A_33 {offsets = [6, 0], sizes = [1, 1000], strides = [1, 1]} : vector<8x1000xf32> to vector<1x1000xf32>
    %broadcast_in_dim3A_94 = arith.constant 1.000000e+00 : f32
    %broadcast_in_dim3A_95 = vector.broadcast %broadcast_in_dim3A_94 : f32 to vector<1x128xf32>
    %dot_general3A_96 = arith.constant dense<0.000000e+00> : vector<1000x128xf32>
    %dot_general3A_97 = tpu.matmul %slice3A_93, %broadcast_in_dim3A_95, %dot_general3A_96 {dimension_numbers = #tpu.dot_dimension_numbers<[0], [0], [1], [1], [0, 1, 1, 1], [], []>, transpose_lhs_hint = false} : vector<1x1000xf32>, vector<1x128xf32>, vector<1000x128xf32> -> vector<1000x128xf32>
    %mul3A_98 = arith.mulf %max3A_24, %dot_general3A_97 : vector<1000x128xf32>
    %reduce_max3A_99 = arith.constant dense<0xFF800000> : vector<128xf32>
    %reduce_max3A_100 = vector.multi_reduction <maximumf>, %mul3A_98, %reduce_max3A_99 [0] : vector<1000x128xf32> to vector<128xf32>
    %broadcast_in_dim3A_101 = vector.shape_cast %reduce_max3A_100 : vector<128xf32> to vector<1x128xf32>
    %slice3A_102 = vector.extract_strided_slice %convert_element_type3A_33 {offsets = [7, 0], sizes = [1, 1000], strides = [1, 1]} : vector<8x1000xf32> to vector<1x1000xf32>
    %broadcast_in_dim3A_103 = arith.constant 1.000000e+00 : f32
    %broadcast_in_dim3A_104 = vector.broadcast %broadcast_in_dim3A_103 : f32 to vector<1x128xf32>
    %dot_general3A_105 = arith.constant dense<0.000000e+00> : vector<1000x128xf32>
    %dot_general3A_106 = tpu.matmul %slice3A_102, %broadcast_in_dim3A_104, %dot_general3A_105 {dimension_numbers = #tpu.dot_dimension_numbers<[0], [0], [1], [1], [0, 1, 1, 1], [], []>, transpose_lhs_hint = false} : vector<1x1000xf32>, vector<1x128xf32>, vector<1000x128xf32> -> vector<1000x128xf32>
    %mul3A_107 = arith.mulf %max3A_24, %dot_general3A_106 : vector<1000x128xf32>
    %reduce_max3A_108 = arith.constant dense<0xFF800000> : vector<128xf32>
    %reduce_max3A_109 = vector.multi_reduction <maximumf>, %mul3A_107, %reduce_max3A_108 [0] : vector<1000x128xf32> to vector<128xf32>
    %broadcast_in_dim3A_110 = vector.shape_cast %reduce_max3A_109 : vector<128xf32> to vector<1x128xf32>
    %get3A_111 = arith.constant 0 : index
    %get3A_112 = arith.constant 0 : index
    %get3A_113 = vector.load %arg13[%get3A_111, %get3A_112] : memref<8x128xf32, #tpu.memory_space<vmem>>, vector<8x128xf32>
    %concatenate3A = tpu.concatenate %broadcast_in_dim3A_47, %broadcast_in_dim3A_56, %broadcast_in_dim3A_65, %broadcast_in_dim3A_74, %broadcast_in_dim3A_83, %broadcast_in_dim3A_92, %broadcast_in_dim3A_101, %broadcast_in_dim3A_110 in 0 : vector<1x128xf32>, vector<1x128xf32>, vector<1x128xf32>, vector<1x128xf32>, vector<1x128xf32>, vector<1x128xf32>, vector<1x128xf32>, vector<1x128xf32> -> vector<8x128xf32>
    %max3A_114 = arith.maximumf %get3A_113, %concatenate3A : vector<8x128xf32>
    %swap3A_115 = arith.constant 0 : index
    %swap3A_116 = arith.constant 0 : index
    %swap3A_117 = vector.load %arg13[%swap3A_115, %swap3A_116] : memref<8x128xf32, #tpu.memory_space<vmem>>, vector<8x128xf32>
    tpu.vector_store %arg13[%swap3A_115, %swap3A_116], %max3A_114 {strides = array<i32>} : memref<8x128xf32, #tpu.memory_space<vmem>>, vector<8x128xf32>,
    %eq3A_118 = arith.constant 9 : i32
    %eq3A_119 = arith.cmpi eq, %arg0, %eq3A_118 : i32
    %convert_element_type3A_120 = arith.extui %eq3A_119 : i1 to i32
    %cond3A_121 = arith.constant 0 : i32
    %cond3A_122 = arith.cmpi ne, %convert_element_type3A_120, %cond3A_121 : i32
    scf.if %cond3A_122 {
      %get3A_123 = arith.constant 0 : index
      %get3A_124 = arith.constant 0 : index
      %get3A_125 = vector.load %arg12[%get3A_123, %get3A_124] : memref<8x128xf32, #tpu.memory_space<vmem>>, vector<8x128xf32>
      %get3A_126 = arith.constant 0 : index
      %get3A_127 = arith.constant 0 : index
      %get3A_128 = vector.load %arg6[%get3A_126, %get3A_127] : memref<128x128xf32, #tpu.memory_space<vmem>>, vector<128x128xf32>
      %dot_general3A_129 = arith.constant dense<0.000000e+00> : vector<8x128xf32>
      %dot_general3A_130 = tpu.matmul %get3A_125, %get3A_128, %dot_general3A_129 {dimension_numbers = #tpu.dot_dimension_numbers<[1], [0], [0], [1], [0, 0, 1, 1], [], []>, transpose_lhs_hint = false} : vector<8x128xf32>, vector<128x128xf32>, vector<8x128xf32> -> vector<8x128xf32>
      %get3A_131 = arith.constant 0 : index
      %get3A_132 = arith.constant 0 : index
      %get3A_133 = vector.load %arg13[%get3A_131, %get3A_132] : memref<8x128xf32, #tpu.memory_space<vmem>>, vector<8x128xf32>
      %get3A_134 = arith.constant 0 : index
      %get3A_135 = arith.constant 0 : index
      %get3A_136 = vector.load %arg7[%get3A_134, %get3A_135] : memref<128x128xf32, #tpu.memory_space<vmem>>, vector<128x128xf32>
      %dot_general3A_137 = arith.constant dense<0.000000e+00> : vector<8x128xf32>
      %dot_general3A_138 = tpu.matmul %get3A_133, %get3A_136, %dot_general3A_137 {dimension_numbers = #tpu.dot_dimension_numbers<[1], [0], [0], [1], [0, 0, 1, 1], [], []>, transpose_lhs_hint = false} : vector<8x128xf32>, vector<128x128xf32>, vector<8x128xf32> -> vector<8x128xf32>
      %add3A_139 = arith.addf %dot_general3A_130, %dot_general3A_138 : vector<8x128xf32>
      %get3A_140 = arith.constant 0 : index
      %get3A_141 = arith.constant 0 : index
      %get3A_142 = vector.load %arg8[%get3A_140, %get3A_141] : memref<1x128xf32, #tpu.memory_space<vmem>>, vector<1x128xf32>
      %add3A_143 = vector.broadcast %get3A_142 : vector<1x128xf32> to vector<8x128xf32>
      %add3A_144 = arith.addf %add3A_139, %add3A_143 : vector<8x128xf32>
      %max3A_145 = arith.constant 0.000000e+00 : f32
      %max3A_146 = vector.broadcast %max3A_145 : f32 to vector<8x128xf32>
      %max3A_147 = arith.maximumf %add3A_144, %max3A_146 : vector<8x128xf32>
      %get3A_148 = arith.constant 0 : index
      %get3A_149 = arith.constant 0 : index
      %get3A_150 = vector.load %arg9[%get3A_148, %get3A_149] : memref<128x128xf32, #tpu.memory_space<vmem>>, vector<128x128xf32>
      %dot_general3A_151 = arith.constant dense<0.000000e+00> : vector<8x128xf32>
      %dot_general3A_152 = tpu.matmul %max3A_147, %get3A_150, %dot_general3A_151 {dimension_numbers = #tpu.dot_dimension_numbers<[1], [0], [0], [1], [0, 0, 1, 1], [], []>, transpose_lhs_hint = false} : vector<8x128xf32>, vector<128x128xf32>, vector<8x128xf32> -> vector<8x128xf32>
      %get3A_153 = arith.constant 0 : index
      %get3A_154 = arith.constant 0 : index
      %get3A_155 = vector.load %arg10[%get3A_153, %get3A_154] : memref<1x128xf32, #tpu.memory_space<vmem>>, vector<1x128xf32>
      %add3A_156 = vector.broadcast %get3A_155 : vector<1x128xf32> to vector<8x128xf32>
      %add3A_157 = arith.addf %dot_general3A_152, %add3A_156 : vector<8x128xf32>
      %reduce_max3A_158 = arith.constant dense<0xFF800000> : vector<8xf32>
      %reduce_max3A_159 = vector.multi_reduction <maximumf>, %add3A_157, %reduce_max3A_158 [1] : vector<8x128xf32> to vector<8xf32>
      %broadcast_in_dim3A_160 = vector.shape_cast %reduce_max3A_159 : vector<8xf32> to vector<8x1xf32>
      %sub3A = vector.broadcast %broadcast_in_dim3A_160 : vector<8x1xf32> to vector<8x128xf32>
      %sub3A_161 = arith.subf %add3A_157, %sub3A : vector<8x128xf32>
      %exp3A = math.exp %sub3A_161 : vector<8x128xf32>
      %reduce_sum3A = arith.constant dense<0.000000e+00> : vector<8xf32>
      %reduce_sum3A_162 = vector.multi_reduction <add>, %exp3A, %reduce_sum3A [1] : vector<8x128xf32> to vector<8xf32>
      %broadcast_in_dim3A_163 = vector.shape_cast %reduce_sum3A_162 : vector<8xf32> to vector<8x1xf32>
      %div3A = vector.broadcast %broadcast_in_dim3A_163 : vector<8x1xf32> to vector<8x128xf32>
      %div3A_164 = arith.divf %exp3A, %div3A : vector<8x128xf32>
      %swap3A_165 = arith.constant 0 : index
      %swap3A_166 = arith.constant 0 : index
      %swap3A_167 = vector.load %arg11[%swap3A_165, %swap3A_166] : memref<8x128xf32, #tpu.memory_space<vmem>>, vector<8x128xf32>
      tpu.vector_store %arg11[%swap3A_165, %swap3A_166], %div3A_164 {strides = array<i32>} : memref<8x128xf32, #tpu.memory_space<vmem>>, vector<8x128xf32>,
    } else {
    }
    return
  }
  func.func @transform_0(%arg0: i32) -> (i32, i32, i32) {
    %c0_i32 = arith.constant 0 : i32
    %c0_i32_0 = arith.constant 0 : i32
    %c0_i32_1 = arith.constant 0 : i32
    return %c0_i32, %arg0, %c0_i32_0 : i32, i32, i32
  }
  func.func @transform_1(%arg0: i32) -> (i32, i32) {
    %c0_i32 = arith.constant 0 : i32
    %c0_i32_0 = arith.constant 0 : i32
    return %arg0, %c0_i32 : i32, i32
  }
  func.func @transform_2(%arg0: i32) -> (i32, i32) {
    %c0_i32 = arith.constant 0 : i32
    %c0_i32_0 = arith.constant 0 : i32
    return %arg0, %c0_i32 : i32, i32
  }
  func.func @transform_3(%arg0: i32) -> (i32, i32, i32) {
    %c0_i32 = arith.constant 0 : i32
    %c0_i32_0 = arith.constant 0 : i32
    %c0_i32_1 = arith.constant 0 : i32
    return %arg0, %c0_i32, %c0_i32_0 : i32, i32, i32
  }
  func.func @transform_4(%arg0: i32) -> (i32, i32) {
    %c0_i32 = arith.constant 0 : i32
    %c0_i32_0 = arith.constant 0 : i32
    %c0_i32_1 = arith.constant 0 : i32
    return %c0_i32, %c0_i32_0 : i32, i32
  }
  func.func @transform_5(%arg0: i32) -> (i32, i32) {
    %c0_i32 = arith.constant 0 : i32
    %c0_i32_0 = arith.constant 0 : i32
    %c0_i32_1 = arith.constant 0 : i32
    return %c0_i32, %c0_i32_0 : i32, i32
  }
  func.func @transform_6(%arg0: i32) -> (i32, i32) {
    %c0_i32 = arith.constant 0 : i32
    %c0_i32_0 = arith.constant 0 : i32
    %c0_i32_1 = arith.constant 0 : i32
    return %c0_i32, %c0_i32_0 : i32, i32
  }
  func.func @transform_7(%arg0: i32) -> (i32, i32) {
    %c0_i32 = arith.constant 0 : i32
    %c0_i32_0 = arith.constant 0 : i32
    %c0_i32_1 = arith.constant 0 : i32
    return %c0_i32, %c0_i32_0 : i32, i32
  }
  func.func @transform_8(%arg0: i32) -> (i32, i32) {
    %c0_i32 = arith.constant 0 : i32
    %c0_i32_0 = arith.constant 0 : i32
    %c0_i32_1 = arith.constant 0 : i32
    return %c0_i32, %c0_i32_0 : i32, i32
  }
  func.func @transform_9(%arg0: i32) -> (i32, i32) {
    %c0_i32 = arith.constant 0 : i32
    %c0_i32_0 = arith.constant 0 : i32
    %c0_i32_1 = arith.constant 0 : i32
    return %c0_i32, %c0_i32_0 : i32, i32
  }
  func.func @transform_10(%arg0: i32) -> (i32, i32) {
    %c0_i32 = arith.constant 0 : i32
    %c0_i32_0 = arith.constant 0 : i32
    %c0_i32_1 = arith.constant 0 : i32
    return %c0_i32, %c0_i32_0 : i32, i32
  }
}

</mosaic_0001>

<sc_bundles>
// kernel: kernel.6.cloned.1.call-start
scs
__scs_entry_jumppad:
0x0: {  	(pc) =	sbr.rel $0x88, $3  }
0x1: {  	(tag) =	ssettag $0x0;
	lr =	simm.s32 $0x1  }
0x2: {  	[smem:$0x3F97] =	sst lr;
	_ =	strace $0xD0000000  }
0x3: {  	_ = 	snop  }
0x4: {  	_ = 	snop  }
0x5: {  	_ = 	snop  }
0x6: {  	_ = 	snop  }
0x7: {  	_ = 	snop  }
__scs_overlays_trampoline_lowered:
0x8: {  	[smem:$0x3FA6] =	sst s0  }
0x9: {  	[smem:$0x3FA7] =	sst s1  }
0xa: {  	[smem:$0x3FA8] =	sst s2  }
0xb: {  	[smem:$0x3FA9] =	sst s3  }
0xc: {  	[smem:$0x3FAA] =	sst s4  }
0xd: {  	[smem:$0x3FAB] =	sst s5  }
0xe: {  	[smem:$0x3FAC] =	sst s6  }
0xf: {  	[smem:$0x3FAD] =	sst s7  }
0x10: {  	[smem:$0x3FAE] =	sst s8  }
0x11: {  	[smem:$0x3FAF] =	sst s9;
	s0 =	simm.s32 @!p0 $0x0  }
0x12: {  	s1 =	sld [smem:$0x3F95];
	s0 =	simm.s32 @p0 $0x1  }
0x13: {  	[smem:$0x3FB0] =	sst s0;
	s0 =	simm.s32 @!p1 $0x0  }
0x14: {  	s2 =	sld [smem:$0x3F94];
	s0 =	simm.s32 @p1 $0x1  }
0x15: {  	[smem:$0x3FB1] =	sst s0;
	s0 =	simm.s32 @!p2 $0x0  }
0x16: {  	s3 =	sld [smem:$0x3FDB];
	s0 =	simm.s32 @p2 $0x1  }
0x17: {  	s4 =	simm.s32 $0x1BF5;
	[smem:$0x3FB3] =	sst s0  }
0x18: {  	s0 =	sld [smem:$0x3F96];
	_ =	swait.ge [sflag:s4], $0x0  }
0x19: {  	s7 =	sld [smem:$0x3F97]  }
0x1a: {  	s8 =	sadd.s32 $0xFFFFE003, lr  }
0x1b: {  	s9 =	sadd.s32 $0xFFFFFEF7, lr;
	s5 =	simm.s32 $0xFFFFFFFF;
	p2 =	slt.u32 s8, $0xFFFFF086  }
0x1c: {  	p1 =	slt.u32 s9, $0xF7A;
	s5 =	simm.s32 @!p2 $0x0  }
0x1d: {  	s5 =	simm.s32 @p1 $0x1;
	p0 =	seq.s32 s7, s2  }
0x1e: {  	s7 =	smul.u32 @!p0 $0xF7A, s2;
	p2 =	seq.s32 @!p0 s5, $0x0  }
0x1f: {  	s9 =	smul.u32 $0xF7A, s1;
	s8 =	simm.s32 @!p0 $0x1BF5;
	p2 =	por !p2, p0  }
0x20: {  	[sflag:s8] =	ssyncset.s32 @!p0 $0xFFFFF086;
	s6 =	sadd.s32 @!p0 s3, s7;
	s7 =	simm.s32 @!p0 $0x108  }
0x21: {  	s3 =	sadd.s32 s3, s9;
	s6 =	sadd.s32 @!p0 $0x88, s6;
	s7 =	simm.s32 @p2 $0x1082  }
0x22: {  	[simem:s7], [sflag:s8] =	dma.local @!p0 [hbm:s6], $0xF7A  }
0x23: {  	s9 =	sor.u32 $0xD0000000, s2;
	s6 =	simm.s32 $0x108;
	_ =	swait.ge @!p0 [sflag:s8], $0x0  }
0x24: {  	s3 =	sadd.s32 $0x88, s3;
	s6 =	simm.s32 @!p1 $0x1082;
	[sflag:s4] =	ssyncset.s32 $0xFFFFF086  }
0x25: {  	[simem:s6], [sflag:s4] =	dma.local [hbm:s3], $0xF7A  }
0x26: {  	[smem:$0x3F97] =	sst s1;
	(tag) =	ssettag s2;
	_ =	strace s9  }
0x27: {  	s1 =	sld [smem:$0x3FA7]  }
0x28: {  	s2 =	sld [smem:$0x3FA8]  }
0x29: {  	s4 =	sld [smem:$0x3FAA]  }
0x2a: {  	p0 =	seq.s32 s5, $0x0;
	s5 =	sld [smem:$0x3FAB]  }
0x2b: {  	s6 =	sld [smem:$0x3FAC]  }
0x2c: {  	s7 =	sld [smem:$0x3FAD]  }
0x2d: {  	s3 =	simm.s32 $0x108;
	s8 =	sld [smem:$0x3FAE]  }
0x2e: {  	s3 =	simm.s32 @!p0 $0x1082;
	s9 =	sld [smem:$0x3FAF]  }
0x2f: {  	lr =	sadd.s32 s0, s3;
	s0 =	sld [smem:$0x3FA6]  }
0x30: {  	s3 =	sld [smem:$0x3FA9]  }
0x31: {  	[smem:$0x3FB2] =	sst s10  }
0x32: {  	s10 =	sld [smem:$0x3FB0];
	_ =	sdelay $0x3  }
0x33: {  	p0 =	seq.s32 s10, $0x1;
	s10 =	sld [smem:$0x3FB2];
	_ =	sdelay $0x3  }
0x34: {  	[smem:$0x3FB2] =	sst s10  }
0x35: {  	s10 =	sld [smem:$0x3FB1];
	_ =	sdelay $0x3  }
0x36: {  	p1 =	seq.s32 s10, $0x1;
	s10 =	sld [smem:$0x3FB2];
	_ =	sdelay $0x3  }
0x37: {  	[smem:$0x3FB2] =	sst s10  }
0x38: {  	s10 =	sld [smem:$0x3FB3]  }
0x39: {  	_ = 	snop;
	(pc) =	sbr.ind lr, $3  }
0x3a: {  	_ = 	snop  }
0x3b: {  	_ = 	snop  }
0x3c: {  	p2 =	seq.s32 s10, $0x1;
	s10 =	sld [smem:$0x3FB2]  }
0x3d: {  	_ =	shalt  }
0x3e: {  	_ =	shalt  }
0x3f: {  	_ =	shalt  }
0x40: {  	_ =	shalt  }
0x41: {  	_ =	shalt  }
0x42: {  	_ =	shalt  }
0x43: {  	_ =	shalt  }
0x44: {  	_ =	shalt  }
0x45: {  	_ =	shalt  }
0x46: {  	_ =	shalt  }
0x47: {  	_ =	shalt  }
0x48: {  	_ =	shalt  }
0x49: {  	_ =	shalt  }
0x4a: {  	_ =	shalt  }
0x4b: {  	_ =	shalt  }
0x4c: {  	_ =	shalt  }
0x4d: {  	_ =	shalt  }
0x4e: {  	_ =	shalt  }
0x4f: {  	_ =	shalt  }
0x50: {  	_ =	shalt  }
0x51: {  	_ =	shalt  }
0x52: {  	_ =	shalt  }
0x53: {  	_ =	shalt  }
0x54: {  	_ =	shalt  }
0x55: {  	_ =	shalt  }
0x56: {  	_ =	shalt  }
0x57: {  	_ =	shalt  }
0x58: {  	_ =	shalt  }
0x59: {  	_ =	shalt  }
0x5a: {  	_ =	shalt  }
0x5b: {  	_ =	shalt  }
0x5c: {  	_ =	shalt  }
0x5d: {  	_ =	shalt  }
0x5e: {  	_ =	shalt  }
0x5f: {  	_ =	shalt  }
0x60: {  	_ =	shalt  }
0x61: {  	_ =	shalt  }
0x62: {  	_ =	shalt  }
0x63: {  	_ =	shalt  }
0x64: {  	_ =	shalt  }
0x65: {  	_ =	shalt  }
0x66: {  	_ =	shalt  }
0x67: {  	_ =	shalt  }
0x68: {  	_ =	shalt  }
0x69: {  	_ =	shalt  }
0x6a: {  	_ =	shalt  }
0x6b: {  	_ =	shalt  }
0x6c: {  	_ =	shalt  }
0x6d: {  	_ =	shalt  }
0x6e: {  	_ =	shalt  }
0x6f: {  	_ =	shalt  }
0x70: {  	_ =	shalt  }
0x71: {  	_ =	shalt  }
0x72: {  	_ =	shalt  }
0x73: {  	_ =	shalt  }
0x74: {  	_ =	shalt  }
0x75: {  	_ =	shalt  }
0x76: {  	_ =	shalt  }
0x77: {  	_ =	shalt  }
0x78: {  	_ =	shalt  }
0x79: {  	_ =	shalt  }
0x7a: {  	_ =	shalt  }
0x7b: {  	_ =	shalt  }
0x7c: {  	_ =	shalt  }
0x7d: {  	_ =	shalt  }
0x7e: {  	_ =	shalt  }
0x7f: {  	_ =	shalt  }
0x80: {  	_ =	shalt  }
0x81: {  	_ =	shalt  }
0x82: {  	_ =	shalt  }
0x83: {  	_ =	shalt  }
0x84: {  	_ =	shalt  }
0x85: {  	_ =	shalt  }
0x86: {  	_ =	shalt  }
0x87: {  	_ =	shalt  }
.Lfunc_end0:
.L_simem_size_0:
called_computation_lowered:
.L_overlay_start_0:
0x88: {  	s2 =	sld [smem:$0x3FD9]  }
0x89: {  	s3 =	sld [smem:$0x3FFE];
	_ =	sdelay $0x1  }
0x8a: {  	s1 =	srdreg.scid  }
0x8b: {  	s0 =	sand.u32 $0x1, s1  }
0x8c: {  	s16 =	sshll.u32 s0, $0xA;
	s2 =	sadd.s32 s3, s2  }
0x8d: {  	s2 =	sadd.s32 s2, s16  }
0x8e: {  	[smem:$0x3FBE] =	sst s2  }
0x8f: {  	_ = 	snop  }
0x90: {  	(tm) =	ssettm $0x1  }
0x91: {  	s17 =	sld [smem:$0x3FFB];
	_ =	sdelay $0x3  }
0x92: {  	_ =	strace s17  }
0x93: {  	s2 =	sld [smem:$0x3FFC];
	_ =	sdelay $0x3  }
0x94: {  	_ =	strace s2  }
0x95: {  	s2 =	sld [smem:$0x3FFD];
	_ =	sdelay $0x3  }
0x96: {  	_ =	strace s2  }
0x97: {  	_ =	strace $0x8FFFFFFF  }
0x98: {  	s18 =	sld [smem:$0x3FDB];
	_ =	sdelay $0x1  }
0x99: {  	s19 =	simm.s32 $_scs_section_size  }
0x9a: {  	s4 =	simm.s32 $_size__tile_overlayer_lowered;
	s5 =	simm.s32 $_tile_overlayer_lowered  }
0x9b: {  	s22 =	simm.s32 $0x1BFF;
	s21 =	sshll.u32 s5, $0x1;
	s2 =	sadd.s32 s19, s18  }
0x9c: {  	s6 =	simm.s32 $0x0;
	s20 =	sshll.u32 s4, $0x1;
	s4 =	sadd.s32 s21, s2  }
0x9d: {  	[timem:s6], [sflag:s22] =	dma.local [hbm:s4], s20  }
0x9e: {  	_ =	swait.ge [sflag:s22], s20  }
0x9f: {  	s3 =	ssub.s32 $0x0, s20;
	[sflag:s22] =	ssyncset.done $0x0  }
0xa0: {  	[sflag:s22] =	ssyncadd.s32 s3;
	_ =	sdelay $0x1  }
0xa1: {  	s23 =	simm.s32 $0x1B8B  }
0xa2: {  	_ =	swait.ge [sflag:s23], $0x1  }
0xa3: {  	[sflag:s23] =	ssyncset.done $0x0  }
0xa4: {  	s25 =	simm.s32 $0x1B8E;
	s24 =	sld [smem:$0x3FFE];
	[sflag:s23] =	ssyncadd.s32 $0xFFFFFFFF  }
0xa5: {  	s26 =	simm.s32 $execute0_lowered;
	[smem:$0x3FD2] =	sst s25  }
0xa6: {  	s4 =	sshll.u32 s26, $0x1;
	_ =	strace $0x80000046;
	[dreg:$0x1] =	wrdreg $0xFFFFFFFF  }
0xa7: {  	s28 =	simm.s32 $_size_execute0_lowered;
	s2 =	sadd.s32 s2, s4;
	[dreg:$0x0] =	wrdreg $0x0  }
0xa8: {  	s4 =	sshll.u32 s28, $0x1;
	[dreg:$0x2] =	wrdreg s2  }
0xa9: {  	[dreg:$0x3] =	wrdreg s4  }
0xaa: {  	[dreg:$0x4] =	wrdreg $0xC0  }
0xab: {  	_ =	task [dreg:s6], $0x5FFFF  }
0xac: {  	[dreg:$0x1] =	wrdreg $0xFFFFFFFF  }
0xad: {  	[dreg:$0x0] =	wrdreg $0x60  }
0xae: {  	[dreg:$0x2] =	wrdreg s24  }
0xaf: {  	[dreg:$0x3] =	wrdreg $0x52800  }
0xb0: {  	[dreg:$0x4] =	wrdreg $0x9  }
0xb1: {  	_ =	task.clear_ibuf [dreg:s6], $0x5FFFF;
	_ =	strace $0x90000046  }
0xb2: {  	s29 =	simm.s32 $0x9;
	_ =	strace $0x80000048  }
0xb3: {  	_ =	swait.ge [sflag:s29], $0x1  }
0xb4: {  	[sflag:s29] =	ssyncadd.s32 $0xFFFFFFFF  }
0xb5: {  	_ =	strace $0x90000048  }
0xb6: {  	_ =	sfence  }
0xb7: {  	s30 =	sld [smem:$0x0];
	_ =	sdelay $0x2  }
0xb8: {  	s31 =	sshll.u32 s1, $0xD;
	s1 =	sshrl.u32 s1, $0x2  }
0xb9: {  	s3 =	sand.u32 $0x4000, s31;
	s1 =	sadd.s32 s1, s30  }
0xba: {  	s0 =	sor.u32 s3, s0;
	s1 =	sshll.u32 s1, $0x11  }
0xbb: {  	s0 =	sor.u32 s1, s0  }
0xbc: {  	s0 =	sadd.s32 $0x8F2B, s0  }
0xbd: {  	[sflag:s0] =	ssyncadd.remote.s32 $0x1  }
0xbe: {  	_ =	sfence.sel $0xFFFF  }
0xbf: {  	[dreg:$0x0] =	wrdreg $0xFFFFFFFF;
	(pc) =	sbr.abs _section_cstart, $3  }
0xc0: {  	[dreg:$0x1] =	wrdreg $0xFFFFFFFF  }
0xc1: {  	_ =	task.clear_ibuf [dreg:s6], $0x2FFFF;
	_ =	strace $0x9FFFFFFF  }
0xc2: {  	(tm) =	ssettm $0x7FFFFFFF  }
0xc3: {  	_ =	shalt  }
tec
execute0_lowered:
.L_overlay_start_1:
0x0: {  	(tag) =	ssettag $0x1  }
0x1: {  	s4 =	rddreg [dreg:$0x0];
	s0 =	srdreg.scid  }
0x2: {  	s2 =	rddreg [dreg:$0x1];
	s1 =	stileid.u32;
	s3 =	simm.s32 $0x0  }
0x3: {  	s11 =	simm.s32 $0x2800;
	s12 =	simm.s32 $0x80;
	s13 =	simm.s32 $0x400  }
0x4: {  	s14 =	simm.s32 $0x0;
	s5 =	sand.u32 $0x1, s0;
	s28 =	smul.u32 $0x9E0, s1  }
0x5: {  	s0 =	rddreg [dreg:$0x2];
	s7 =	sshrl.u32 s1, $0x3;
	s6 =	smul.u32 $0x2800, s5  }
0x6: {  	[smem:$0x7FF] =	sst s3;
	s9 =	sshll.u32 s1, $0x7;
	s7 =	smul.u32 $0x1400, s7  }
0x7: {  	s8 =	sshll.u32 s5, $0x4;
	s26 =	sand.u32 $0x380, s9;
	_ =	strace $0x80000047  }
0x8: {  	s5 =	ssub.s32 $0x2, s5;
	s8 =	sor.u32 s1, s8;
	s6 =	sadd.s32 s6, s7  }
0x9: {  	s9 =	simm.s32 $0x5000;
	s8 =	smul.u32 $0x500, s8;
	s6 =	sor.u32 s26, s6  }
0xa: {  	s30 =	sshrl.u32 s5, $0x1;
	s31 =	sshrl.u32 s28, $0x2;
	s6 =	sshrl.u32 s6, $0x3  }
0xb: {  	s10 =	ssub.s32 s5, s30;
	s8 =	sadd.s32 s8, s4;
	s29 =	sadd.s32 s6, s4  }
0xc: {  	s4 =	sadd.s32 s31, s2;
	s5 =	sadd.s32 $0x2000, s8;
	s6 =	sadd.s32 $0xC000, s8  }
0xd: {  	v0 =	vimm.f32 $0.0e+00;
	s8 =	smax.u32 s10, $0x1;
	s10 =	simm.s32 $0x1;
	s7 =	sadd.s32 $0x16000, s29  }
.LBB2_1:
0xe: {  	[tilespmem:$0x5000] =	vst v0  }
0xf: {  	[tilespmem:$0x5010] =	vst v0  }
0x10: {  	[tilespmem:$0x5020] =	vst v0  }
0x11: {  	[tilespmem:$0x5030] =	vst v0  }
0x12: {  	[tilespmem:$0x5040] =	vst v0  }
0x13: {  	[tilespmem:$0x5050] =	vst v0  }
0x14: {  	[tilespmem:$0x5060] =	vst v0  }
0x15: {  	[tilespmem:$0x5070] =	vst v0  }
0x16: {  	[tilespmem:$0x5080] =	vst v0  }
0x17: {  	[tilespmem:$0x5090] =	vst v0  }
0x18: {  	[tilespmem:$0x50A0] =	vst v0  }
0x19: {  	[tilespmem:$0x50B0] =	vst v0  }
0x1a: {  	[tilespmem:$0x50C0] =	vst v0  }
0x1b: {  	[tilespmem:$0x50D0] =	vst v0  }
0x1c: {  	[tilespmem:$0x50E0] =	vst v0  }
0x1d: {  	[tilespmem:$0x50F0] =	vst v0  }
0x1e: {  	[tilespmem:$0x5100] =	vst v0  }
0x1f: {  	[tilespmem:$0x5110] =	vst v0  }
0x20: {  	[tilespmem:$0x5120] =	vst v0  }
0x21: {  	[tilespmem:$0x5130] =	vst v0  }
0x22: {  	[tilespmem:$0x5140] =	vst v0  }
0x23: {  	[tilespmem:$0x5150] =	vst v0  }
0x24: {  	[tilespmem:$0x5160] =	vst v0  }
0x25: {  	[tilespmem:$0x5170] =	vst v0  }
0x26: {  	[tilespmem:$0x5180] =	vst v0  }
0x27: {  	[tilespmem:$0x5190] =	vst v0  }
0x28: {  	[tilespmem:$0x51A0] =	vst v0  }
0x29: {  	[tilespmem:$0x51B0] =	vst v0  }
0x2a: {  	[tilespmem:$0x51C0] =	vst v0  }
0x2b: {  	[tilespmem:$0x51D0] =	vst v0  }
0x2c: {  	[tilespmem:$0x51E0] =	vst v0  }
0x2d: {  	[tilespmem:$0x51F0] =	vst v0  }
0x2e: {  	[tilespmem:$0x5200] =	vst v0  }
0x2f: {  	[tilespmem:$0x5210] =	vst v0  }
0x30: {  	[tilespmem:$0x5220] =	vst v0  }
0x31: {  	[tilespmem:$0x5230] =	vst v0  }
0x32: {  	[tilespmem:$0x5240] =	vst v0  }
0x33: {  	[tilespmem:$0x5250] =	vst v0  }
0x34: {  	[tilespmem:$0x5260] =	vst v0  }
0x35: {  	[spmem:s4] =	stream.linear.scatter [tilespmem:s9], [sflag:$0x1], $0x278, $0x38;
	[tilespmem:$0x54F8] =	vst v63  }
0x36: {  	_ =	swait.ge [sflag:s10], $0x278  }
0x37: {  	[sflag:s10] =	ssyncset.done $0x0  }
0x38: {  	[sflag:s10] =	ssyncadd.s32 $0xFFFFFD88  }
0x39: {  	[bflag:$0x0] =	sbarrier.arrive $0xFFFF  }
0x3a: {  	[tilespmem:s3], [sflag:$0x1] =	stream.linear.gather [hbm4b:s5+s3], $0x2780, $0x38;
	[tilespmem:$0x54F8] =	vst v63  }
0x3b: {  	_ =	swait.ge [sflag:s10], $0x2780  }
0x3c: {  	[sflag:s10] =	ssyncset.done $0x0  }
0x3d: {  	[sflag:s10] =	ssyncadd.s32 $0xFFFFD880  }
0x3e: {  	[tilespmem:s11], [sflag:$0x1] =	stream.linear.gather [hbm4b:s6+s3], $0x2780, $0x38;
	[tilespmem:$0x54F8] =	vst v63  }
0x3f: {  	_ =	swait.ge [sflag:s10], $0x2780  }
0x40: {  	[sflag:s10] =	ssyncset.done $0x0  }
0x41: {  	s15 =	simm.s32 $0x0;
	s16 =	simm.s32 $0x2800;
	[sflag:s10] =	ssyncadd.s32 $0xFFFFD880  }
0x42: {  	[spmem:s2] =	stream.indirect.scatter.add.f32 [tilespmem:s16], [sflag:$0x1], $0x1, s15, s12, $0xb8;
	[tilespmem:$0x54F8] =	vst v63  }
0x43: {  	s15 =	simm.s32 $0x200;
	_ =	swait.ge [sflag:s10], $0x80  }
.LBB2_2:
0x44: {  	s16 =	sshra.s32 s15, $0x2;
	[sflag:s10] =	ssyncset.done $0x0;
	p0 =	sne.s32 s15, $0x9C00  }
.Ltmp0:
0x45: {  	s17 =	sadd.s32 $0x2800, s16;
	[sflag:s10] =	ssyncadd.s32 $0xFFFFFF80;
	(pc) =	sbr.rel @p0 .LBB2_2-.Ltmp0, $3  }
0x46: {  	[spmem:s2] =	stream.indirect.scatter.add.f32 [tilespmem:s17], [sflag:$0x1], $0x1, s16, s12, $0xb8;
	[tilespmem:$0x54F8] =	vst v63  }
0x47: {  	s15 =	sadd.s32 $0x200, s15;
	_ =	sdelay $0x1  }
0x48: {  	_ =	swait.ge [sflag:s10], $0x80  }
0x49: {  	[sflag:s10] =	ssyncset.done $0x0  }
0x4a: {  	[sflag:s10] =	ssyncadd.s32 $0xFFFFFF80  }
0x4b: {  	[bflag:$0x0] =	sbarrier.arrive $0xFFFF  }
0x4c: {  	[tilespmem:s9], [sflag:$0x1] =	stream.linear.gather [spmem:s4], $0x278, $0x38;
	[tilespmem:$0x54F8] =	vst v63  }
0x4d: {  	s14 =	sadd.s32 $0x1, s14;
	_ =	swait.ge [sflag:s10], $0x278  }
0x4e: {  	p0 =	sne.s32 s14, s8;
	[sflag:s10] =	ssyncset.done $0x0  }
.Ltmp1:
0x4f: {  	[sflag:s10] =	ssyncadd.s32 $0xFFFFFD88;
	(pc) =	sbr.rel @p0 .LBB2_1-.Ltmp1, $4  }
0x50: {  	[hbm4b:s7+s12] =	stream.strided.scatter [tilespmem:s9], [sflag:$0x1], $0x280, s13, s12, $0x38;
	[tilespmem:$0x54F8] =	vst v63  }
0x51: {  	_ =	swait.ge [sflag:s10], $0x280  }
0x52: {  	[sflag:s10] =	ssyncset.done $0x0  }
0x53: {  	[sflag:s10] =	ssyncadd.s32 $0xFFFFFD80  }
0x54: {  	_ =	sfence.sel $0x180000  }
0x55: {  	[bflag:$0x0] =	sbarrier.arrive $0xFFFF  }
0x56: {  	p0 =	sne.s32 s1, $0x0;
	_ =	strace $0x90000047  }
0x57: {  	s0 =	sadd.s32 @!p0 $0x100000, s0;
	[bflag:$0x2] =	sbarrier.arrive $0xFFFF  }
0x58: {  	[sflag:s0] =	ssyncadd.tile.s32 @!p0 $0x1;
	_ =	shalt  }
.Lfunc_end2:
_tile_overlayer_lowered:
.L_overlay_start_2:
0x59: {  	(tag) =	ssettag $0x2  }
0x5a: {  	s0 =	rddreg [dreg:$0x0];
	s2 =	stileid.u32  }
0x5b: {  	s1 =	rddreg [dreg:$0x1];
	p0 =	sne.s32 s2, $0x0  }
0x5c: {  	s3 =	rddreg [dreg:$0x2];
	[bflag:$0x3] =	sbarrier.arrive $0xFFFF;
	s2 =	simm.s32 @!p0 $0x1C01  }
0x5d: {  	[timem:s3], [sflag:s2] =	dma.local @!p0 [hbm:s0], s1  }
0x5e: {  	s0 =	simm.s32 @!p0 $0x1  }
0x5f: {  	_ =	swait.ge @!p0 [sflag:s0], s1  }
0x60: {  	s1 =	ssub.s32 @!p0 $0x0, s1;
	[sflag:s0] =	ssyncset.done @!p0 $0x0  }
0x61: {  	[sflag:s0] =	ssyncadd.s32 @!p0 s1  }
0x62: {  	[bflag:$0x3] =	sbarrier.arrive $0xFFFF  }
0x63: {  	_ =	shalt  }

// kernel: kernel.9.cloned.1.call-start
scs
__scs_entry_jumppad:
0x0: {  	(pc) =	sbr.rel $0x88, $3  }
0x1: {  	(tag) =	ssettag $0x0;
	lr =	simm.s32 $0x1  }
0x2: {  	[smem:$0x3F97] =	sst lr;
	_ =	strace $0xD0000000  }
0x3: {  	_ = 	snop  }
0x4: {  	_ = 	snop  }
0x5: {  	_ = 	snop  }
0x6: {  	_ = 	snop  }
0x7: {  	_ = 	snop  }
__scs_overlays_trampoline_lowered:
0x8: {  	[smem:$0x3FA6] =	sst s0  }
0x9: {  	[smem:$0x3FA7] =	sst s1  }
0xa: {  	[smem:$0x3FA8] =	sst s2  }
0xb: {  	[smem:$0x3FA9] =	sst s3  }
0xc: {  	[smem:$0x3FAA] =	sst s4  }
0xd: {  	[smem:$0x3FAB] =	sst s5  }
0xe: {  	[smem:$0x3FAC] =	sst s6  }
0xf: {  	[smem:$0x3FAD] =	sst s7  }
0x10: {  	[smem:$0x3FAE] =	sst s8  }
0x11: {  	[smem:$0x3FAF] =	sst s9;
	s0 =	simm.s32 @!p0 $0x0  }
0x12: {  	s1 =	sld [smem:$0x3F95];
	s0 =	simm.s32 @p0 $0x1  }
0x13: {  	[smem:$0x3FB0] =	sst s0;
	s0 =	simm.s32 @!p1 $0x0  }
0x14: {  	s2 =	sld [smem:$0x3F94];
	s0 =	simm.s32 @p1 $0x1  }
0x15: {  	[smem:$0x3FB1] =	sst s0;
	s0 =	simm.s32 @!p2 $0x0  }
0x16: {  	s3 =	sld [smem:$0x3FDB];
	s0 =	simm.s32 @p2 $0x1  }
0x17: {  	s4 =	simm.s32 $0x1BF5;
	[smem:$0x3FB3] =	sst s0  }
0x18: {  	s0 =	sld [smem:$0x3F96];
	_ =	swait.ge [sflag:s4], $0x0  }
0x19: {  	s7 =	sld [smem:$0x3F97]  }
0x1a: {  	s8 =	sadd.s32 $0xFFFFE003, lr  }
0x1b: {  	s9 =	sadd.s32 $0xFFFFFEF7, lr;
	s5 =	simm.s32 $0xFFFFFFFF;
	p2 =	slt.u32 s8, $0xFFFFF086  }
0x1c: {  	p1 =	slt.u32 s9, $0xF7A;
	s5 =	simm.s32 @!p2 $0x0  }
0x1d: {  	s5 =	simm.s32 @p1 $0x1;
	p0 =	seq.s32 s7, s2  }
0x1e: {  	s7 =	smul.u32 @!p0 $0xF7A, s2;
	p2 =	seq.s32 @!p0 s5, $0x0  }
0x1f: {  	s9 =	smul.u32 $0xF7A, s1;
	s8 =	simm.s32 @!p0 $0x1BF5;
	p2 =	por !p2, p0  }
0x20: {  	[sflag:s8] =	ssyncset.s32 @!p0 $0xFFFFF086;
	s6 =	sadd.s32 @!p0 s3, s7;
	s7 =	simm.s32 @!p0 $0x108  }
0x21: {  	s3 =	sadd.s32 s3, s9;
	s6 =	sadd.s32 @!p0 $0x88, s6;
	s7 =	simm.s32 @p2 $0x1082  }
0x22: {  	[simem:s7], [sflag:s8] =	dma.local @!p0 [hbm:s6], $0xF7A  }
0x23: {  	s9 =	sor.u32 $0xD0000000, s2;
	s6 =	simm.s32 $0x108;
	_ =	swait.ge @!p0 [sflag:s8], $0x0  }
0x24: {  	s3 =	sadd.s32 $0x88, s3;
	s6 =	simm.s32 @!p1 $0x1082;
	[sflag:s4] =	ssyncset.s32 $0xFFFFF086  }
0x25: {  	[simem:s6], [sflag:s4] =	dma.local [hbm:s3], $0xF7A  }
0x26: {  	[smem:$0x3F97] =	sst s1;
	(tag) =	ssettag s2;
	_ =	strace s9  }
0x27: {  	s1 =	sld [smem:$0x3FA7]  }
0x28: {  	s2 =	sld [smem:$0x3FA8]  }
0x29: {  	s4 =	sld [smem:$0x3FAA]  }
0x2a: {  	p0 =	seq.s32 s5, $0x0;
	s5 =	sld [smem:$0x3FAB]  }
0x2b: {  	s6 =	sld [smem:$0x3FAC]  }
0x2c: {  	s7 =	sld [smem:$0x3FAD]  }
0x2d: {  	s3 =	simm.s32 $0x108;
	s8 =	sld [smem:$0x3FAE]  }
0x2e: {  	s3 =	simm.s32 @!p0 $0x1082;
	s9 =	sld [smem:$0x3FAF]  }
0x2f: {  	lr =	sadd.s32 s0, s3;
	s0 =	sld [smem:$0x3FA6]  }
0x30: {  	s3 =	sld [smem:$0x3FA9]  }
0x31: {  	[smem:$0x3FB2] =	sst s10  }
0x32: {  	s10 =	sld [smem:$0x3FB0];
	_ =	sdelay $0x3  }
0x33: {  	p0 =	seq.s32 s10, $0x1;
	s10 =	sld [smem:$0x3FB2];
	_ =	sdelay $0x3  }
0x34: {  	[smem:$0x3FB2] =	sst s10  }
0x35: {  	s10 =	sld [smem:$0x3FB1];
	_ =	sdelay $0x3  }
0x36: {  	p1 =	seq.s32 s10, $0x1;
	s10 =	sld [smem:$0x3FB2];
	_ =	sdelay $0x3  }
0x37: {  	[smem:$0x3FB2] =	sst s10  }
0x38: {  	s10 =	sld [smem:$0x3FB3]  }
0x39: {  	_ = 	snop;
	(pc) =	sbr.ind lr, $3  }
0x3a: {  	_ = 	snop  }
0x3b: {  	_ = 	snop  }
0x3c: {  	p2 =	seq.s32 s10, $0x1;
	s10 =	sld [smem:$0x3FB2]  }
0x3d: {  	_ =	shalt  }
0x3e: {  	_ =	shalt  }
0x3f: {  	_ =	shalt  }
0x40: {  	_ =	shalt  }
0x41: {  	_ =	shalt  }
0x42: {  	_ =	shalt  }
0x43: {  	_ =	shalt  }
0x44: {  	_ =	shalt  }
0x45: {  	_ =	shalt  }
0x46: {  	_ =	shalt  }
0x47: {  	_ =	shalt  }
0x48: {  	_ =	shalt  }
0x49: {  	_ =	shalt  }
0x4a: {  	_ =	shalt  }
0x4b: {  	_ =	shalt  }
0x4c: {  	_ =	shalt  }
0x4d: {  	_ =	shalt  }
0x4e: {  	_ =	shalt  }
0x4f: {  	_ =	shalt  }
0x50: {  	_ =	shalt  }
0x51: {  	_ =	shalt  }
0x52: {  	_ =	shalt  }
0x53: {  	_ =	shalt  }
0x54: {  	_ =	shalt  }
0x55: {  	_ =	shalt  }
0x56: {  	_ =	shalt  }
0x57: {  	_ =	shalt  }
0x58: {  	_ =	shalt  }
0x59: {  	_ =	shalt  }
0x5a: {  	_ =	shalt  }
0x5b: {  	_ =	shalt  }
0x5c: {  	_ =	shalt  }
0x5d: {  	_ =	shalt  }
0x5e: {  	_ =	shalt  }
0x5f: {  	_ =	shalt  }
0x60: {  	_ =	shalt  }
0x61: {  	_ =	shalt  }
0x62: {  	_ =	shalt  }
0x63: {  	_ =	shalt  }
0x64: {  	_ =	shalt  }
0x65: {  	_ =	shalt  }
0x66: {  	_ =	shalt  }
0x67: {  	_ =	shalt  }
0x68: {  	_ =	shalt  }
0x69: {  	_ =	shalt  }
0x6a: {  	_ =	shalt  }
0x6b: {  	_ =	shalt  }
0x6c: {  	_ =	shalt  }
0x6d: {  	_ =	shalt  }
0x6e: {  	_ =	shalt  }
0x6f: {  	_ =	shalt  }
0x70: {  	_ =	shalt  }
0x71: {  	_ =	shalt  }
0x72: {  	_ =	shalt  }
0x73: {  	_ =	shalt  }
0x74: {  	_ =	shalt  }
0x75: {  	_ =	shalt  }
0x76: {  	_ =	shalt  }
0x77: {  	_ =	shalt  }
0x78: {  	_ =	shalt  }
0x79: {  	_ =	shalt  }
0x7a: {  	_ =	shalt  }
0x7b: {  	_ =	shalt  }
0x7c: {  	_ =	shalt  }
0x7d: {  	_ =	shalt  }
0x7e: {  	_ =	shalt  }
0x7f: {  	_ =	shalt  }
0x80: {  	_ =	shalt  }
0x81: {  	_ =	shalt  }
0x82: {  	_ =	shalt  }
0x83: {  	_ =	shalt  }
0x84: {  	_ =	shalt  }
0x85: {  	_ =	shalt  }
0x86: {  	_ =	shalt  }
0x87: {  	_ =	shalt  }
.Lfunc_end0:
.L_simem_size_0:
called_computation.1_lowered:
.L_overlay_start_0:
0x88: {  	s2 =	sld [smem:$0x3FD9]  }
0x89: {  	s3 =	sld [smem:$0x3FFE];
	_ =	sdelay $0x1  }
0x8a: {  	s1 =	srdreg.scid  }
0x8b: {  	s0 =	sand.u32 $0x1, s1  }
0x8c: {  	s16 =	sshll.u32 s0, $0xA;
	s2 =	sadd.s32 s3, s2  }
0x8d: {  	s2 =	sadd.s32 s2, s16  }
0x8e: {  	[smem:$0x3FBE] =	sst s2  }
0x8f: {  	_ = 	snop  }
0x90: {  	(tm) =	ssettm $0x1  }
0x91: {  	s17 =	sld [smem:$0x3FFB];
	_ =	sdelay $0x3  }
0x92: {  	_ =	strace s17  }
0x93: {  	s2 =	sld [smem:$0x3FFC];
	_ =	sdelay $0x3  }
0x94: {  	_ =	strace s2  }
0x95: {  	s2 =	sld [smem:$0x3FFD];
	_ =	sdelay $0x3  }
0x96: {  	_ =	strace s2  }
0x97: {  	_ =	strace $0x8FFFFFFF  }
0x98: {  	s18 =	sld [smem:$0x3FDB];
	_ =	sdelay $0x1  }
0x99: {  	s19 =	simm.s32 $_scs_section_size  }
0x9a: {  	s4 =	simm.s32 $_size__tile_overlayer_lowered;
	s5 =	simm.s32 $_tile_overlayer_lowered  }
0x9b: {  	s22 =	simm.s32 $0x1BFF;
	s21 =	sshll.u32 s5, $0x1;
	s2 =	sadd.s32 s19, s18  }
0x9c: {  	s6 =	simm.s32 $0x0;
	s20 =	sshll.u32 s4, $0x1;
	s4 =	sadd.s32 s21, s2  }
0x9d: {  	[timem:s6], [sflag:s22] =	dma.local [hbm:s4], s20  }
0x9e: {  	_ =	swait.ge [sflag:s22], s20  }
0x9f: {  	s3 =	ssub.s32 $0x0, s20;
	[sflag:s22] =	ssyncset.done $0x0  }
0xa0: {  	[sflag:s22] =	ssyncadd.s32 s3;
	_ =	sdelay $0x1  }
0xa1: {  	s23 =	simm.s32 $0x1B8B  }
0xa2: {  	_ =	swait.ge [sflag:s23], $0x1  }
0xa3: {  	[sflag:s23] =	ssyncset.done $0x0  }
0xa4: {  	s25 =	simm.s32 $0x1B8E;
	s24 =	sld [smem:$0x3FFE];
	[sflag:s23] =	ssyncadd.s32 $0xFFFFFFFF  }
0xa5: {  	s26 =	simm.s32 $execute0_lowered;
	[smem:$0x3FD2] =	sst s25  }
0xa6: {  	s4 =	sshll.u32 s26, $0x1;
	_ =	strace $0x80000049;
	[dreg:$0x1] =	wrdreg $0xFFFFFFFF  }
0xa7: {  	s28 =	simm.s32 $_size_execute0_lowered;
	s2 =	sadd.s32 s2, s4;
	[dreg:$0x0] =	wrdreg $0x0  }
0xa8: {  	s4 =	sshll.u32 s28, $0x1;
	[dreg:$0x2] =	wrdreg s2  }
0xa9: {  	[dreg:$0x3] =	wrdreg s4  }
0xaa: {  	[dreg:$0x4] =	wrdreg $0xC0  }
0xab: {  	_ =	task [dreg:s6], $0x5FFFF  }
0xac: {  	[dreg:$0x1] =	wrdreg $0xFFFFFFFF  }
0xad: {  	[dreg:$0x0] =	wrdreg $0x60  }
0xae: {  	[dreg:$0x2] =	wrdreg s24  }
0xaf: {  	[dreg:$0x3] =	wrdreg $0x45000  }
0xb0: {  	[dreg:$0x4] =	wrdreg $0x9  }
0xb1: {  	_ =	task.clear_ibuf [dreg:s6], $0x5FFFF;
	_ =	strace $0x90000049  }
0xb2: {  	s29 =	simm.s32 $0x9;
	_ =	strace $0x8000004B  }
0xb3: {  	_ =	swait.ge [sflag:s29], $0x1  }
0xb4: {  	[sflag:s29] =	ssyncadd.s32 $0xFFFFFFFF  }
0xb5: {  	_ =	strace $0x9000004B  }
0xb6: {  	_ =	sfence  }
0xb7: {  	s30 =	sld [smem:$0x0];
	_ =	sdelay $0x2  }
0xb8: {  	s31 =	sshll.u32 s1, $0xD;
	s1 =	sshrl.u32 s1, $0x2  }
0xb9: {  	s3 =	sand.u32 $0x4000, s31;
	s1 =	sadd.s32 s1, s30  }
0xba: {  	s0 =	sor.u32 s3, s0;
	s1 =	sshll.u32 s1, $0x11  }
0xbb: {  	s0 =	sor.u32 s1, s0  }
0xbc: {  	s0 =	sadd.s32 $0x8F2B, s0  }
0xbd: {  	[sflag:s0] =	ssyncadd.remote.s32 $0x1  }
0xbe: {  	_ =	sfence.sel $0xFFFF  }
0xbf: {  	[dreg:$0x0] =	wrdreg $0xFFFFFFFF;
	(pc) =	sbr.abs _section_cstart, $3  }
0xc0: {  	[dreg:$0x1] =	wrdreg $0xFFFFFFFF  }
0xc1: {  	_ =	task.clear_ibuf [dreg:s6], $0x2FFFF;
	_ =	strace $0x9FFFFFFF  }
0xc2: {  	(tm) =	ssettm $0x7FFFFFFF  }
0xc3: {  	_ =	shalt  }
tec
execute0_lowered:
.L_overlay_start_1:
0x0: {  	(tag) =	ssettag $0x1  }
0x1: {  	s7 =	rddreg [dreg:$0x0];
	s0 =	srdreg.scid  }
0x2: {  	s2 =	rddreg [dreg:$0x1];
	s1 =	stileid.u32  }
0x3: {  	s3 =	simm.s32 $0x0;
	s20 =	simm.s32 $0x500;
	s21 =	simm.s32 $0x2  }
0x4: {  	s22 =	simm.s32 $0x100;
	s23 =	simm.s32 $0x80;
	s24 =	simm.s32 $0x1  }
0x5: {  	s8 =	sand.u32 $0x1, s0;
	s0 =	rddreg [dreg:$0x2];
	s6 =	smul.u32 $0x14000, s1  }
0x6: {  	s25 =	simm.s32 $0x0;
	[smem:$0x7FF] =	sst s3;
	s11 =	smul.u32 $0x50000, s1  }
0x7: {  	s4 =	sadd.s32 $0x65A00, s7;
	s5 =	smul.u32 $0x140000, s8;
	s10 =	ssub.s32 $0x2, s8  }
0x8: {  	_ =	strace $0x8000004A;
	s8 =	sshll.u32 s8, $0x4;
	s29 =	sshrl.u32 s10, $0x1  }
0x9: {  	s30 =	sor.u32 s1, s8;
	s31 =	sshrl.u32 s11, $0x2;
	s9 =	sadd.s32 s6, s5  }
0xa: {  	v0 =	vimm.f32 $0.0e+00;
	v1 =	vimm.s32 $0x0;
	s5 =	sadd.s32 $0x16A00, s7;
	s6 =	sadd.s32 $0x79600, s7;
	s10 =	ssub.s32 s10, s29  }
0xb: {  	v2 =	vimm.s32 $0x1;
	v3 =	vimm.s32 $0x2;
	v4 =	vimm.s32 $0x3;
	s8 =	sadd.s32 s31, s2;
	s9 =	sshrl.u32 s9, $0x3;
	s10 =	smax.u32 s10, $0x1  }
0xc: {  	v5 =	vimm.s32 $0x4;
	v6 =	vimm.s32 $0x5;
	v7 =	vimm.s32 $0x6;
	s11 =	sadd.s32 $0x4000, s8;
	s12 =	sadd.s32 $0x8000, s8;
	s13 =	sadd.s32 $0xC000, s8  }
0xd: {  	v8 =	vimm.s32 $0x7;
	v9 =	vimm.s32 $0x8;
	v10 =	vimm.s32 $0x9;
	s14 =	sadd.s32 $0x10000, s8;
	s19 =	sadd.s32 s9, s7;
	s7 =	smul.u32 $0x4F00, s30  }
0xe: {  	v11 =	vimm.s32 $0xA;
	v12 =	vimm.s32 $0xB;
	v13 =	vimm.s32 $0xC;
	s9 =	smul.u32 $0x13C00, s30;
	s15 =	sadd.s32 $0xA0800, s19;
	s16 =	sadd.s32 $0xA1000, s19  }
0xf: {  	v14 =	vimm.s32 $0xD;
	v15 =	vimm.s32 $0xE;
	v16 =	vimm.s32 $0xF;
	s17 =	sadd.s32 $0xA1800, s19;
	s18 =	sadd.s32 $0xA2000, s19;
	s19 =	sadd.s32 $0xA2800, s19  }
.LBB2_1:
0x10: {  	s26 =	simm.s32 $0x10;
	s28 =	sand.u32 $0x3FF0, s3  }
.LBB2_2:
0x11: {  	p0 =	sne.s32 s26, $0x3FF0;
	[tilespmem:s28+$0x500] =	vst v0;
	s28 =	smov.u32 s26;
	s26 =	sadd.s32 $0x10, s26  }
.Ltmp0:
0x12: {  	(pc) =	sbr.rel @p0 .LBB2_2-.Ltmp0, $2  }
0x13: {  	_ =	sdelay $0x2  }
0x14: {  	s28 =	sand.u32 $0x3FF0, s28  }
0x15: {  	[tilespmem:s28+$0x500] =	vst v0  }
0x16: {  	[spmem:s8] =	stream.linear.scatter [tilespmem:s20], [sflag:$0x2], $0x4000, $0x38;
	[tilespmem:$0x18500] =	vst v63  }
0x17: {  	_ =	swait.ge [sflag:s21], $0x4000  }
0x18: {  	[sflag:s21] =	ssyncset.done $0x0  }
0x19: {  	[sflag:s21] =	ssyncadd.s32 $0xFFFFC000  }
0x1a: {  	[spmem:s11] =	stream.linear.scatter [tilespmem:s20], [sflag:$0x2], $0x4000, $0x38;
	[tilespmem:$0x18500] =	vst v63  }
0x1b: {  	_ =	swait.ge [sflag:s21], $0x4000  }
0x1c: {  	[sflag:s21] =	ssyncset.done $0x0  }
0x1d: {  	[sflag:s21] =	ssyncadd.s32 $0xFFFFC000  }
0x1e: {  	[spmem:s12] =	stream.linear.scatter [tilespmem:s20], [sflag:$0x2], $0x4000, $0x38;
	[tilespmem:$0x18500] =	vst v63  }
0x1f: {  	_ =	swait.ge [sflag:s21], $0x4000  }
0x20: {  	[sflag:s21] =	ssyncset.done $0x0  }
0x21: {  	[sflag:s21] =	ssyncadd.s32 $0xFFFFC000  }
0x22: {  	[spmem:s13] =	stream.linear.scatter [tilespmem:s20], [sflag:$0x2], $0x4000, $0x38;
	[tilespmem:$0x18500] =	vst v63  }
0x23: {  	_ =	swait.ge [sflag:s21], $0x4000  }
0x24: {  	[sflag:s21] =	ssyncset.done $0x0  }
0x25: {  	[sflag:s21] =	ssyncadd.s32 $0xFFFFC000  }
0x26: {  	[spmem:s14] =	stream.linear.scatter [tilespmem:s20], [sflag:$0x2], $0x4000, $0x38;
	[tilespmem:$0x18500] =	vst v63  }
0x27: {  	_ =	swait.ge [sflag:s21], $0x4000  }
0x28: {  	[sflag:s21] =	ssyncset.done $0x0  }
0x29: {  	[sflag:s21] =	ssyncadd.s32 $0xFFFFC000  }
0x2a: {  	s26 =	simm.s32 $0x0;
	s28 =	simm.s32 $0x0;
	[bflag:$0x0] =	sbarrier.arrive $0xFFFF  }
.LBB2_4:
0x2b: {  	s29 =	sshll.u32 s28, $0x8  }
0x2c: {  	s29 =	sadd.s32 s7, s29  }
0x2d: {  	s29 =	sshrl.u32 s29, $0x3  }
0x2e: {  	s29 =	sadd.s32 s4, s29  }
0x2f: {  	[tilespmem:s26], [sflag:$0x2] =	stream.linear.gather [hbm4b:s29+s26], $0x100, $0x38;
	[tilespmem:$0x18500] =	vst v63  }
0x30: {  	s29 =	sshll.u32 s28, $0xA  }
0x31: {  	_ =	swait.ge [sflag:s21], $0x100;
	s29 =	sadd.s32 s9, s29  }
0x32: {  	[sflag:s21] =	ssyncset.done $0x0;
	s29 =	sshrl.u32 s29, $0x3  }
0x33: {  	[sflag:s21] =	ssyncadd.s32 $0xFFFFFF00;
	s29 =	sadd.s32 s5, s29  }
0x34: {  	[tilespmem:s22], [sflag:$0x2] =	stream.linear.gather [hbm4b:s29+s26], $0x400, $0x38;
	[tilespmem:$0x18500] =	vst v63  }
0x35: {  	_ =	swait.ge [sflag:s21], $0x400  }
0x36: {  	[sflag:s21] =	ssyncset.done $0x0  }
0x37: {  	[sflag:s21] =	ssyncadd.s32 $0xFFFFFC00  }
0x38: {  	[tilespmem:s20], [sflag:$0x1] =	stream.indirect.gather [hbm4b:s6+s23], $0x80, s26, s23, $0xb8;
	[tilespmem:$0x18500] =	vst v63  }
0x39: {  	_ =	swait.ge [sflag:s24], $0x4000  }
0x3a: {  	[sflag:s24] =	ssyncset.done $0x0  }
0x3b: {  	s29 =	simm.s32 $0x0;
	[sflag:s24] =	ssyncadd.s32 $0xFFFFC000  }
.LBB2_5:
0x3c: {  	s30 =	sshll.u32 s29, $0x7  }
0x3d: {  	s30 =	sand.u32 $0x3FFFFF80, s30  }
0x3e: {  	s31 =	sshll.u32 s29, $0xB;
	v17 =	vld [tilespmem:s30+$0x100]  }
0x3f: {  	s30 =	sand.u32 $0x3FFFF800, s31  }
0x40: {  	v18 =	vld [tilespmem:s30+$0x500]  }
0x41: {  	v19 =	vld [tilespmem:s30+$0x510]  }
0x42: {  	v20 =	vld [tilespmem:s30+$0x520]  }
0x43: {  	v22 =	vld [tilespmem:s30+$0x530];
	v21 =	vperm.xlane v17, v1  }
0x44: {  	v23 =	vld [tilespmem:s30+$0x540]  }
0x45: {  	v24 =	vld [tilespmem:s30+$0x550];
	v18 =	vmul.f32 v18, v21  }
0x46: {  	v25 =	vld [tilespmem:s30+$0x560];
	v19 =	vmul.f32 v19, v21  }
0x47: {  	v38 =	vld [tilespmem:s30+$0x570];
	[tilespmem:s30+$0x500] =	vst v18;
	v18 =	vmul.f32 v20, v21  }
0x48: {  	v39 =	vld [tilespmem:s30+$0x580];
	[tilespmem:s30+$0x510] =	vst v19;
	v19 =	vmul.f32 v22, v21  }
0x49: {  	v40 =	vld [tilespmem:s30+$0x590];
	[tilespmem:s30+$0x520] =	vst v18;
	v18 =	vmul.f32 v23, v21  }
0x4a: {  	v41 =	vld [tilespmem:s30+$0x5A0];
	[tilespmem:s30+$0x530] =	vst v19;
	v19 =	vmul.f32 v24, v21  }
0x4b: {  	v26 =	vld [tilespmem:s30+$0x5B0];
	v42 =	vperm.xlane v17, v2;
	[tilespmem:s30+$0x540] =	vst v18;
	v18 =	vmul.f32 v25, v21  }
0x4c: {  	v43 =	vld [tilespmem:s30+$0x5C0];
	[tilespmem:s30+$0x550] =	vst v19;
	v19 =	vmul.f32 v38, v21  }
0x4d: {  	v44 =	vld [tilespmem:s30+$0x5D0];
	[tilespmem:s30+$0x560] =	vst v18;
	v18 =	vmul.f32 v39, v42  }
0x4e: {  	v45 =	vld [tilespmem:s30+$0x5E0];
	[tilespmem:s30+$0x570] =	vst v19;
	v19 =	vmul.f32 v40, v42  }
0x4f: {  	v46 =	vld [tilespmem:s30+$0x5F0];
	[tilespmem:s30+$0x580] =	vst v18;
	v18 =	vmul.f32 v41, v42  }
0x50: {  	v47 =	vld [tilespmem:s30+$0x600];
	[tilespmem:s30+$0x590] =	vst v19;
	v19 =	vmul.f32 v26, v42  }
0x51: {  	v48 =	vld [tilespmem:s30+$0x610];
	[tilespmem:s30+$0x5A0] =	vst v18;
	v18 =	vmul.f32 v43, v42  }
0x52: {  	v49 =	vld [tilespmem:s30+$0x620];
	[tilespmem:s30+$0x5B0] =	vst v19;
	v19 =	vmul.f32 v44, v42  }
0x53: {  	v51 =	vld [tilespmem:s30+$0x630];
	v50 =	vperm.xlane v17, v3;
	[tilespmem:s30+$0x5C0] =	vst v18;
	v18 =	vmul.f32 v45, v42  }
0x54: {  	v52 =	vld [tilespmem:s30+$0x640];
	[tilespmem:s30+$0x5D0] =	vst v19;
	v19 =	vmul.f32 v46, v42  }
0x55: {  	v53 =	vld [tilespmem:s30+$0x650];
	[tilespmem:s30+$0x5E0] =	vst v18;
	v18 =	vmul.f32 v47, v50  }
0x56: {  	v54 =	vld [tilespmem:s30+$0x660];
	[tilespmem:s30+$0x5F0] =	vst v19;
	v19 =	vmul.f32 v48, v50  }
0x57: {  	v55 =	vld [tilespmem:s30+$0x670];
	[tilespmem:s30+$0x600] =	vst v18;
	v18 =	vmul.f32 v49, v50  }
0x58: {  	v56 =	vld [tilespmem:s30+$0x680];
	[tilespmem:s30+$0x610] =	vst v19;
	v19 =	vmul.f32 v51, v50  }
0x59: {  	v57 =	vld [tilespmem:s30+$0x690];
	[tilespmem:s30+$0x620] =	vst v18;
	v18 =	vmul.f32 v52, v50  }
0x5a: {  	v58 =	vld [tilespmem:s30+$0x6A0];
	[tilespmem:s30+$0x630] =	vst v19;
	v19 =	vmul.f32 v53, v50  }
0x5b: {  	v60 =	vld [tilespmem:s30+$0x6B0];
	v59 =	vperm.xlane v17, v4;
	[tilespmem:s30+$0x640] =	vst v18;
	v18 =	vmul.f32 v54, v50  }
0x5c: {  	v61 =	vld [tilespmem:s30+$0x6C0];
	[tilespmem:s30+$0x650] =	vst v19;
	v19 =	vmul.f32 v55, v50  }
0x5d: {  	v62 =	vld [tilespmem:s30+$0x6D0];
	[tilespmem:s30+$0x660] =	vst v18;
	v18 =	vmul.f32 v56, v59  }
0x5e: {  	v63 =	vld [tilespmem:s30+$0x6E0];
	[tilespmem:s30+$0x670] =	vst v19;
	v19 =	vmul.f32 v57, v59  }
0x5f: {  	v28 =	vld [tilespmem:s30+$0x6F0];
	[tilespmem:s30+$0x680] =	vst v18;
	v18 =	vmul.f32 v58, v59  }
0x60: {  	v29 =	vld [tilespmem:s30+$0x700];
	[tilespmem:s30+$0x690] =	vst v19;
	v19 =	vmul.f32 v60, v59  }
0x61: {  	v30 =	vld [tilespmem:s30+$0x710];
	[tilespmem:s30+$0x6A0] =	vst v18;
	v18 =	vmul.f32 v61, v59  }
0x62: {  	v31 =	vld [tilespmem:s30+$0x720];
	[tilespmem:s30+$0x6B0] =	vst v19;
	v19 =	vmul.f32 v62, v59  }
0x63: {  	v33 =	vld [tilespmem:s30+$0x730];
	v32 =	vperm.xlane v17, v5;
	[tilespmem:s30+$0x6C0] =	vst v18;
	v18 =	vmul.f32 v63, v59  }
0x64: {  	v34 =	vld [tilespmem:s30+$0x740];
	[tilespmem:s30+$0x6D0] =	vst v19;
	v19 =	vmul.f32 v28, v59  }
0x65: {  	v35 =	vld [tilespmem:s30+$0x750];
	[tilespmem:s30+$0x6E0] =	vst v18;
	v18 =	vmul.f32 v29, v32  }
0x66: {  	v36 =	vld [tilespmem:s30+$0x760];
	[tilespmem:s30+$0x6F0] =	vst v19;
	v19 =	vmul.f32 v30, v32  }
0x67: {  	v37 =	vld [tilespmem:s30+$0x770];
	[tilespmem:s30+$0x700] =	vst v18;
	v18 =	vmul.f32 v31, v32  }
0x68: {  	v38 =	vld [tilespmem:s30+$0x780];
	[tilespmem:s30+$0x710] =	vst v19;
	v19 =	vmul.f32 v33, v32  }
0x69: {  	v39 =	vld [tilespmem:s30+$0x790];
	[tilespmem:s30+$0x720] =	vst v18;
	v18 =	vmul.f32 v34, v32  }
0x6a: {  	v40 =	vld [tilespmem:s30+$0x7A0];
	[tilespmem:s30+$0x730] =	vst v19;
	v19 =	vmul.f32 v35, v32  }
0x6b: {  	v41 =	vperm.xlane v17, v6;
	v42 =	vld [tilespmem:s30+$0x7B0];
	[tilespmem:s30+$0x740] =	vst v18;
	v18 =	vmul.f32 v36, v32  }
0x6c: {  	v43 =	vld [tilespmem:s30+$0x7C0];
	[tilespmem:s30+$0x750] =	vst v19;
	v19 =	vmul.f32 v37, v32  }
0x6d: {  	v44 =	vld [tilespmem:s30+$0x7D0];
	[tilespmem:s30+$0x760] =	vst v18;
	v18 =	vmul.f32 v38, v41  }
0x6e: {  	v45 =	vld [tilespmem:s30+$0x7E0];
	[tilespmem:s30+$0x770] =	vst v19;
	v19 =	vmul.f32 v39, v41  }
0x6f: {  	v46 =	vld [tilespmem:s30+$0x7F0];
	[tilespmem:s30+$0x780] =	vst v18;
	v18 =	vmul.f32 v40, v41  }
0x70: {  	v47 =	vld [tilespmem:s30+$0x800];
	[tilespmem:s30+$0x790] =	vst v19;
	v19 =	vmul.f32 v42, v41  }
0x71: {  	v48 =	vld [tilespmem:s30+$0x810];
	[tilespmem:s30+$0x7A0] =	vst v18;
	v18 =	vmul.f32 v43, v41  }
0x72: {  	v49 =	vld [tilespmem:s30+$0x820];
	[tilespmem:s30+$0x7B0] =	vst v19;
	v19 =	vmul.f32 v44, v41  }
0x73: {  	v51 =	vld [tilespmem:s30+$0x830];
	v50 =	vperm.xlane v17, v7;
	[tilespmem:s30+$0x7C0] =	vst v18;
	v18 =	vmul.f32 v45, v41  }
0x74: {  	v52 =	vld [tilespmem:s30+$0x840];
	[tilespmem:s30+$0x7D0] =	vst v19;
	v19 =	vmul.f32 v46, v41  }
0x75: {  	v53 =	vld [tilespmem:s30+$0x850];
	[tilespmem:s30+$0x7E0] =	vst v18;
	v18 =	vmul.f32 v47, v50  }
0x76: {  	v54 =	vld [tilespmem:s30+$0x860];
	[tilespmem:s30+$0x7F0] =	vst v19;
	v19 =	vmul.f32 v48, v50  }
0x77: {  	v55 =	vld [tilespmem:s30+$0x870];
	[tilespmem:s30+$0x800] =	vst v18;
	v18 =	vmul.f32 v49, v50  }
0x78: {  	v56 =	vld [tilespmem:s30+$0x880];
	[tilespmem:s30+$0x810] =	vst v19;
	v19 =	vmul.f32 v51, v50  }
0x79: {  	v57 =	vld [tilespmem:s30+$0x890];
	[tilespmem:s30+$0x820] =	vst v18;
	v18 =	vmul.f32 v52, v50  }
0x7a: {  	v58 =	vld [tilespmem:s30+$0x8A0];
	[tilespmem:s30+$0x830] =	vst v19;
	v19 =	vmul.f32 v53, v50  }
0x7b: {  	v60 =	vld [tilespmem:s30+$0x8B0];
	v59 =	vperm.xlane v17, v8;
	[tilespmem:s30+$0x840] =	vst v18;
	v18 =	vmul.f32 v54, v50  }
0x7c: {  	v61 =	vld [tilespmem:s30+$0x8C0];
	[tilespmem:s30+$0x850] =	vst v19;
	v19 =	vmul.f32 v55, v50  }
0x7d: {  	v62 =	vld [tilespmem:s30+$0x8D0];
	[tilespmem:s30+$0x860] =	vst v18;
	v18 =	vmul.f32 v56, v59  }
0x7e: {  	v63 =	vld [tilespmem:s30+$0x8E0];
	[tilespmem:s30+$0x870] =	vst v19;
	v19 =	vmul.f32 v57, v59  }
0x7f: {  	v28 =	vld [tilespmem:s30+$0x8F0];
	[tilespmem:s30+$0x880] =	vst v18;
	v18 =	vmul.f32 v58, v59  }
0x80: {  	v29 =	vld [tilespmem:s30+$0x900];
	[tilespmem:s30+$0x890] =	vst v19;
	v19 =	vmul.f32 v60, v59  }
0x81: {  	v30 =	vld [tilespmem:s30+$0x910];
	[tilespmem:s30+$0x8A0] =	vst v18;
	v18 =	vmul.f32 v61, v59  }
0x82: {  	v31 =	vld [tilespmem:s30+$0x920];
	[tilespmem:s30+$0x8B0] =	vst v19;
	v19 =	vmul.f32 v62, v59  }
0x83: {  	v33 =	vld [tilespmem:s30+$0x930];
	v32 =	vperm.xlane v17, v9;
	[tilespmem:s30+$0x8C0] =	vst v18;
	v18 =	vmul.f32 v63, v59  }
0x84: {  	v34 =	vld [tilespmem:s30+$0x940];
	[tilespmem:s30+$0x8D0] =	vst v19;
	v19 =	vmul.f32 v28, v59  }
0x85: {  	v35 =	vld [tilespmem:s30+$0x950];
	[tilespmem:s30+$0x8E0] =	vst v18;
	v18 =	vmul.f32 v29, v32  }
0x86: {  	v36 =	vld [tilespmem:s30+$0x960];
	[tilespmem:s30+$0x8F0] =	vst v19;
	v19 =	vmul.f32 v30, v32  }
0x87: {  	v37 =	vld [tilespmem:s30+$0x970];
	[tilespmem:s30+$0x900] =	vst v18;
	v18 =	vmul.f32 v31, v32  }
0x88: {  	v38 =	vld [tilespmem:s30+$0x980];
	[tilespmem:s30+$0x910] =	vst v19;
	v19 =	vmul.f32 v33, v32  }
0x89: {  	v39 =	vld [tilespmem:s30+$0x990];
	[tilespmem:s30+$0x920] =	vst v18;
	v18 =	vmul.f32 v34, v32  }
0x8a: {  	v40 =	vld [tilespmem:s30+$0x9A0];
	[tilespmem:s30+$0x930] =	vst v19;
	v19 =	vmul.f32 v35, v32  }
0x8b: {  	v42 =	vld [tilespmem:s30+$0x9B0];
	v41 =	vperm.xlane v17, v10;
	[tilespmem:s30+$0x940] =	vst v18;
	v18 =	vmul.f32 v36, v32  }
0x8c: {  	v43 =	vld [tilespmem:s30+$0x9C0];
	[tilespmem:s30+$0x950] =	vst v19;
	v19 =	vmul.f32 v37, v32  }
0x8d: {  	v44 =	vld [tilespmem:s30+$0x9D0];
	[tilespmem:s30+$0x960] =	vst v18;
	v18 =	vmul.f32 v38, v41  }
0x8e: {  	v45 =	vld [tilespmem:s30+$0x9E0];
	[tilespmem:s30+$0x970] =	vst v19;
	v19 =	vmul.f32 v39, v41  }
0x8f: {  	v46 =	vld [tilespmem:s30+$0x9F0];
	[tilespmem:s30+$0x980] =	vst v18;
	v18 =	vmul.f32 v40, v41  }
0x90: {  	v47 =	vld [tilespmem:s30+$0xA00];
	[tilespmem:s30+$0x990] =	vst v19;
	v19 =	vmul.f32 v42, v41  }
0x91: {  	v48 =	vld [tilespmem:s30+$0xA10];
	[tilespmem:s30+$0x9A0] =	vst v18;
	v18 =	vmul.f32 v43, v41  }
0x92: {  	v49 =	vld [tilespmem:s30+$0xA20];
	[tilespmem:s30+$0x9B0] =	vst v19;
	v19 =	vmul.f32 v44, v41  }
0x93: {  	v51 =	vld [tilespmem:s30+$0xA30];
	v50 =	vperm.xlane v17, v11;
	[tilespmem:s30+$0x9C0] =	vst v18;
	v18 =	vmul.f32 v45, v41  }
0x94: {  	v52 =	vld [tilespmem:s30+$0xA40];
	[tilespmem:s30+$0x9D0] =	vst v19;
	v19 =	vmul.f32 v46, v41  }
0x95: {  	v53 =	vld [tilespmem:s30+$0xA50];
	[tilespmem:s30+$0x9E0] =	vst v18;
	v18 =	vmul.f32 v47, v50  }
0x96: {  	v54 =	vld [tilespmem:s30+$0xA60];
	[tilespmem:s30+$0x9F0] =	vst v19;
	v19 =	vmul.f32 v48, v50  }
0x97: {  	v55 =	vld [tilespmem:s30+$0xA70];
	[tilespmem:s30+$0xA00] =	vst v18;
	v18 =	vmul.f32 v49, v50  }
0x98: {  	v56 =	vld [tilespmem:s30+$0xA80];
	[tilespmem:s30+$0xA10] =	vst v19;
	v19 =	vmul.f32 v51, v50  }
0x99: {  	v57 =	vld [tilespmem:s30+$0xA90];
	[tilespmem:s30+$0xA20] =	vst v18;
	v18 =	vmul.f32 v52, v50  }
0x9a: {  	v58 =	vld [tilespmem:s30+$0xAA0];
	[tilespmem:s30+$0xA30] =	vst v19;
	v19 =	vmul.f32 v53, v50  }
0x9b: {  	v60 =	vld [tilespmem:s30+$0xAB0];
	v59 =	vperm.xlane v17, v12;
	[tilespmem:s30+$0xA40] =	vst v18;
	v18 =	vmul.f32 v54, v50  }
0x9c: {  	v61 =	vld [tilespmem:s30+$0xAC0];
	[tilespmem:s30+$0xA50] =	vst v19;
	v19 =	vmul.f32 v55, v50  }
0x9d: {  	v62 =	vld [tilespmem:s30+$0xAD0];
	[tilespmem:s30+$0xA60] =	vst v18;
	v18 =	vmul.f32 v56, v59  }
0x9e: {  	v63 =	vld [tilespmem:s30+$0xAE0];
	[tilespmem:s30+$0xA70] =	vst v19;
	v19 =	vmul.f32 v57, v59  }
0x9f: {  	v28 =	vld [tilespmem:s30+$0xAF0];
	[tilespmem:s30+$0xA80] =	vst v18;
	v18 =	vmul.f32 v58, v59  }
0xa0: {  	v29 =	vld [tilespmem:s30+$0xB00];
	[tilespmem:s30+$0xA90] =	vst v19;
	v19 =	vmul.f32 v60, v59  }
0xa1: {  	v30 =	vld [tilespmem:s30+$0xB10];
	[tilespmem:s30+$0xAA0] =	vst v18;
	v18 =	vmul.f32 v61, v59  }
0xa2: {  	v31 =	vld [tilespmem:s30+$0xB20];
	[tilespmem:s30+$0xAB0] =	vst v19;
	v19 =	vmul.f32 v62, v59  }
0xa3: {  	v33 =	vld [tilespmem:s30+$0xB30];
	v32 =	vperm.xlane v17, v13;
	[tilespmem:s30+$0xAC0] =	vst v18;
	v18 =	vmul.f32 v63, v59  }
0xa4: {  	v34 =	vld [tilespmem:s30+$0xB40];
	[tilespmem:s30+$0xAD0] =	vst v19;
	v19 =	vmul.f32 v28, v59  }
0xa5: {  	v35 =	vld [tilespmem:s30+$0xB50];
	[tilespmem:s30+$0xAE0] =	vst v18;
	v18 =	vmul.f32 v29, v32  }
0xa6: {  	v36 =	vld [tilespmem:s30+$0xB60];
	[tilespmem:s30+$0xAF0] =	vst v19;
	v19 =	vmul.f32 v30, v32  }
0xa7: {  	v37 =	vld [tilespmem:s30+$0xB70];
	[tilespmem:s30+$0xB00] =	vst v18;
	v18 =	vmul.f32 v31, v32  }
0xa8: {  	v38 =	vld [tilespmem:s30+$0xB80];
	[tilespmem:s30+$0xB10] =	vst v19;
	v19 =	vmul.f32 v33, v32  }
0xa9: {  	v39 =	vld [tilespmem:s30+$0xB90];
	[tilespmem:s30+$0xB20] =	vst v18;
	v18 =	vmul.f32 v34, v32  }
0xaa: {  	v40 =	vld [tilespmem:s30+$0xBA0];
	[tilespmem:s30+$0xB30] =	vst v19;
	v19 =	vmul.f32 v35, v32  }
0xab: {  	v42 =	vld [tilespmem:s30+$0xBB0];
	v41 =	vperm.xlane v17, v14;
	[tilespmem:s30+$0xB40] =	vst v18;
	v18 =	vmul.f32 v36, v32  }
0xac: {  	v43 =	vld [tilespmem:s30+$0xBC0];
	[tilespmem:s30+$0xB50] =	vst v19;
	v19 =	vmul.f32 v37, v32  }
0xad: {  	v44 =	vld [tilespmem:s30+$0xBD0];
	[tilespmem:s30+$0xB60] =	vst v18;
	v18 =	vmul.f32 v38, v41  }
0xae: {  	v45 =	vld [tilespmem:s30+$0xBE0];
	[tilespmem:s30+$0xB70] =	vst v19;
	v19 =	vmul.f32 v39, v41  }
0xaf: {  	v46 =	vld [tilespmem:s30+$0xBF0];
	[tilespmem:s30+$0xB80] =	vst v18;
	v18 =	vmul.f32 v40, v41  }
0xb0: {  	v47 =	vld [tilespmem:s30+$0xC00];
	[tilespmem:s30+$0xB90] =	vst v19;
	v19 =	vmul.f32 v42, v41  }
0xb1: {  	v48 =	vld [tilespmem:s30+$0xC10];
	[tilespmem:s30+$0xBA0] =	vst v18;
	v18 =	vmul.f32 v43, v41  }
0xb2: {  	v49 =	vld [tilespmem:s30+$0xC20];
	[tilespmem:s30+$0xBB0] =	vst v19;
	v19 =	vmul.f32 v44, v41  }
0xb3: {  	v51 =	vld [tilespmem:s30+$0xC30];
	v50 =	vperm.xlane v17, v15;
	[tilespmem:s30+$0xBC0] =	vst v18;
	v18 =	vmul.f32 v45, v41  }
0xb4: {  	v52 =	vld [tilespmem:s30+$0xC40];
	[tilespmem:s30+$0xBD0] =	vst v19;
	v19 =	vmul.f32 v46, v41  }
0xb5: {  	v53 =	vld [tilespmem:s30+$0xC50];
	[tilespmem:s30+$0xBE0] =	vst v18;
	v18 =	vmul.f32 v47, v50  }
0xb6: {  	v54 =	vld [tilespmem:s30+$0xC60];
	[tilespmem:s30+$0xBF0] =	vst v19;
	v19 =	vmul.f32 v48, v50  }
0xb7: {  	v55 =	vld [tilespmem:s30+$0xC70];
	[tilespmem:s30+$0xC00] =	vst v18;
	v18 =	vmul.f32 v49, v50  }
0xb8: {  	v56 =	vld [tilespmem:s30+$0xC80];
	[tilespmem:s30+$0xC10] =	vst v19;
	v19 =	vmul.f32 v51, v50  }
0xb9: {  	v57 =	vld [tilespmem:s30+$0xC90];
	[tilespmem:s30+$0xC20] =	vst v18;
	v18 =	vmul.f32 v52, v50  }
0xba: {  	v58 =	vld [tilespmem:s30+$0xCA0];
	[tilespmem:s30+$0xC30] =	vst v19;
	v19 =	vmul.f32 v53, v50  }
0xbb: {  	v17 =	vperm.xlane v17, v16;
	v59 =	vld [tilespmem:s30+$0xCB0];
	[tilespmem:s30+$0xC40] =	vst v18;
	v18 =	vmul.f32 v54, v50  }
0xbc: {  	v60 =	vld [tilespmem:s30+$0xCC0];
	[tilespmem:s30+$0xC50] =	vst v19;
	v19 =	vmul.f32 v55, v50  }
0xbd: {  	v61 =	vld [tilespmem:s30+$0xCD0];
	[tilespmem:s30+$0xC60] =	vst v18;
	v18 =	vmul.f32 v56, v17  }
0xbe: {  	v62 =	vld [tilespmem:s30+$0xCE0];
	[tilespmem:s30+$0xC70] =	vst v19;
	v19 =	vmul.f32 v57, v17  }
0xbf: {  	v63 =	vld [tilespmem:s30+$0xCF0];
	[tilespmem:s30+$0xC80] =	vst v18;
	v18 =	vmul.f32 v58, v17  }
0xc0: {  	[tilespmem:s30+$0xC90] =	vst v19;
	v19 =	vmul.f32 v59, v17  }
0xc1: {  	p0 =	sne.s32 s29, $0x7;
	[tilespmem:s30+$0xCA0] =	vst v18;
	v18 =	vmul.f32 v60, v17  }
.Ltmp1:
0xc2: {  	[tilespmem:s30+$0xCB0] =	vst v19;
	v19 =	vmul.f32 v61, v17;
	(pc) =	sbr.rel @p0 .LBB2_5-.Ltmp1, $4  }
0xc3: {  	[tilespmem:s30+$0xCC0] =	vst v18;
	v18 =	vmul.f32 v62, v17  }
0xc4: {  	[tilespmem:s30+$0xCD0] =	vst v19;
	v17 =	vmul.f32 v63, v17  }
0xc5: {  	[tilespmem:s30+$0xCE0] =	vst v18  }
0xc6: {  	s29 =	sadd.s32 $0x1, s29;
	[tilespmem:s30+$0xCF0] =	vst v17  }
0xc7: {  	s28 =	sadd.s32 $0x1, s28  }
0xc8: {  	p0 =	sne.s32 s28, $0x4F  }
.Ltmp2:
0xc9: {  	_ = 	snop;
	(pc) =	sbr.rel @p0 .LBB2_4-.Ltmp2, $4  }
0xca: {  	[spmem:s2] =	stream.indirect.scatter.add.f32 [tilespmem:s20], [sflag:$0x2], $0x80, s23, s23, $0xb8;
	[tilespmem:$0x18500] =	vst v63  }
0xcb: {  	_ =	swait.ge [sflag:s21], $0x4000  }
0xcc: {  	[sflag:s21] =	ssyncset.done $0x0  }
0xcd: {  	[sflag:s21] =	ssyncadd.s32 $0xFFFFC000  }
0xce: {  	[bflag:$0x0] =	sbarrier.arrive $0xFFFF  }
0xcf: {  	[tilespmem:s20], [sflag:$0x2] =	stream.linear.gather [spmem:s8], $0x4000, $0x38;
	[tilespmem:$0x18500] =	vst v63  }
0xd0: {  	_ =	swait.ge [sflag:s21], $0x4000  }
0xd1: {  	[sflag:s21] =	ssyncset.done $0x0  }
0xd2: {  	[sflag:s21] =	ssyncadd.s32 $0xFFFFC000  }
0xd3: {  	[hbm4b:s15+s3] =	stream.linear.scatter [tilespmem:s20], [sflag:$0x2], $0x4000, $0x38;
	[tilespmem:$0x18500] =	vst v63  }
0xd4: {  	_ =	swait.ge [sflag:s21], $0x4000  }
0xd5: {  	[sflag:s21] =	ssyncset.done $0x0  }
0xd6: {  	[sflag:s21] =	ssyncadd.s32 $0xFFFFC000  }
0xd7: {  	[tilespmem:s20], [sflag:$0x2] =	stream.linear.gather [spmem:s11], $0x4000, $0x38;
	[tilespmem:$0x18500] =	vst v63  }
0xd8: {  	_ =	swait.ge [sflag:s21], $0x4000  }
0xd9: {  	[sflag:s21] =	ssyncset.done $0x0  }
0xda: {  	[sflag:s21] =	ssyncadd.s32 $0xFFFFC000  }
0xdb: {  	[hbm4b:s16+s3] =	stream.linear.scatter [tilespmem:s20], [sflag:$0x2], $0x4000, $0x38;
	[tilespmem:$0x18500] =	vst v63  }
0xdc: {  	_ =	swait.ge [sflag:s21], $0x4000  }
0xdd: {  	[sflag:s21] =	ssyncset.done $0x0  }
0xde: {  	[sflag:s21] =	ssyncadd.s32 $0xFFFFC000  }
0xdf: {  	[tilespmem:s20], [sflag:$0x2] =	stream.linear.gather [spmem:s12], $0x4000, $0x38;
	[tilespmem:$0x18500] =	vst v63  }
0xe0: {  	_ =	swait.ge [sflag:s21], $0x4000  }
0xe1: {  	[sflag:s21] =	ssyncset.done $0x0  }
0xe2: {  	[sflag:s21] =	ssyncadd.s32 $0xFFFFC000  }
0xe3: {  	[hbm4b:s17+s3] =	stream.linear.scatter [tilespmem:s20], [sflag:$0x2], $0x4000, $0x38;
	[tilespmem:$0x18500] =	vst v63  }
0xe4: {  	_ =	swait.ge [sflag:s21], $0x4000  }
0xe5: {  	[sflag:s21] =	ssyncset.done $0x0  }
0xe6: {  	[sflag:s21] =	ssyncadd.s32 $0xFFFFC000  }
0xe7: {  	[tilespmem:s20], [sflag:$0x2] =	stream.linear.gather [spmem:s13], $0x4000, $0x38;
	[tilespmem:$0x18500] =	vst v63  }
0xe8: {  	_ =	swait.ge [sflag:s21], $0x4000  }
0xe9: {  	[sflag:s21] =	ssyncset.done $0x0  }
0xea: {  	[sflag:s21] =	ssyncadd.s32 $0xFFFFC000  }
0xeb: {  	[hbm4b:s18+s3] =	stream.linear.scatter [tilespmem:s20], [sflag:$0x2], $0x4000, $0x38;
	[tilespmem:$0x18500] =	vst v63  }
0xec: {  	_ =	swait.ge [sflag:s21], $0x4000  }
0xed: {  	[sflag:s21] =	ssyncset.done $0x0  }
0xee: {  	[sflag:s21] =	ssyncadd.s32 $0xFFFFC000  }
0xef: {  	[tilespmem:s20], [sflag:$0x2] =	stream.linear.gather [spmem:s14], $0x4000, $0x38;
	[tilespmem:$0x18500] =	vst v63  }
0xf0: {  	s25 =	sadd.s32 $0x1, s25;
	_ =	swait.ge [sflag:s21], $0x4000  }
0xf1: {  	p0 =	sne.s32 s25, s10;
	[sflag:s21] =	ssyncset.done $0x0  }
.Ltmp3:
0xf2: {  	[sflag:s21] =	ssyncadd.s32 $0xFFFFC000;
	(pc) =	sbr.rel @p0 .LBB2_1-.Ltmp3, $4  }
0xf3: {  	[hbm4b:s19+s3] =	stream.linear.scatter [tilespmem:s20], [sflag:$0x2], $0x4000, $0x38;
	[tilespmem:$0x18500] =	vst v63  }
0xf4: {  	_ =	swait.ge [sflag:s21], $0x4000  }
0xf5: {  	[sflag:s21] =	ssyncset.done $0x0  }
0xf6: {  	[sflag:s21] =	ssyncadd.s32 $0xFFFFC000  }
0xf7: {  	_ =	sfence.sel $0x180000  }
0xf8: {  	[bflag:$0x0] =	sbarrier.arrive $0xFFFF  }
0xf9: {  	p0 =	sne.s32 s1, $0x0;
	_ =	strace $0x9000004A  }
0xfa: {  	s0 =	sadd.s32 @!p0 $0x100000, s0;
	[bflag:$0x2] =	sbarrier.arrive $0xFFFF  }
0xfb: {  	[sflag:s0] =	ssyncadd.tile.s32 @!p0 $0x1;
	_ =	shalt  }
.Lfunc_end2:
_tile_overlayer_lowered:
.L_overlay_start_2:
0xfc: {  	(tag) =	ssettag $0x2  }
0xfd: {  	s0 =	rddreg [dreg:$0x0];
	s2 =	stileid.u32  }
0xfe: {  	s1 =	rddreg [dreg:$0x1];
	p0 =	sne.s32 s2, $0x0  }
0xff: {  	s3 =	rddreg [dreg:$0x2];
	[bflag:$0x3] =	sbarrier.arrive $0xFFFF;
	s2 =	simm.s32 @!p0 $0x1C02  }
0x100: {  	[timem:s3], [sflag:s2] =	dma.local @!p0 [hbm:s0], s1  }
0x101: {  	s0 =	simm.s32 @!p0 $0x2  }
0x102: {  	_ =	swait.ge @!p0 [sflag:s0], s1  }
0x103: {  	s1 =	ssub.s32 @!p0 $0x0, s1;
	[sflag:s0] =	ssyncset.done @!p0 $0x0  }
0x104: {  	[sflag:s0] =	ssyncadd.s32 @!p0 s1  }
0x105: {  	[bflag:$0x3] =	sbarrier.arrive $0xFFFF  }
0x106: {  	_ =	shalt  }

</sc_bundles>
